<compile_context>
chip_gen: v7x
topology: tpu7x:2x2x1
jax: 0.10.2.dev20260603
libtpu: 0.0.44.dev20260713+nightly
codegen_flags: <defaults>
</compile_context>

<pallas_src>
import jax
import jax.numpy as jnp
from jax import lax
from jax.experimental import pallas as pl
from jax.experimental.pallas import tpu as pltpu
from jax.experimental.pallas import tpu_sc as plsc

_F = 128
_Q = 65536
_B = 4096

_NC = 2
_NS = 16
_NW = _NC * _NS
_L = 16

_CPW = _B // _NW
_NB = 16
_BH = _F // _NB


def _slab_body(feat_hbm, slab_hbm, fbuf, tbuf, fsem, osem):
    cid = lax.axis_index("c")
    sid = lax.axis_index("s")
    wid = sid * _NC + cid
    c0 = wid * _CPW

    pltpu.async_copy(feat_hbm.at[pl.ds(c0, _CPW), :], fbuf, fsem).wait()

    iot = jnp.arange(_L, dtype=jnp.int32)

    def _tbody(m, carry):
        j0 = (m // 8) * _L
        f0 = (m % 8) * _L
        jv = j0 + iot
        for d in range(_L):
            fv = f0 + ((iot + d) & (_L - 1))
            v = plsc.load_gather(fbuf, [jv, fv])
            plsc.store_scatter(tbuf, [fv // _BH, fv % _BH, jv], v)
        return carry

    lax.fori_loop(0, (_CPW // _L) * (_F // _L), _tbody, 0)

    ods = [
        pltpu.async_copy(
            tbuf.at[b],
            slab_hbm.at[pl.ds(b * _BH, _BH), pl.ds(c0, _CPW)],
            osem,
        )
        for b in range(_NB)
    ]
    for d in ods:
        d.wait()


def _make_slab_kernel():
    return pl.kernel(
        _slab_body,
        out_type=jax.ShapeDtypeStruct((_F, _B), jnp.float32),
        mesh=plsc.VectorSubcoreMesh(core_axis_name="c", subcore_axis_name="s"),
        compiler_params=pltpu.CompilerParams(needs_layout_passes=False),
        scratch_types=[
            pltpu.VMEM((_CPW, _F), jnp.float32),
            pltpu.VMEM((_NB, _BH, _CPW), jnp.float32),
            pltpu.SemaphoreType.DMA,
            pltpu.SemaphoreType.DMA,
        ],
    )


_NCH = _NB
_TNBUF = 6
_TAHEAD = 2
_MCH = 1024
_MNCH = _B // _MCH
_MNBUF = 4


def _copy_body(q_ref, o_ref, *rest):
    bufs = rest[:_TNBUF]
    rsem, wsem = rest[_TNBUF:]

    def _src(k):
        return q_ref.at[pl.ds(k * _BH, _BH), pl.ds(_B, _Q - _B)]

    def _dst(k):
        return o_ref.at[pl.ds(k * _BH, _BH), pl.ds(_B, _Q - _B)]

    rd = {}
    wd = {}
    for i in range(_TAHEAD + 1):
        rd[i] = pltpu.make_async_copy(_src(i), bufs[i], rsem)
        rd[i].start()
    for k in range(_NCH):
        s = k % _TNBUF
        kn = k + _TAHEAD + 1
        if kn < _NCH:
            sn = kn % _TNBUF
            if kn >= _TNBUF:
                wd[sn].wait()
            rd[sn] = pltpu.make_async_copy(_src(kn), bufs[sn], rsem)
            rd[sn].start()
        rd[s].wait()
        wd[s] = pltpu.make_async_copy(bufs[s], _dst(k), wsem)
        wd[s].start()
    for k in range(max(0, _NCH - _TNBUF), _NCH):
        wd[k % _TNBUF].wait()


def _merge_body(slab_ref, prev_ref, o_ref, *rest):
    del prev_ref
    bufs = rest[:_MNBUF]
    rsem, wsem = rest[_MNBUF:]
    rd = {}
    wd = {}
    for i in range(_MNCH):
        rd[i] = pltpu.make_async_copy(
            slab_ref.at[:, pl.ds(i * _MCH, _MCH)], bufs[i], rsem
        )
        rd[i].start()
    for k in range(_MNCH):
        rd[k].wait()
        wd[k] = pltpu.make_async_copy(
            bufs[k], o_ref.at[:, pl.ds(k * _MCH, _MCH)], wsem
        )
        wd[k].start()
    for k in range(_MNCH):
        wd[k].wait()


def kernel(features, queue):
    slab = _make_slab_kernel()(features)
    out1 = pl.pallas_call(
        _copy_body,
        in_specs=[pl.BlockSpec(memory_space=pl.ANY)],
        out_specs=pl.BlockSpec(memory_space=pl.ANY),
        out_shape=jax.ShapeDtypeStruct((_F, _Q), jnp.float32),
        scratch_shapes=(
            [pltpu.VMEM((_BH, _Q - _B), jnp.float32) for _ in range(_TNBUF)]
            + [pltpu.SemaphoreType.DMA, pltpu.SemaphoreType.DMA]
        ),
    )(queue)
    out = pl.pallas_call(
        _merge_body,
        in_specs=[
            pl.BlockSpec(memory_space=pl.ANY),
            pl.BlockSpec(memory_space=pl.ANY),
        ],
        out_specs=pl.BlockSpec(memory_space=pl.ANY),
        out_shape=jax.ShapeDtypeStruct((_F, _Q), jnp.float32),
        scratch_shapes=(
            [pltpu.VMEM((_F, _MCH), jnp.float32) for _ in range(_MNBUF)]
            + [pltpu.SemaphoreType.DMA, pltpu.SemaphoreType.DMA]
        ),
        input_output_aliases={1: 0},
    )(slab, out1)
    return out

# --- scband reference (transcript-rebuilt; emitter-appended) ---
"""Pipeline reference for scband-memory-queue-53876069761142 (READ-ONLY COPY).

The authoritative reference and input builder live on the scoring server;
editing this copy changes nothing except your own understanding.
"""

import jax, jax.numpy as jnp
import numpy as np

FEATURE_DIM = 128
QUEUE_SIZE = 65536
BATCH = 4096


def setup_inputs(seed: int = 0) -> dict:
    key = jax.random.key(seed)
    k1, k2 = jax.random.split(key)
    features = jax.random.normal(k1, (BATCH, FEATURE_DIM), dtype=jnp.float32)
    # buffer: queue initialized as normalized gaussian, [feature_dim, queue_size]
    queue = jax.random.normal(k2, (FEATURE_DIM, QUEUE_SIZE), dtype=jnp.float32)
    queue = queue / (jnp.linalg.norm(queue, axis=0, keepdims=True) + 1e-12)
    return {"features": features, "queue": queue}


def reference(features, queue):
    # Faithful translation of MemoryQueue.update with queue_ptr buffer starting at 0.
    batch_size = features.shape[0]
    queue_size = queue.shape[1]
    ptr = 0  # initial value of queue_ptr buffer (closed-over int constant)
    if ptr + batch_size <= queue_size:
        # queue[:, ptr:ptr+B] = features.T  (scatter-overwrite of a column slab)
        new_queue = jax.lax.dynamic_update_slice(queue, features.T, (0, ptr))
        new_ptr = (ptr + batch_size) % queue_size
    else:
        remaining = queue_size - ptr
        new_queue = jax.lax.dynamic_update_slice(queue, features[:remaining].T, (0, ptr))
        new_queue = jax.lax.dynamic_update_slice(new_queue, features[remaining:].T, (0, 0))
        new_ptr = batch_size - remaining
    # get_queue() returns a clone of the updated queue
    return new_queue

if __name__ == "__main__":
    import jax
    _d = setup_inputs()
    print(jax.jit(kernel)(*tuple(_d.values())))

</pallas_src>

<mosaic_0001>
#map = affine_map<(d0, d1) -> (0, 0)>
module attributes {stable_mosaic.version = 14 : i64} {
  func.func @_slab_body(%arg0: i32, %arg1: i32, %arg2: memref<4096x128xf32, #tpu.memory_space<hbm>>, %arg3: memref<128x4096xf32, #tpu.memory_space<hbm>>, %arg4: memref<128x128xf32, #tpu.memory_space<vmem>>, %arg5: memref<16x8x128xf32, #tpu.memory_space<vmem>>, %arg6: memref<!tpu.dma_semaphore, #tpu.memory_space<semaphore_mem>>, %arg7: memref<!tpu.dma_semaphore, #tpu.memory_space<semaphore_mem>>) attributes {dimension_semantics = [#tpu.dimension_semantics<core_parallel>, #tpu.dimension_semantics<subcore_parallel>], iteration_bounds = array<i64: 2, 16>, scalar_prefetch = 0 : i64, scratch_operands = 4 : i64, tpu.core_type = #tpu.core_type<sc_vector_subcore>, window_params = [{transform_indices = #map}, {transform_indices = #map}]} {
    %mul3A = arith.constant 2 : i32
    %mul3A_0 = arith.muli %arg1, %mul3A : i32
    %add3A = arith.addi %mul3A_0, %arg0 : i32
    %mul3A_1 = arith.constant 128 : i32
    %mul3A_2 = arith.muli %add3A, %mul3A_1 : i32
    %dma_start3A = arith.constant 0 : i32
    %dma_start3A_3 = tpu.memref_slice %arg2[%mul3A_2, %dma_start3A] : memref<4096x128xf32, #tpu.memory_space<hbm>> -> memref<128x128xf32, #tpu.memory_space<hbm>>
    %dma_start3A_4 = arith.constant 0 : i32
    %dma_start3A_5 = tpu.memref_slice %arg2[%mul3A_2, %dma_start3A_4] : memref<4096x128xf32, #tpu.memory_space<hbm>> -> memref<128x128xf32, #tpu.memory_space<hbm>>
    tpu.enqueue_dma source(%dma_start3A_5 : memref<128x128xf32, #tpu.memory_space<hbm>>) target(%arg4 : memref<128x128xf32, #tpu.memory_space<vmem>>) target_semaphore(%arg6 : memref<!tpu.dma_semaphore, #tpu.memory_space<semaphore_mem>>)
    %dma_wait3A = arith.constant 0 : i32
    %dma_wait3A_6 = tpu.memref_slice %arg2[%mul3A_2, %dma_wait3A] : memref<4096x128xf32, #tpu.memory_space<hbm>> -> memref<128x128xf32, #tpu.memory_space<hbm>>
    %dma_wait3A_7 = arith.constant 0 : i32
    %dma_wait3A_8 = tpu.memref_slice %arg2[%mul3A_2, %dma_wait3A_7] : memref<4096x128xf32, #tpu.memory_space<hbm>> -> memref<128x128xf32, #tpu.memory_space<hbm>>
    tpu.wait_dma2 semaphore(%arg6 : memref<!tpu.dma_semaphore, #tpu.memory_space<semaphore_mem>>) src(%dma_wait3A_8 : memref<128x128xf32, #tpu.memory_space<hbm>>) dst(%arg4 : memref<128x128xf32, #tpu.memory_space<vmem>>)
    %iota3A = tpu.iota {dimensions = array<i32: 0>} : vector<16xi32>
    %scan3A = arith.constant 0 : i32
    %scan3A_9 = arith.constant 0 : i32
    %scan3A_10 = arith.constant 64 : i32
    %scan3A_11 = arith.addi %scan3A_9, %scan3A_10 : i32
    %scan3A_12 = arith.constant 1 : i32
    scf.for %scan3A_430 = %scan3A_9 to %scan3A_11 step %scan3A_12  : i32 {
      %jit3A = arith.constant 8 : i32
      %div3A = arith.divsi %scan3A_430, %jit3A : i32
      %sign3A = arith.constant 0 : i32
      %sign3A_431 = arith.cmpi sgt, %scan3A_430, %sign3A : i32
      %sign3A_432 = arith.extui %sign3A_431 : i1 to i32
      %sign3A_433 = arith.constant 0 : i32
      %sign3A_434 = arith.cmpi slt, %scan3A_430, %sign3A_433 : i32
      %sign3A_435 = arith.extui %sign3A_434 : i1 to i32
      %sign3A_436 = arith.subi %sign3A_432, %sign3A_435 : i32
      %sign3A_437 = arith.constant 0 : i32
      %sign3A_438 = arith.cmpi sgt, %jit3A, %sign3A_437 : i32
      %sign3A_439 = arith.extui %sign3A_438 : i1 to i32
      %sign3A_440 = arith.constant 0 : i32
      %sign3A_441 = arith.cmpi slt, %jit3A, %sign3A_440 : i32
      %sign3A_442 = arith.extui %sign3A_441 : i1 to i32
      %sign3A_443 = arith.subi %sign3A_439, %sign3A_442 : i32
      %ne3A = arith.cmpi ne, %sign3A_436, %sign3A_443 : i32
      %rem3A = arith.remsi %scan3A_430, %jit3A : i32
      %ne3A_444 = arith.constant 0 : i32
      %ne3A_445 = arith.cmpi ne, %rem3A, %ne3A_444 : i32
      %and3A = arith.andi %ne3A, %ne3A_445 : i1
      %sub3A = arith.constant 1 : i32
      %sub3A_446 = arith.subi %div3A, %sub3A : i32
      %select_n3A = arith.select %and3A, %sub3A_446, %div3A : i32
      %mul3A_447 = arith.constant 16 : i32
      %mul3A_448 = arith.muli %select_n3A, %mul3A_447 : i32
      %jit3A_449 = arith.constant 8 : i32
      %eq3A = arith.constant 0 : i32
      %eq3A_450 = arith.cmpi eq, %jit3A_449, %eq3A : i32
      %jit3A_451 = arith.constant 1 : i32
      %select_n3A_452 = arith.select %eq3A_450, %jit3A_451, %jit3A_449 : i32
      %rem3A_453 = arith.remsi %scan3A_430, %select_n3A_452 : i32
      %ne3A_454 = arith.constant 0 : i32
      %ne3A_455 = arith.cmpi ne, %rem3A_453, %ne3A_454 : i32
      %lt3A = arith.constant 0 : i32
      %lt3A_456 = arith.cmpi slt, %rem3A_453, %lt3A : i32
      %lt3A_457 = arith.constant 0 : i32
      %lt3A_458 = arith.cmpi slt, %select_n3A_452, %lt3A_457 : i32
      %ne3A_459 = arith.xori %lt3A_456, %lt3A_458 : i1
      %and3A_460 = arith.andi %ne3A_459, %ne3A_455 : i1
      %add3A_461 = arith.addi %rem3A_453, %select_n3A_452 : i32
      %select_n3A_462 = arith.select %and3A_460, %add3A_461, %rem3A_453 : i32
      %mul3A_463 = arith.constant 16 : i32
      %mul3A_464 = arith.muli %select_n3A_462, %mul3A_463 : i32
      %add3A_465 = vector.broadcast %mul3A_448 : i32 to vector<16xi32>
      %add3A_466 = arith.addi %add3A_465, %iota3A : vector<16xi32>
      %add3A_467 = arith.constant 0 : i32
      %add3A_468 = vector.broadcast %add3A_467 : i32 to vector<16xi32>
      %add3A_469 = arith.addi %iota3A, %add3A_468 : vector<16xi32>
      %and3A_470 = arith.constant 15 : i32
      %and3A_471 = vector.broadcast %and3A_470 : i32 to vector<16xi32>
      %and3A_472 = arith.andi %add3A_469, %and3A_471 : vector<16xi32>
      %add3A_473 = vector.broadcast %mul3A_464 : i32 to vector<16xi32>
      %add3A_474 = arith.addi %add3A_473, %and3A_472 : vector<16xi32>
      %gather3A = tpu.vector_load_idx %arg4[%add3A_466, %add3A_474] : memref<128x128xf32, #tpu.memory_space<vmem>>[vector<16xi32>, vector<16xi32>], vector<16xf32>,
      %jit3A_475 = arith.constant 8 : i32
      %div3A_476 = vector.broadcast %jit3A_475 : i32 to vector<16xi32>
      %div3A_477 = arith.divsi %add3A_474, %div3A_476 : vector<16xi32>
      %sign3A_478 = arith.constant 0 : i32
      %sign3A_479 = vector.broadcast %sign3A_478 : i32 to vector<16xi32>
      %sign3A_480 = arith.cmpi sgt, %add3A_474, %sign3A_479 : vector<16xi32>
      %sign3A_481 = arith.extui %sign3A_480 : vector<16xi1> to vector<16xi32>
      %sign3A_482 = arith.constant 0 : i32
      %sign3A_483 = vector.broadcast %sign3A_482 : i32 to vector<16xi32>
      %sign3A_484 = arith.cmpi slt, %add3A_474, %sign3A_483 : vector<16xi32>
      %sign3A_485 = arith.extui %sign3A_484 : vector<16xi1> to vector<16xi32>
      %sign3A_486 = arith.subi %sign3A_481, %sign3A_485 : vector<16xi32>
      %sign3A_487 = arith.constant 0 : i32
      %sign3A_488 = arith.cmpi sgt, %jit3A_475, %sign3A_487 : i32
      %sign3A_489 = arith.extui %sign3A_488 : i1 to i32
      %sign3A_490 = arith.constant 0 : i32
      %sign3A_491 = arith.cmpi slt, %jit3A_475, %sign3A_490 : i32
      %sign3A_492 = arith.extui %sign3A_491 : i1 to i32
      %sign3A_493 = arith.subi %sign3A_489, %sign3A_492 : i32
      %ne3A_494 = vector.broadcast %sign3A_493 : i32 to vector<16xi32>
      %ne3A_495 = arith.cmpi ne, %sign3A_486, %ne3A_494 : vector<16xi32>
      %rem3A_496 = vector.broadcast %jit3A_475 : i32 to vector<16xi32>
      %rem3A_497 = arith.remsi %add3A_474, %rem3A_496 : vector<16xi32>
      %ne3A_498 = arith.constant 0 : i32
      %ne3A_499 = vector.broadcast %ne3A_498 : i32 to vector<16xi32>
      %ne3A_500 = arith.cmpi ne, %rem3A_497, %ne3A_499 : vector<16xi32>
      %and3A_501 = arith.andi %ne3A_495, %ne3A_500 : vector<16xi1>
      %sub3A_502 = arith.constant 1 : i32
      %sub3A_503 = vector.broadcast %sub3A_502 : i32 to vector<16xi32>
      %sub3A_504 = arith.subi %div3A_477, %sub3A_503 : vector<16xi32>
      %select_n3A_505 = arith.select %and3A_501, %sub3A_504, %div3A_477 : vector<16xi1>, vector<16xi32>
      %jit3A_506 = arith.constant 8 : i32
      %eq3A_507 = arith.constant 0 : i32
      %eq3A_508 = arith.cmpi eq, %jit3A_506, %eq3A_507 : i32
      %jit3A_509 = arith.constant 1 : i32
      %select_n3A_510 = arith.select %eq3A_508, %jit3A_509, %jit3A_506 : i32
      %rem3A_511 = vector.broadcast %select_n3A_510 : i32 to vector<16xi32>
      %rem3A_512 = arith.remsi %add3A_474, %rem3A_511 : vector<16xi32>
      %ne3A_513 = arith.constant 0 : i32
      %ne3A_514 = vector.broadcast %ne3A_513 : i32 to vector<16xi32>
      %ne3A_515 = arith.cmpi ne, %rem3A_512, %ne3A_514 : vector<16xi32>
      %lt3A_516 = arith.constant 0 : i32
      %lt3A_517 = vector.broadcast %lt3A_516 : i32 to vector<16xi32>
      %lt3A_518 = arith.cmpi slt, %rem3A_512, %lt3A_517 : vector<16xi32>
      %lt3A_519 = arith.constant 0 : i32
      %lt3A_520 = arith.cmpi slt, %select_n3A_510, %lt3A_519 : i32
      %ne3A_521 = vector.broadcast %lt3A_520 : i1 to vector<16xi1>
      %ne3A_522 = vector.broadcast %ne3A_521 : vector<16xi1> to vector<16xi1>
      %ne3A_523 = arith.xori %lt3A_518, %ne3A_522 : vector<16xi1>
      %and3A_524 = arith.andi %ne3A_523, %ne3A_515 : vector<16xi1>
      %add3A_525 = vector.broadcast %select_n3A_510 : i32 to vector<16xi32>
      %add3A_526 = arith.addi %rem3A_512, %add3A_525 : vector<16xi32>
      %select_n3A_527 = arith.select %and3A_524, %add3A_526, %rem3A_512 : vector<16xi1>, vector<16xi32>
      tpu.vector_store_idx %arg5[%select_n3A_505, %select_n3A_527, %add3A_466], %gather3A : memref<16x8x128xf32, #tpu.memory_space<vmem>>[vector<16xi32>, vector<16xi32>, vector<16xi32>], vector<16xf32>,
      %add3A_528 = arith.constant 1 : i32
      %add3A_529 = vector.broadcast %add3A_528 : i32 to vector<16xi32>
      %add3A_530 = arith.addi %iota3A, %add3A_529 : vector<16xi32>
      %and3A_531 = arith.constant 15 : i32
      %and3A_532 = vector.broadcast %and3A_531 : i32 to vector<16xi32>
      %and3A_533 = arith.andi %add3A_530, %and3A_532 : vector<16xi32>
      %add3A_534 = vector.broadcast %mul3A_464 : i32 to vector<16xi32>
      %add3A_535 = arith.addi %add3A_534, %and3A_533 : vector<16xi32>
      %gather3A_536 = tpu.vector_load_idx %arg4[%add3A_466, %add3A_535] : memref<128x128xf32, #tpu.memory_space<vmem>>[vector<16xi32>, vector<16xi32>], vector<16xf32>,
      %jit3A_537 = arith.constant 8 : i32
      %div3A_538 = vector.broadcast %jit3A_537 : i32 to vector<16xi32>
      %div3A_539 = arith.divsi %add3A_535, %div3A_538 : vector<16xi32>
      %sign3A_540 = arith.constant 0 : i32
      %sign3A_541 = vector.broadcast %sign3A_540 : i32 to vector<16xi32>
      %sign3A_542 = arith.cmpi sgt, %add3A_535, %sign3A_541 : vector<16xi32>
      %sign3A_543 = arith.extui %sign3A_542 : vector<16xi1> to vector<16xi32>
      %sign3A_544 = arith.constant 0 : i32
      %sign3A_545 = vector.broadcast %sign3A_544 : i32 to vector<16xi32>
      %sign3A_546 = arith.cmpi slt, %add3A_535, %sign3A_545 : vector<16xi32>
      %sign3A_547 = arith.extui %sign3A_546 : vector<16xi1> to vector<16xi32>
      %sign3A_548 = arith.subi %sign3A_543, %sign3A_547 : vector<16xi32>
      %sign3A_549 = arith.constant 0 : i32
      %sign3A_550 = arith.cmpi sgt, %jit3A_537, %sign3A_549 : i32
      %sign3A_551 = arith.extui %sign3A_550 : i1 to i32
      %sign3A_552 = arith.constant 0 : i32
      %sign3A_553 = arith.cmpi slt, %jit3A_537, %sign3A_552 : i32
      %sign3A_554 = arith.extui %sign3A_553 : i1 to i32
      %sign3A_555 = arith.subi %sign3A_551, %sign3A_554 : i32
      %ne3A_556 = vector.broadcast %sign3A_555 : i32 to vector<16xi32>
      %ne3A_557 = arith.cmpi ne, %sign3A_548, %ne3A_556 : vector<16xi32>
      %rem3A_558 = vector.broadcast %jit3A_537 : i32 to vector<16xi32>
      %rem3A_559 = arith.remsi %add3A_535, %rem3A_558 : vector<16xi32>
      %ne3A_560 = arith.constant 0 : i32
      %ne3A_561 = vector.broadcast %ne3A_560 : i32 to vector<16xi32>
      %ne3A_562 = arith.cmpi ne, %rem3A_559, %ne3A_561 : vector<16xi32>
      %and3A_563 = arith.andi %ne3A_557, %ne3A_562 : vector<16xi1>
      %sub3A_564 = arith.constant 1 : i32
      %sub3A_565 = vector.broadcast %sub3A_564 : i32 to vector<16xi32>
      %sub3A_566 = arith.subi %div3A_539, %sub3A_565 : vector<16xi32>
      %select_n3A_567 = arith.select %and3A_563, %sub3A_566, %div3A_539 : vector<16xi1>, vector<16xi32>
      %jit3A_568 = arith.constant 8 : i32
      %eq3A_569 = arith.constant 0 : i32
      %eq3A_570 = arith.cmpi eq, %jit3A_568, %eq3A_569 : i32
      %jit3A_571 = arith.constant 1 : i32
      %select_n3A_572 = arith.select %eq3A_570, %jit3A_571, %jit3A_568 : i32
      %rem3A_573 = vector.broadcast %select_n3A_572 : i32 to vector<16xi32>
      %rem3A_574 = arith.remsi %add3A_535, %rem3A_573 : vector<16xi32>
      %ne3A_575 = arith.constant 0 : i32
      %ne3A_576 = vector.broadcast %ne3A_575 : i32 to vector<16xi32>
      %ne3A_577 = arith.cmpi ne, %rem3A_574, %ne3A_576 : vector<16xi32>
      %lt3A_578 = arith.constant 0 : i32
      %lt3A_579 = vector.broadcast %lt3A_578 : i32 to vector<16xi32>
      %lt3A_580 = arith.cmpi slt, %rem3A_574, %lt3A_579 : vector<16xi32>
      %lt3A_581 = arith.constant 0 : i32
      %lt3A_582 = arith.cmpi slt, %select_n3A_572, %lt3A_581 : i32
      %ne3A_583 = vector.broadcast %lt3A_582 : i1 to vector<16xi1>
      %ne3A_584 = vector.broadcast %ne3A_583 : vector<16xi1> to vector<16xi1>
      %ne3A_585 = arith.xori %lt3A_580, %ne3A_584 : vector<16xi1>
      %and3A_586 = arith.andi %ne3A_585, %ne3A_577 : vector<16xi1>
      %add3A_587 = vector.broadcast %select_n3A_572 : i32 to vector<16xi32>
      %add3A_588 = arith.addi %rem3A_574, %add3A_587 : vector<16xi32>
      %select_n3A_589 = arith.select %and3A_586, %add3A_588, %rem3A_574 : vector<16xi1>, vector<16xi32>
      tpu.vector_store_idx %arg5[%select_n3A_567, %select_n3A_589, %add3A_466], %gather3A_536 : memref<16x8x128xf32, #tpu.memory_space<vmem>>[vector<16xi32>, vector<16xi32>, vector<16xi32>], vector<16xf32>,
      %add3A_590 = arith.constant 2 : i32
      %add3A_591 = vector.broadcast %add3A_590 : i32 to vector<16xi32>
      %add3A_592 = arith.addi %iota3A, %add3A_591 : vector<16xi32>
      %and3A_593 = arith.constant 15 : i32
      %and3A_594 = vector.broadcast %and3A_593 : i32 to vector<16xi32>
      %and3A_595 = arith.andi %add3A_592, %and3A_594 : vector<16xi32>
      %add3A_596 = vector.broadcast %mul3A_464 : i32 to vector<16xi32>
      %add3A_597 = arith.addi %add3A_596, %and3A_595 : vector<16xi32>
      %gather3A_598 = tpu.vector_load_idx %arg4[%add3A_466, %add3A_597] : memref<128x128xf32, #tpu.memory_space<vmem>>[vector<16xi32>, vector<16xi32>], vector<16xf32>,
      %jit3A_599 = arith.constant 8 : i32
      %div3A_600 = vector.broadcast %jit3A_599 : i32 to vector<16xi32>
      %div3A_601 = arith.divsi %add3A_597, %div3A_600 : vector<16xi32>
      %sign3A_602 = arith.constant 0 : i32
      %sign3A_603 = vector.broadcast %sign3A_602 : i32 to vector<16xi32>
      %sign3A_604 = arith.cmpi sgt, %add3A_597, %sign3A_603 : vector<16xi32>
      %sign3A_605 = arith.extui %sign3A_604 : vector<16xi1> to vector<16xi32>
      %sign3A_606 = arith.constant 0 : i32
      %sign3A_607 = vector.broadcast %sign3A_606 : i32 to vector<16xi32>
      %sign3A_608 = arith.cmpi slt, %add3A_597, %sign3A_607 : vector<16xi32>
      %sign3A_609 = arith.extui %sign3A_608 : vector<16xi1> to vector<16xi32>
      %sign3A_610 = arith.subi %sign3A_605, %sign3A_609 : vector<16xi32>
      %sign3A_611 = arith.constant 0 : i32
      %sign3A_612 = arith.cmpi sgt, %jit3A_599, %sign3A_611 : i32
      %sign3A_613 = arith.extui %sign3A_612 : i1 to i32
      %sign3A_614 = arith.constant 0 : i32
      %sign3A_615 = arith.cmpi slt, %jit3A_599, %sign3A_614 : i32
      %sign3A_616 = arith.extui %sign3A_615 : i1 to i32
      %sign3A_617 = arith.subi %sign3A_613, %sign3A_616 : i32
      %ne3A_618 = vector.broadcast %sign3A_617 : i32 to vector<16xi32>
      %ne3A_619 = arith.cmpi ne, %sign3A_610, %ne3A_618 : vector<16xi32>
      %rem3A_620 = vector.broadcast %jit3A_599 : i32 to vector<16xi32>
      %rem3A_621 = arith.remsi %add3A_597, %rem3A_620 : vector<16xi32>
      %ne3A_622 = arith.constant 0 : i32
      %ne3A_623 = vector.broadcast %ne3A_622 : i32 to vector<16xi32>
      %ne3A_624 = arith.cmpi ne, %rem3A_621, %ne3A_623 : vector<16xi32>
      %and3A_625 = arith.andi %ne3A_619, %ne3A_624 : vector<16xi1>
      %sub3A_626 = arith.constant 1 : i32
      %sub3A_627 = vector.broadcast %sub3A_626 : i32 to vector<16xi32>
      %sub3A_628 = arith.subi %div3A_601, %sub3A_627 : vector<16xi32>
      %select_n3A_629 = arith.select %and3A_625, %sub3A_628, %div3A_601 : vector<16xi1>, vector<16xi32>
      %jit3A_630 = arith.constant 8 : i32
      %eq3A_631 = arith.constant 0 : i32
      %eq3A_632 = arith.cmpi eq, %jit3A_630, %eq3A_631 : i32
      %jit3A_633 = arith.constant 1 : i32
      %select_n3A_634 = arith.select %eq3A_632, %jit3A_633, %jit3A_630 : i32
      %rem3A_635 = vector.broadcast %select_n3A_634 : i32 to vector<16xi32>
      %rem3A_636 = arith.remsi %add3A_597, %rem3A_635 : vector<16xi32>
      %ne3A_637 = arith.constant 0 : i32
      %ne3A_638 = vector.broadcast %ne3A_637 : i32 to vector<16xi32>
      %ne3A_639 = arith.cmpi ne, %rem3A_636, %ne3A_638 : vector<16xi32>
      %lt3A_640 = arith.constant 0 : i32
      %lt3A_641 = vector.broadcast %lt3A_640 : i32 to vector<16xi32>
      %lt3A_642 = arith.cmpi slt, %rem3A_636, %lt3A_641 : vector<16xi32>
      %lt3A_643 = arith.constant 0 : i32
      %lt3A_644 = arith.cmpi slt, %select_n3A_634, %lt3A_643 : i32
      %ne3A_645 = vector.broadcast %lt3A_644 : i1 to vector<16xi1>
      %ne3A_646 = vector.broadcast %ne3A_645 : vector<16xi1> to vector<16xi1>
      %ne3A_647 = arith.xori %lt3A_642, %ne3A_646 : vector<16xi1>
      %and3A_648 = arith.andi %ne3A_647, %ne3A_639 : vector<16xi1>
      %add3A_649 = vector.broadcast %select_n3A_634 : i32 to vector<16xi32>
      %add3A_650 = arith.addi %rem3A_636, %add3A_649 : vector<16xi32>
      %select_n3A_651 = arith.select %and3A_648, %add3A_650, %rem3A_636 : vector<16xi1>, vector<16xi32>
      tpu.vector_store_idx %arg5[%select_n3A_629, %select_n3A_651, %add3A_466], %gather3A_598 : memref<16x8x128xf32, #tpu.memory_space<vmem>>[vector<16xi32>, vector<16xi32>, vector<16xi32>], vector<16xf32>,
      %add3A_652 = arith.constant 3 : i32
      %add3A_653 = vector.broadcast %add3A_652 : i32 to vector<16xi32>
      %add3A_654 = arith.addi %iota3A, %add3A_653 : vector<16xi32>
      %and3A_655 = arith.constant 15 : i32
      %and3A_656 = vector.broadcast %and3A_655 : i32 to vector<16xi32>
      %and3A_657 = arith.andi %add3A_654, %and3A_656 : vector<16xi32>
      %add3A_658 = vector.broadcast %mul3A_464 : i32 to vector<16xi32>
      %add3A_659 = arith.addi %add3A_658, %and3A_657 : vector<16xi32>
      %gather3A_660 = tpu.vector_load_idx %arg4[%add3A_466, %add3A_659] : memref<128x128xf32, #tpu.memory_space<vmem>>[vector<16xi32>, vector<16xi32>], vector<16xf32>,
      %jit3A_661 = arith.constant 8 : i32
      %div3A_662 = vector.broadcast %jit3A_661 : i32 to vector<16xi32>
      %div3A_663 = arith.divsi %add3A_659, %div3A_662 : vector<16xi32>
      %sign3A_664 = arith.constant 0 : i32
      %sign3A_665 = vector.broadcast %sign3A_664 : i32 to vector<16xi32>
      %sign3A_666 = arith.cmpi sgt, %add3A_659, %sign3A_665 : vector<16xi32>
      %sign3A_667 = arith.extui %sign3A_666 : vector<16xi1> to vector<16xi32>
      %sign3A_668 = arith.constant 0 : i32
      %sign3A_669 = vector.broadcast %sign3A_668 : i32 to vector<16xi32>
      %sign3A_670 = arith.cmpi slt, %add3A_659, %sign3A_669 : vector<16xi32>
      %sign3A_671 = arith.extui %sign3A_670 : vector<16xi1> to vector<16xi32>
      %sign3A_672 = arith.subi %sign3A_667, %sign3A_671 : vector<16xi32>
      %sign3A_673 = arith.constant 0 : i32
      %sign3A_674 = arith.cmpi sgt, %jit3A_661, %sign3A_673 : i32
      %sign3A_675 = arith.extui %sign3A_674 : i1 to i32
      %sign3A_676 = arith.constant 0 : i32
      %sign3A_677 = arith.cmpi slt, %jit3A_661, %sign3A_676 : i32
      %sign3A_678 = arith.extui %sign3A_677 : i1 to i32
      %sign3A_679 = arith.subi %sign3A_675, %sign3A_678 : i32
      %ne3A_680 = vector.broadcast %sign3A_679 : i32 to vector<16xi32>
      %ne3A_681 = arith.cmpi ne, %sign3A_672, %ne3A_680 : vector<16xi32>
      %rem3A_682 = vector.broadcast %jit3A_661 : i32 to vector<16xi32>
      %rem3A_683 = arith.remsi %add3A_659, %rem3A_682 : vector<16xi32>
      %ne3A_684 = arith.constant 0 : i32
      %ne3A_685 = vector.broadcast %ne3A_684 : i32 to vector<16xi32>
      %ne3A_686 = arith.cmpi ne, %rem3A_683, %ne3A_685 : vector<16xi32>
      %and3A_687 = arith.andi %ne3A_681, %ne3A_686 : vector<16xi1>
      %sub3A_688 = arith.constant 1 : i32
      %sub3A_689 = vector.broadcast %sub3A_688 : i32 to vector<16xi32>
      %sub3A_690 = arith.subi %div3A_663, %sub3A_689 : vector<16xi32>
      %select_n3A_691 = arith.select %and3A_687, %sub3A_690, %div3A_663 : vector<16xi1>, vector<16xi32>
      %jit3A_692 = arith.constant 8 : i32
      %eq3A_693 = arith.constant 0 : i32
      %eq3A_694 = arith.cmpi eq, %jit3A_692, %eq3A_693 : i32
      %jit3A_695 = arith.constant 1 : i32
      %select_n3A_696 = arith.select %eq3A_694, %jit3A_695, %jit3A_692 : i32
      %rem3A_697 = vector.broadcast %select_n3A_696 : i32 to vector<16xi32>
      %rem3A_698 = arith.remsi %add3A_659, %rem3A_697 : vector<16xi32>
      %ne3A_699 = arith.constant 0 : i32
      %ne3A_700 = vector.broadcast %ne3A_699 : i32 to vector<16xi32>
      %ne3A_701 = arith.cmpi ne, %rem3A_698, %ne3A_700 : vector<16xi32>
      %lt3A_702 = arith.constant 0 : i32
      %lt3A_703 = vector.broadcast %lt3A_702 : i32 to vector<16xi32>
      %lt3A_704 = arith.cmpi slt, %rem3A_698, %lt3A_703 : vector<16xi32>
      %lt3A_705 = arith.constant 0 : i32
      %lt3A_706 = arith.cmpi slt, %select_n3A_696, %lt3A_705 : i32
      %ne3A_707 = vector.broadcast %lt3A_706 : i1 to vector<16xi1>
      %ne3A_708 = vector.broadcast %ne3A_707 : vector<16xi1> to vector<16xi1>
      %ne3A_709 = arith.xori %lt3A_704, %ne3A_708 : vector<16xi1>
      %and3A_710 = arith.andi %ne3A_709, %ne3A_701 : vector<16xi1>
      %add3A_711 = vector.broadcast %select_n3A_696 : i32 to vector<16xi32>
      %add3A_712 = arith.addi %rem3A_698, %add3A_711 : vector<16xi32>
      %select_n3A_713 = arith.select %and3A_710, %add3A_712, %rem3A_698 : vector<16xi1>, vector<16xi32>
      tpu.vector_store_idx %arg5[%select_n3A_691, %select_n3A_713, %add3A_466], %gather3A_660 : memref<16x8x128xf32, #tpu.memory_space<vmem>>[vector<16xi32>, vector<16xi32>, vector<16xi32>], vector<16xf32>,
      %add3A_714 = arith.constant 4 : i32
      %add3A_715 = vector.broadcast %add3A_714 : i32 to vector<16xi32>
      %add3A_716 = arith.addi %iota3A, %add3A_715 : vector<16xi32>
      %and3A_717 = arith.constant 15 : i32
      %and3A_718 = vector.broadcast %and3A_717 : i32 to vector<16xi32>
      %and3A_719 = arith.andi %add3A_716, %and3A_718 : vector<16xi32>
      %add3A_720 = vector.broadcast %mul3A_464 : i32 to vector<16xi32>
      %add3A_721 = arith.addi %add3A_720, %and3A_719 : vector<16xi32>
      %gather3A_722 = tpu.vector_load_idx %arg4[%add3A_466, %add3A_721] : memref<128x128xf32, #tpu.memory_space<vmem>>[vector<16xi32>, vector<16xi32>], vector<16xf32>,
      %jit3A_723 = arith.constant 8 : i32
      %div3A_724 = vector.broadcast %jit3A_723 : i32 to vector<16xi32>
      %div3A_725 = arith.divsi %add3A_721, %div3A_724 : vector<16xi32>
      %sign3A_726 = arith.constant 0 : i32
      %sign3A_727 = vector.broadcast %sign3A_726 : i32 to vector<16xi32>
      %sign3A_728 = arith.cmpi sgt, %add3A_721, %sign3A_727 : vector<16xi32>
      %sign3A_729 = arith.extui %sign3A_728 : vector<16xi1> to vector<16xi32>
      %sign3A_730 = arith.constant 0 : i32
      %sign3A_731 = vector.broadcast %sign3A_730 : i32 to vector<16xi32>
      %sign3A_732 = arith.cmpi slt, %add3A_721, %sign3A_731 : vector<16xi32>
      %sign3A_733 = arith.extui %sign3A_732 : vector<16xi1> to vector<16xi32>
      %sign3A_734 = arith.subi %sign3A_729, %sign3A_733 : vector<16xi32>
      %sign3A_735 = arith.constant 0 : i32
      %sign3A_736 = arith.cmpi sgt, %jit3A_723, %sign3A_735 : i32
      %sign3A_737 = arith.extui %sign3A_736 : i1 to i32
      %sign3A_738 = arith.constant 0 : i32
      %sign3A_739 = arith.cmpi slt, %jit3A_723, %sign3A_738 : i32
      %sign3A_740 = arith.extui %sign3A_739 : i1 to i32
      %sign3A_741 = arith.subi %sign3A_737, %sign3A_740 : i32
      %ne3A_742 = vector.broadcast %sign3A_741 : i32 to vector<16xi32>
      %ne3A_743 = arith.cmpi ne, %sign3A_734, %ne3A_742 : vector<16xi32>
      %rem3A_744 = vector.broadcast %jit3A_723 : i32 to vector<16xi32>
      %rem3A_745 = arith.remsi %add3A_721, %rem3A_744 : vector<16xi32>
      %ne3A_746 = arith.constant 0 : i32
      %ne3A_747 = vector.broadcast %ne3A_746 : i32 to vector<16xi32>
      %ne3A_748 = arith.cmpi ne, %rem3A_745, %ne3A_747 : vector<16xi32>
      %and3A_749 = arith.andi %ne3A_743, %ne3A_748 : vector<16xi1>
      %sub3A_750 = arith.constant 1 : i32
      %sub3A_751 = vector.broadcast %sub3A_750 : i32 to vector<16xi32>
      %sub3A_752 = arith.subi %div3A_725, %sub3A_751 : vector<16xi32>
      %select_n3A_753 = arith.select %and3A_749, %sub3A_752, %div3A_725 : vector<16xi1>, vector<16xi32>
      %jit3A_754 = arith.constant 8 : i32
      %eq3A_755 = arith.constant 0 : i32
      %eq3A_756 = arith.cmpi eq, %jit3A_754, %eq3A_755 : i32
      %jit3A_757 = arith.constant 1 : i32
      %select_n3A_758 = arith.select %eq3A_756, %jit3A_757, %jit3A_754 : i32
      %rem3A_759 = vector.broadcast %select_n3A_758 : i32 to vector<16xi32>
      %rem3A_760 = arith.remsi %add3A_721, %rem3A_759 : vector<16xi32>
      %ne3A_761 = arith.constant 0 : i32
      %ne3A_762 = vector.broadcast %ne3A_761 : i32 to vector<16xi32>
      %ne3A_763 = arith.cmpi ne, %rem3A_760, %ne3A_762 : vector<16xi32>
      %lt3A_764 = arith.constant 0 : i32
      %lt3A_765 = vector.broadcast %lt3A_764 : i32 to vector<16xi32>
      %lt3A_766 = arith.cmpi slt, %rem3A_760, %lt3A_765 : vector<16xi32>
      %lt3A_767 = arith.constant 0 : i32
      %lt3A_768 = arith.cmpi slt, %select_n3A_758, %lt3A_767 : i32
      %ne3A_769 = vector.broadcast %lt3A_768 : i1 to vector<16xi1>
      %ne3A_770 = vector.broadcast %ne3A_769 : vector<16xi1> to vector<16xi1>
      %ne3A_771 = arith.xori %lt3A_766, %ne3A_770 : vector<16xi1>
      %and3A_772 = arith.andi %ne3A_771, %ne3A_763 : vector<16xi1>
      %add3A_773 = vector.broadcast %select_n3A_758 : i32 to vector<16xi32>
      %add3A_774 = arith.addi %rem3A_760, %add3A_773 : vector<16xi32>
      %select_n3A_775 = arith.select %and3A_772, %add3A_774, %rem3A_760 : vector<16xi1>, vector<16xi32>
      tpu.vector_store_idx %arg5[%select_n3A_753, %select_n3A_775, %add3A_466], %gather3A_722 : memref<16x8x128xf32, #tpu.memory_space<vmem>>[vector<16xi32>, vector<16xi32>, vector<16xi32>], vector<16xf32>,
      %add3A_776 = arith.constant 5 : i32
      %add3A_777 = vector.broadcast %add3A_776 : i32 to vector<16xi32>
      %add3A_778 = arith.addi %iota3A, %add3A_777 : vector<16xi32>
      %and3A_779 = arith.constant 15 : i32
      %and3A_780 = vector.broadcast %and3A_779 : i32 to vector<16xi32>
      %and3A_781 = arith.andi %add3A_778, %and3A_780 : vector<16xi32>
      %add3A_782 = vector.broadcast %mul3A_464 : i32 to vector<16xi32>
      %add3A_783 = arith.addi %add3A_782, %and3A_781 : vector<16xi32>
      %gather3A_784 = tpu.vector_load_idx %arg4[%add3A_466, %add3A_783] : memref<128x128xf32, #tpu.memory_space<vmem>>[vector<16xi32>, vector<16xi32>], vector<16xf32>,
      %jit3A_785 = arith.constant 8 : i32
      %div3A_786 = vector.broadcast %jit3A_785 : i32 to vector<16xi32>
      %div3A_787 = arith.divsi %add3A_783, %div3A_786 : vector<16xi32>
      %sign3A_788 = arith.constant 0 : i32
      %sign3A_789 = vector.broadcast %sign3A_788 : i32 to vector<16xi32>
      %sign3A_790 = arith.cmpi sgt, %add3A_783, %sign3A_789 : vector<16xi32>
      %sign3A_791 = arith.extui %sign3A_790 : vector<16xi1> to vector<16xi32>
      %sign3A_792 = arith.constant 0 : i32
      %sign3A_793 = vector.broadcast %sign3A_792 : i32 to vector<16xi32>
      %sign3A_794 = arith.cmpi slt, %add3A_783, %sign3A_793 : vector<16xi32>
      %sign3A_795 = arith.extui %sign3A_794 : vector<16xi1> to vector<16xi32>
      %sign3A_796 = arith.subi %sign3A_791, %sign3A_795 : vector<16xi32>
      %sign3A_797 = arith.constant 0 : i32
      %sign3A_798 = arith.cmpi sgt, %jit3A_785, %sign3A_797 : i32
      %sign3A_799 = arith.extui %sign3A_798 : i1 to i32
      %sign3A_800 = arith.constant 0 : i32
      %sign3A_801 = arith.cmpi slt, %jit3A_785, %sign3A_800 : i32
      %sign3A_802 = arith.extui %sign3A_801 : i1 to i32
      %sign3A_803 = arith.subi %sign3A_799, %sign3A_802 : i32
      %ne3A_804 = vector.broadcast %sign3A_803 : i32 to vector<16xi32>
      %ne3A_805 = arith.cmpi ne, %sign3A_796, %ne3A_804 : vector<16xi32>
      %rem3A_806 = vector.broadcast %jit3A_785 : i32 to vector<16xi32>
      %rem3A_807 = arith.remsi %add3A_783, %rem3A_806 : vector<16xi32>
      %ne3A_808 = arith.constant 0 : i32
      %ne3A_809 = vector.broadcast %ne3A_808 : i32 to vector<16xi32>
      %ne3A_810 = arith.cmpi ne, %rem3A_807, %ne3A_809 : vector<16xi32>
      %and3A_811 = arith.andi %ne3A_805, %ne3A_810 : vector<16xi1>
      %sub3A_812 = arith.constant 1 : i32
      %sub3A_813 = vector.broadcast %sub3A_812 : i32 to vector<16xi32>
      %sub3A_814 = arith.subi %div3A_787, %sub3A_813 : vector<16xi32>
      %select_n3A_815 = arith.select %and3A_811, %sub3A_814, %div3A_787 : vector<16xi1>, vector<16xi32>
      %jit3A_816 = arith.constant 8 : i32
      %eq3A_817 = arith.constant 0 : i32
      %eq3A_818 = arith.cmpi eq, %jit3A_816, %eq3A_817 : i32
      %jit3A_819 = arith.constant 1 : i32
      %select_n3A_820 = arith.select %eq3A_818, %jit3A_819, %jit3A_816 : i32
      %rem3A_821 = vector.broadcast %select_n3A_820 : i32 to vector<16xi32>
      %rem3A_822 = arith.remsi %add3A_783, %rem3A_821 : vector<16xi32>
      %ne3A_823 = arith.constant 0 : i32
      %ne3A_824 = vector.broadcast %ne3A_823 : i32 to vector<16xi32>
      %ne3A_825 = arith.cmpi ne, %rem3A_822, %ne3A_824 : vector<16xi32>
      %lt3A_826 = arith.constant 0 : i32
      %lt3A_827 = vector.broadcast %lt3A_826 : i32 to vector<16xi32>
      %lt3A_828 = arith.cmpi slt, %rem3A_822, %lt3A_827 : vector<16xi32>
      %lt3A_829 = arith.constant 0 : i32
      %lt3A_830 = arith.cmpi slt, %select_n3A_820, %lt3A_829 : i32
      %ne3A_831 = vector.broadcast %lt3A_830 : i1 to vector<16xi1>
      %ne3A_832 = vector.broadcast %ne3A_831 : vector<16xi1> to vector<16xi1>
      %ne3A_833 = arith.xori %lt3A_828, %ne3A_832 : vector<16xi1>
      %and3A_834 = arith.andi %ne3A_833, %ne3A_825 : vector<16xi1>
      %add3A_835 = vector.broadcast %select_n3A_820 : i32 to vector<16xi32>
      %add3A_836 = arith.addi %rem3A_822, %add3A_835 : vector<16xi32>
      %select_n3A_837 = arith.select %and3A_834, %add3A_836, %rem3A_822 : vector<16xi1>, vector<16xi32>
      tpu.vector_store_idx %arg5[%select_n3A_815, %select_n3A_837, %add3A_466], %gather3A_784 : memref<16x8x128xf32, #tpu.memory_space<vmem>>[vector<16xi32>, vector<16xi32>, vector<16xi32>], vector<16xf32>,
      %add3A_838 = arith.constant 6 : i32
      %add3A_839 = vector.broadcast %add3A_838 : i32 to vector<16xi32>
      %add3A_840 = arith.addi %iota3A, %add3A_839 : vector<16xi32>
      %and3A_841 = arith.constant 15 : i32
      %and3A_842 = vector.broadcast %and3A_841 : i32 to vector<16xi32>
      %and3A_843 = arith.andi %add3A_840, %and3A_842 : vector<16xi32>
      %add3A_844 = vector.broadcast %mul3A_464 : i32 to vector<16xi32>
      %add3A_845 = arith.addi %add3A_844, %and3A_843 : vector<16xi32>
      %gather3A_846 = tpu.vector_load_idx %arg4[%add3A_466, %add3A_845] : memref<128x128xf32, #tpu.memory_space<vmem>>[vector<16xi32>, vector<16xi32>], vector<16xf32>,
      %jit3A_847 = arith.constant 8 : i32
      %div3A_848 = vector.broadcast %jit3A_847 : i32 to vector<16xi32>
      %div3A_849 = arith.divsi %add3A_845, %div3A_848 : vector<16xi32>
      %sign3A_850 = arith.constant 0 : i32
      %sign3A_851 = vector.broadcast %sign3A_850 : i32 to vector<16xi32>
      %sign3A_852 = arith.cmpi sgt, %add3A_845, %sign3A_851 : vector<16xi32>
      %sign3A_853 = arith.extui %sign3A_852 : vector<16xi1> to vector<16xi32>
      %sign3A_854 = arith.constant 0 : i32
      %sign3A_855 = vector.broadcast %sign3A_854 : i32 to vector<16xi32>
      %sign3A_856 = arith.cmpi slt, %add3A_845, %sign3A_855 : vector<16xi32>
      %sign3A_857 = arith.extui %sign3A_856 : vector<16xi1> to vector<16xi32>
      %sign3A_858 = arith.subi %sign3A_853, %sign3A_857 : vector<16xi32>
      %sign3A_859 = arith.constant 0 : i32
      %sign3A_860 = arith.cmpi sgt, %jit3A_847, %sign3A_859 : i32
      %sign3A_861 = arith.extui %sign3A_860 : i1 to i32
      %sign3A_862 = arith.constant 0 : i32
      %sign3A_863 = arith.cmpi slt, %jit3A_847, %sign3A_862 : i32
      %sign3A_864 = arith.extui %sign3A_863 : i1 to i32
      %sign3A_865 = arith.subi %sign3A_861, %sign3A_864 : i32
      %ne3A_866 = vector.broadcast %sign3A_865 : i32 to vector<16xi32>
      %ne3A_867 = arith.cmpi ne, %sign3A_858, %ne3A_866 : vector<16xi32>
      %rem3A_868 = vector.broadcast %jit3A_847 : i32 to vector<16xi32>
      %rem3A_869 = arith.remsi %add3A_845, %rem3A_868 : vector<16xi32>
      %ne3A_870 = arith.constant 0 : i32
      %ne3A_871 = vector.broadcast %ne3A_870 : i32 to vector<16xi32>
      %ne3A_872 = arith.cmpi ne, %rem3A_869, %ne3A_871 : vector<16xi32>
      %and3A_873 = arith.andi %ne3A_867, %ne3A_872 : vector<16xi1>
      %sub3A_874 = arith.constant 1 : i32
      %sub3A_875 = vector.broadcast %sub3A_874 : i32 to vector<16xi32>
      %sub3A_876 = arith.subi %div3A_849, %sub3A_875 : vector<16xi32>
      %select_n3A_877 = arith.select %and3A_873, %sub3A_876, %div3A_849 : vector<16xi1>, vector<16xi32>
      %jit3A_878 = arith.constant 8 : i32
      %eq3A_879 = arith.constant 0 : i32
      %eq3A_880 = arith.cmpi eq, %jit3A_878, %eq3A_879 : i32
      %jit3A_881 = arith.constant 1 : i32
      %select_n3A_882 = arith.select %eq3A_880, %jit3A_881, %jit3A_878 : i32
      %rem3A_883 = vector.broadcast %select_n3A_882 : i32 to vector<16xi32>
      %rem3A_884 = arith.remsi %add3A_845, %rem3A_883 : vector<16xi32>
      %ne3A_885 = arith.constant 0 : i32
      %ne3A_886 = vector.broadcast %ne3A_885 : i32 to vector<16xi32>
      %ne3A_887 = arith.cmpi ne, %rem3A_884, %ne3A_886 : vector<16xi32>
      %lt3A_888 = arith.constant 0 : i32
      %lt3A_889 = vector.broadcast %lt3A_888 : i32 to vector<16xi32>
      %lt3A_890 = arith.cmpi slt, %rem3A_884, %lt3A_889 : vector<16xi32>
      %lt3A_891 = arith.constant 0 : i32
      %lt3A_892 = arith.cmpi slt, %select_n3A_882, %lt3A_891 : i32
      %ne3A_893 = vector.broadcast %lt3A_892 : i1 to vector<16xi1>
      %ne3A_894 = vector.broadcast %ne3A_893 : vector<16xi1> to vector<16xi1>
      %ne3A_895 = arith.xori %lt3A_890, %ne3A_894 : vector<16xi1>
      %and3A_896 = arith.andi %ne3A_895, %ne3A_887 : vector<16xi1>
      %add3A_897 = vector.broadcast %select_n3A_882 : i32 to vector<16xi32>
      %add3A_898 = arith.addi %rem3A_884, %add3A_897 : vector<16xi32>
      %select_n3A_899 = arith.select %and3A_896, %add3A_898, %rem3A_884 : vector<16xi1>, vector<16xi32>
      tpu.vector_store_idx %arg5[%select_n3A_877, %select_n3A_899, %add3A_466], %gather3A_846 : memref<16x8x128xf32, #tpu.memory_space<vmem>>[vector<16xi32>, vector<16xi32>, vector<16xi32>], vector<16xf32>,
      %add3A_900 = arith.constant 7 : i32
      %add3A_901 = vector.broadcast %add3A_900 : i32 to vector<16xi32>
      %add3A_902 = arith.addi %iota3A, %add3A_901 : vector<16xi32>
      %and3A_903 = arith.constant 15 : i32
      %and3A_904 = vector.broadcast %and3A_903 : i32 to vector<16xi32>
      %and3A_905 = arith.andi %add3A_902, %and3A_904 : vector<16xi32>
      %add3A_906 = vector.broadcast %mul3A_464 : i32 to vector<16xi32>
      %add3A_907 = arith.addi %add3A_906, %and3A_905 : vector<16xi32>
      %gather3A_908 = tpu.vector_load_idx %arg4[%add3A_466, %add3A_907] : memref<128x128xf32, #tpu.memory_space<vmem>>[vector<16xi32>, vector<16xi32>], vector<16xf32>,
      %jit3A_909 = arith.constant 8 : i32
      %div3A_910 = vector.broadcast %jit3A_909 : i32 to vector<16xi32>
      %div3A_911 = arith.divsi %add3A_907, %div3A_910 : vector<16xi32>
      %sign3A_912 = arith.constant 0 : i32
      %sign3A_913 = vector.broadcast %sign3A_912 : i32 to vector<16xi32>
      %sign3A_914 = arith.cmpi sgt, %add3A_907, %sign3A_913 : vector<16xi32>
      %sign3A_915 = arith.extui %sign3A_914 : vector<16xi1> to vector<16xi32>
      %sign3A_916 = arith.constant 0 : i32
      %sign3A_917 = vector.broadcast %sign3A_916 : i32 to vector<16xi32>
      %sign3A_918 = arith.cmpi slt, %add3A_907, %sign3A_917 : vector<16xi32>
      %sign3A_919 = arith.extui %sign3A_918 : vector<16xi1> to vector<16xi32>
      %sign3A_920 = arith.subi %sign3A_915, %sign3A_919 : vector<16xi32>
      %sign3A_921 = arith.constant 0 : i32
      %sign3A_922 = arith.cmpi sgt, %jit3A_909, %sign3A_921 : i32
      %sign3A_923 = arith.extui %sign3A_922 : i1 to i32
      %sign3A_924 = arith.constant 0 : i32
      %sign3A_925 = arith.cmpi slt, %jit3A_909, %sign3A_924 : i32
      %sign3A_926 = arith.extui %sign3A_925 : i1 to i32
      %sign3A_927 = arith.subi %sign3A_923, %sign3A_926 : i32
      %ne3A_928 = vector.broadcast %sign3A_927 : i32 to vector<16xi32>
      %ne3A_929 = arith.cmpi ne, %sign3A_920, %ne3A_928 : vector<16xi32>
      %rem3A_930 = vector.broadcast %jit3A_909 : i32 to vector<16xi32>
      %rem3A_931 = arith.remsi %add3A_907, %rem3A_930 : vector<16xi32>
      %ne3A_932 = arith.constant 0 : i32
      %ne3A_933 = vector.broadcast %ne3A_932 : i32 to vector<16xi32>
      %ne3A_934 = arith.cmpi ne, %rem3A_931, %ne3A_933 : vector<16xi32>
      %and3A_935 = arith.andi %ne3A_929, %ne3A_934 : vector<16xi1>
      %sub3A_936 = arith.constant 1 : i32
      %sub3A_937 = vector.broadcast %sub3A_936 : i32 to vector<16xi32>
      %sub3A_938 = arith.subi %div3A_911, %sub3A_937 : vector<16xi32>
      %select_n3A_939 = arith.select %and3A_935, %sub3A_938, %div3A_911 : vector<16xi1>, vector<16xi32>
      %jit3A_940 = arith.constant 8 : i32
      %eq3A_941 = arith.constant 0 : i32
      %eq3A_942 = arith.cmpi eq, %jit3A_940, %eq3A_941 : i32
      %jit3A_943 = arith.constant 1 : i32
      %select_n3A_944 = arith.select %eq3A_942, %jit3A_943, %jit3A_940 : i32
      %rem3A_945 = vector.broadcast %select_n3A_944 : i32 to vector<16xi32>
      %rem3A_946 = arith.remsi %add3A_907, %rem3A_945 : vector<16xi32>
      %ne3A_947 = arith.constant 0 : i32
      %ne3A_948 = vector.broadcast %ne3A_947 : i32 to vector<16xi32>
      %ne3A_949 = arith.cmpi ne, %rem3A_946, %ne3A_948 : vector<16xi32>
      %lt3A_950 = arith.constant 0 : i32
      %lt3A_951 = vector.broadcast %lt3A_950 : i32 to vector<16xi32>
      %lt3A_952 = arith.cmpi slt, %rem3A_946, %lt3A_951 : vector<16xi32>
      %lt3A_953 = arith.constant 0 : i32
      %lt3A_954 = arith.cmpi slt, %select_n3A_944, %lt3A_953 : i32
      %ne3A_955 = vector.broadcast %lt3A_954 : i1 to vector<16xi1>
      %ne3A_956 = vector.broadcast %ne3A_955 : vector<16xi1> to vector<16xi1>
      %ne3A_957 = arith.xori %lt3A_952, %ne3A_956 : vector<16xi1>
      %and3A_958 = arith.andi %ne3A_957, %ne3A_949 : vector<16xi1>
      %add3A_959 = vector.broadcast %select_n3A_944 : i32 to vector<16xi32>
      %add3A_960 = arith.addi %rem3A_946, %add3A_959 : vector<16xi32>
      %select_n3A_961 = arith.select %and3A_958, %add3A_960, %rem3A_946 : vector<16xi1>, vector<16xi32>
      tpu.vector_store_idx %arg5[%select_n3A_939, %select_n3A_961, %add3A_466], %gather3A_908 : memref<16x8x128xf32, #tpu.memory_space<vmem>>[vector<16xi32>, vector<16xi32>, vector<16xi32>], vector<16xf32>,
      %add3A_962 = arith.constant 8 : i32
      %add3A_963 = vector.broadcast %add3A_962 : i32 to vector<16xi32>
      %add3A_964 = arith.addi %iota3A, %add3A_963 : vector<16xi32>
      %and3A_965 = arith.constant 15 : i32
      %and3A_966 = vector.broadcast %and3A_965 : i32 to vector<16xi32>
      %and3A_967 = arith.andi %add3A_964, %and3A_966 : vector<16xi32>
      %add3A_968 = vector.broadcast %mul3A_464 : i32 to vector<16xi32>
      %add3A_969 = arith.addi %add3A_968, %and3A_967 : vector<16xi32>
      %gather3A_970 = tpu.vector_load_idx %arg4[%add3A_466, %add3A_969] : memref<128x128xf32, #tpu.memory_space<vmem>>[vector<16xi32>, vector<16xi32>], vector<16xf32>,
      %jit3A_971 = arith.constant 8 : i32
      %div3A_972 = vector.broadcast %jit3A_971 : i32 to vector<16xi32>
      %div3A_973 = arith.divsi %add3A_969, %div3A_972 : vector<16xi32>
      %sign3A_974 = arith.constant 0 : i32
      %sign3A_975 = vector.broadcast %sign3A_974 : i32 to vector<16xi32>
      %sign3A_976 = arith.cmpi sgt, %add3A_969, %sign3A_975 : vector<16xi32>
      %sign3A_977 = arith.extui %sign3A_976 : vector<16xi1> to vector<16xi32>
      %sign3A_978 = arith.constant 0 : i32
      %sign3A_979 = vector.broadcast %sign3A_978 : i32 to vector<16xi32>
      %sign3A_980 = arith.cmpi slt, %add3A_969, %sign3A_979 : vector<16xi32>
      %sign3A_981 = arith.extui %sign3A_980 : vector<16xi1> to vector<16xi32>
      %sign3A_982 = arith.subi %sign3A_977, %sign3A_981 : vector<16xi32>
      %sign3A_983 = arith.constant 0 : i32
      %sign3A_984 = arith.cmpi sgt, %jit3A_971, %sign3A_983 : i32
      %sign3A_985 = arith.extui %sign3A_984 : i1 to i32
      %sign3A_986 = arith.constant 0 : i32
      %sign3A_987 = arith.cmpi slt, %jit3A_971, %sign3A_986 : i32
      %sign3A_988 = arith.extui %sign3A_987 : i1 to i32
      %sign3A_989 = arith.subi %sign3A_985, %sign3A_988 : i32
      %ne3A_990 = vector.broadcast %sign3A_989 : i32 to vector<16xi32>
      %ne3A_991 = arith.cmpi ne, %sign3A_982, %ne3A_990 : vector<16xi32>
      %rem3A_992 = vector.broadcast %jit3A_971 : i32 to vector<16xi32>
      %rem3A_993 = arith.remsi %add3A_969, %rem3A_992 : vector<16xi32>
      %ne3A_994 = arith.constant 0 : i32
      %ne3A_995 = vector.broadcast %ne3A_994 : i32 to vector<16xi32>
      %ne3A_996 = arith.cmpi ne, %rem3A_993, %ne3A_995 : vector<16xi32>
      %and3A_997 = arith.andi %ne3A_991, %ne3A_996 : vector<16xi1>
      %sub3A_998 = arith.constant 1 : i32
      %sub3A_999 = vector.broadcast %sub3A_998 : i32 to vector<16xi32>
      %sub3A_1000 = arith.subi %div3A_973, %sub3A_999 : vector<16xi32>
      %select_n3A_1001 = arith.select %and3A_997, %sub3A_1000, %div3A_973 : vector<16xi1>, vector<16xi32>
      %jit3A_1002 = arith.constant 8 : i32
      %eq3A_1003 = arith.constant 0 : i32
      %eq3A_1004 = arith.cmpi eq, %jit3A_1002, %eq3A_1003 : i32
      %jit3A_1005 = arith.constant 1 : i32
      %select_n3A_1006 = arith.select %eq3A_1004, %jit3A_1005, %jit3A_1002 : i32
      %rem3A_1007 = vector.broadcast %select_n3A_1006 : i32 to vector<16xi32>
      %rem3A_1008 = arith.remsi %add3A_969, %rem3A_1007 : vector<16xi32>
      %ne3A_1009 = arith.constant 0 : i32
      %ne3A_1010 = vector.broadcast %ne3A_1009 : i32 to vector<16xi32>
      %ne3A_1011 = arith.cmpi ne, %rem3A_1008, %ne3A_1010 : vector<16xi32>
      %lt3A_1012 = arith.constant 0 : i32
      %lt3A_1013 = vector.broadcast %lt3A_1012 : i32 to vector<16xi32>
      %lt3A_1014 = arith.cmpi slt, %rem3A_1008, %lt3A_1013 : vector<16xi32>
      %lt3A_1015 = arith.constant 0 : i32
      %lt3A_1016 = arith.cmpi slt, %select_n3A_1006, %lt3A_1015 : i32
      %ne3A_1017 = vector.broadcast %lt3A_1016 : i1 to vector<16xi1>
      %ne3A_1018 = vector.broadcast %ne3A_1017 : vector<16xi1> to vector<16xi1>
      %ne3A_1019 = arith.xori %lt3A_1014, %ne3A_1018 : vector<16xi1>
      %and3A_1020 = arith.andi %ne3A_1019, %ne3A_1011 : vector<16xi1>
      %add3A_1021 = vector.broadcast %select_n3A_1006 : i32 to vector<16xi32>
      %add3A_1022 = arith.addi %rem3A_1008, %add3A_1021 : vector<16xi32>
      %select_n3A_1023 = arith.select %and3A_1020, %add3A_1022, %rem3A_1008 : vector<16xi1>, vector<16xi32>
      tpu.vector_store_idx %arg5[%select_n3A_1001, %select_n3A_1023, %add3A_466], %gather3A_970 : memref<16x8x128xf32, #tpu.memory_space<vmem>>[vector<16xi32>, vector<16xi32>, vector<16xi32>], vector<16xf32>,
      %add3A_1024 = arith.constant 9 : i32
      %add3A_1025 = vector.broadcast %add3A_1024 : i32 to vector<16xi32>
      %add3A_1026 = arith.addi %iota3A, %add3A_1025 : vector<16xi32>
      %and3A_1027 = arith.constant 15 : i32
      %and3A_1028 = vector.broadcast %and3A_1027 : i32 to vector<16xi32>
      %and3A_1029 = arith.andi %add3A_1026, %and3A_1028 : vector<16xi32>
      %add3A_1030 = vector.broadcast %mul3A_464 : i32 to vector<16xi32>
      %add3A_1031 = arith.addi %add3A_1030, %and3A_1029 : vector<16xi32>
      %gather3A_1032 = tpu.vector_load_idx %arg4[%add3A_466, %add3A_1031] : memref<128x128xf32, #tpu.memory_space<vmem>>[vector<16xi32>, vector<16xi32>], vector<16xf32>,
      %jit3A_1033 = arith.constant 8 : i32
      %div3A_1034 = vector.broadcast %jit3A_1033 : i32 to vector<16xi32>
      %div3A_1035 = arith.divsi %add3A_1031, %div3A_1034 : vector<16xi32>
      %sign3A_1036 = arith.constant 0 : i32
      %sign3A_1037 = vector.broadcast %sign3A_1036 : i32 to vector<16xi32>
      %sign3A_1038 = arith.cmpi sgt, %add3A_1031, %sign3A_1037 : vector<16xi32>
      %sign3A_1039 = arith.extui %sign3A_1038 : vector<16xi1> to vector<16xi32>
      %sign3A_1040 = arith.constant 0 : i32
      %sign3A_1041 = vector.broadcast %sign3A_1040 : i32 to vector<16xi32>
      %sign3A_1042 = arith.cmpi slt, %add3A_1031, %sign3A_1041 : vector<16xi32>
      %sign3A_1043 = arith.extui %sign3A_1042 : vector<16xi1> to vector<16xi32>
      %sign3A_1044 = arith.subi %sign3A_1039, %sign3A_1043 : vector<16xi32>
      %sign3A_1045 = arith.constant 0 : i32
      %sign3A_1046 = arith.cmpi sgt, %jit3A_1033, %sign3A_1045 : i32
      %sign3A_1047 = arith.extui %sign3A_1046 : i1 to i32
      %sign3A_1048 = arith.constant 0 : i32
      %sign3A_1049 = arith.cmpi slt, %jit3A_1033, %sign3A_1048 : i32
      %sign3A_1050 = arith.extui %sign3A_1049 : i1 to i32
      %sign3A_1051 = arith.subi %sign3A_1047, %sign3A_1050 : i32
      %ne3A_1052 = vector.broadcast %sign3A_1051 : i32 to vector<16xi32>
      %ne3A_1053 = arith.cmpi ne, %sign3A_1044, %ne3A_1052 : vector<16xi32>
      %rem3A_1054 = vector.broadcast %jit3A_1033 : i32 to vector<16xi32>
      %rem3A_1055 = arith.remsi %add3A_1031, %rem3A_1054 : vector<16xi32>
      %ne3A_1056 = arith.constant 0 : i32
      %ne3A_1057 = vector.broadcast %ne3A_1056 : i32 to vector<16xi32>
      %ne3A_1058 = arith.cmpi ne, %rem3A_1055, %ne3A_1057 : vector<16xi32>
      %and3A_1059 = arith.andi %ne3A_1053, %ne3A_1058 : vector<16xi1>
      %sub3A_1060 = arith.constant 1 : i32
      %sub3A_1061 = vector.broadcast %sub3A_1060 : i32 to vector<16xi32>
      %sub3A_1062 = arith.subi %div3A_1035, %sub3A_1061 : vector<16xi32>
      %select_n3A_1063 = arith.select %and3A_1059, %sub3A_1062, %div3A_1035 : vector<16xi1>, vector<16xi32>
      %jit3A_1064 = arith.constant 8 : i32
      %eq3A_1065 = arith.constant 0 : i32
      %eq3A_1066 = arith.cmpi eq, %jit3A_1064, %eq3A_1065 : i32
      %jit3A_1067 = arith.constant 1 : i32
      %select_n3A_1068 = arith.select %eq3A_1066, %jit3A_1067, %jit3A_1064 : i32
      %rem3A_1069 = vector.broadcast %select_n3A_1068 : i32 to vector<16xi32>
      %rem3A_1070 = arith.remsi %add3A_1031, %rem3A_1069 : vector<16xi32>
      %ne3A_1071 = arith.constant 0 : i32
      %ne3A_1072 = vector.broadcast %ne3A_1071 : i32 to vector<16xi32>
      %ne3A_1073 = arith.cmpi ne, %rem3A_1070, %ne3A_1072 : vector<16xi32>
      %lt3A_1074 = arith.constant 0 : i32
      %lt3A_1075 = vector.broadcast %lt3A_1074 : i32 to vector<16xi32>
      %lt3A_1076 = arith.cmpi slt, %rem3A_1070, %lt3A_1075 : vector<16xi32>
      %lt3A_1077 = arith.constant 0 : i32
      %lt3A_1078 = arith.cmpi slt, %select_n3A_1068, %lt3A_1077 : i32
      %ne3A_1079 = vector.broadcast %lt3A_1078 : i1 to vector<16xi1>
      %ne3A_1080 = vector.broadcast %ne3A_1079 : vector<16xi1> to vector<16xi1>
      %ne3A_1081 = arith.xori %lt3A_1076, %ne3A_1080 : vector<16xi1>
      %and3A_1082 = arith.andi %ne3A_1081, %ne3A_1073 : vector<16xi1>
      %add3A_1083 = vector.broadcast %select_n3A_1068 : i32 to vector<16xi32>
      %add3A_1084 = arith.addi %rem3A_1070, %add3A_1083 : vector<16xi32>
      %select_n3A_1085 = arith.select %and3A_1082, %add3A_1084, %rem3A_1070 : vector<16xi1>, vector<16xi32>
      tpu.vector_store_idx %arg5[%select_n3A_1063, %select_n3A_1085, %add3A_466], %gather3A_1032 : memref<16x8x128xf32, #tpu.memory_space<vmem>>[vector<16xi32>, vector<16xi32>, vector<16xi32>], vector<16xf32>,
      %add3A_1086 = arith.constant 10 : i32
      %add3A_1087 = vector.broadcast %add3A_1086 : i32 to vector<16xi32>
      %add3A_1088 = arith.addi %iota3A, %add3A_1087 : vector<16xi32>
      %and3A_1089 = arith.constant 15 : i32
      %and3A_1090 = vector.broadcast %and3A_1089 : i32 to vector<16xi32>
      %and3A_1091 = arith.andi %add3A_1088, %and3A_1090 : vector<16xi32>
      %add3A_1092 = vector.broadcast %mul3A_464 : i32 to vector<16xi32>
      %add3A_1093 = arith.addi %add3A_1092, %and3A_1091 : vector<16xi32>
      %gather3A_1094 = tpu.vector_load_idx %arg4[%add3A_466, %add3A_1093] : memref<128x128xf32, #tpu.memory_space<vmem>>[vector<16xi32>, vector<16xi32>], vector<16xf32>,
      %jit3A_1095 = arith.constant 8 : i32
      %div3A_1096 = vector.broadcast %jit3A_1095 : i32 to vector<16xi32>
      %div3A_1097 = arith.divsi %add3A_1093, %div3A_1096 : vector<16xi32>
      %sign3A_1098 = arith.constant 0 : i32
      %sign3A_1099 = vector.broadcast %sign3A_1098 : i32 to vector<16xi32>
      %sign3A_1100 = arith.cmpi sgt, %add3A_1093, %sign3A_1099 : vector<16xi32>
      %sign3A_1101 = arith.extui %sign3A_1100 : vector<16xi1> to vector<16xi32>
      %sign3A_1102 = arith.constant 0 : i32
      %sign3A_1103 = vector.broadcast %sign3A_1102 : i32 to vector<16xi32>
      %sign3A_1104 = arith.cmpi slt, %add3A_1093, %sign3A_1103 : vector<16xi32>
      %sign3A_1105 = arith.extui %sign3A_1104 : vector<16xi1> to vector<16xi32>
      %sign3A_1106 = arith.subi %sign3A_1101, %sign3A_1105 : vector<16xi32>
      %sign3A_1107 = arith.constant 0 : i32
      %sign3A_1108 = arith.cmpi sgt, %jit3A_1095, %sign3A_1107 : i32
      %sign3A_1109 = arith.extui %sign3A_1108 : i1 to i32
      %sign3A_1110 = arith.constant 0 : i32
      %sign3A_1111 = arith.cmpi slt, %jit3A_1095, %sign3A_1110 : i32
      %sign3A_1112 = arith.extui %sign3A_1111 : i1 to i32
      %sign3A_1113 = arith.subi %sign3A_1109, %sign3A_1112 : i32
      %ne3A_1114 = vector.broadcast %sign3A_1113 : i32 to vector<16xi32>
      %ne3A_1115 = arith.cmpi ne, %sign3A_1106, %ne3A_1114 : vector<16xi32>
      %rem3A_1116 = vector.broadcast %jit3A_1095 : i32 to vector<16xi32>
      %rem3A_1117 = arith.remsi %add3A_1093, %rem3A_1116 : vector<16xi32>
      %ne3A_1118 = arith.constant 0 : i32
      %ne3A_1119 = vector.broadcast %ne3A_1118 : i32 to vector<16xi32>
      %ne3A_1120 = arith.cmpi ne, %rem3A_1117, %ne3A_1119 : vector<16xi32>
      %and3A_1121 = arith.andi %ne3A_1115, %ne3A_1120 : vector<16xi1>
      %sub3A_1122 = arith.constant 1 : i32
      %sub3A_1123 = vector.broadcast %sub3A_1122 : i32 to vector<16xi32>
      %sub3A_1124 = arith.subi %div3A_1097, %sub3A_1123 : vector<16xi32>
      %select_n3A_1125 = arith.select %and3A_1121, %sub3A_1124, %div3A_1097 : vector<16xi1>, vector<16xi32>
      %jit3A_1126 = arith.constant 8 : i32
      %eq3A_1127 = arith.constant 0 : i32
      %eq3A_1128 = arith.cmpi eq, %jit3A_1126, %eq3A_1127 : i32
      %jit3A_1129 = arith.constant 1 : i32
      %select_n3A_1130 = arith.select %eq3A_1128, %jit3A_1129, %jit3A_1126 : i32
      %rem3A_1131 = vector.broadcast %select_n3A_1130 : i32 to vector<16xi32>
      %rem3A_1132 = arith.remsi %add3A_1093, %rem3A_1131 : vector<16xi32>
      %ne3A_1133 = arith.constant 0 : i32
      %ne3A_1134 = vector.broadcast %ne3A_1133 : i32 to vector<16xi32>
      %ne3A_1135 = arith.cmpi ne, %rem3A_1132, %ne3A_1134 : vector<16xi32>
      %lt3A_1136 = arith.constant 0 : i32
      %lt3A_1137 = vector.broadcast %lt3A_1136 : i32 to vector<16xi32>
      %lt3A_1138 = arith.cmpi slt, %rem3A_1132, %lt3A_1137 : vector<16xi32>
      %lt3A_1139 = arith.constant 0 : i32
      %lt3A_1140 = arith.cmpi slt, %select_n3A_1130, %lt3A_1139 : i32
      %ne3A_1141 = vector.broadcast %lt3A_1140 : i1 to vector<16xi1>
      %ne3A_1142 = vector.broadcast %ne3A_1141 : vector<16xi1> to vector<16xi1>
      %ne3A_1143 = arith.xori %lt3A_1138, %ne3A_1142 : vector<16xi1>
      %and3A_1144 = arith.andi %ne3A_1143, %ne3A_1135 : vector<16xi1>
      %add3A_1145 = vector.broadcast %select_n3A_1130 : i32 to vector<16xi32>
      %add3A_1146 = arith.addi %rem3A_1132, %add3A_1145 : vector<16xi32>
      %select_n3A_1147 = arith.select %and3A_1144, %add3A_1146, %rem3A_1132 : vector<16xi1>, vector<16xi32>
      tpu.vector_store_idx %arg5[%select_n3A_1125, %select_n3A_1147, %add3A_466], %gather3A_1094 : memref<16x8x128xf32, #tpu.memory_space<vmem>>[vector<16xi32>, vector<16xi32>, vector<16xi32>], vector<16xf32>,
      %add3A_1148 = arith.constant 11 : i32
      %add3A_1149 = vector.broadcast %add3A_1148 : i32 to vector<16xi32>
      %add3A_1150 = arith.addi %iota3A, %add3A_1149 : vector<16xi32>
      %and3A_1151 = arith.constant 15 : i32
      %and3A_1152 = vector.broadcast %and3A_1151 : i32 to vector<16xi32>
      %and3A_1153 = arith.andi %add3A_1150, %and3A_1152 : vector<16xi32>
      %add3A_1154 = vector.broadcast %mul3A_464 : i32 to vector<16xi32>
      %add3A_1155 = arith.addi %add3A_1154, %and3A_1153 : vector<16xi32>
      %gather3A_1156 = tpu.vector_load_idx %arg4[%add3A_466, %add3A_1155] : memref<128x128xf32, #tpu.memory_space<vmem>>[vector<16xi32>, vector<16xi32>], vector<16xf32>,
      %jit3A_1157 = arith.constant 8 : i32
      %div3A_1158 = vector.broadcast %jit3A_1157 : i32 to vector<16xi32>
      %div3A_1159 = arith.divsi %add3A_1155, %div3A_1158 : vector<16xi32>
      %sign3A_1160 = arith.constant 0 : i32
      %sign3A_1161 = vector.broadcast %sign3A_1160 : i32 to vector<16xi32>
      %sign3A_1162 = arith.cmpi sgt, %add3A_1155, %sign3A_1161 : vector<16xi32>
      %sign3A_1163 = arith.extui %sign3A_1162 : vector<16xi1> to vector<16xi32>
      %sign3A_1164 = arith.constant 0 : i32
      %sign3A_1165 = vector.broadcast %sign3A_1164 : i32 to vector<16xi32>
      %sign3A_1166 = arith.cmpi slt, %add3A_1155, %sign3A_1165 : vector<16xi32>
      %sign3A_1167 = arith.extui %sign3A_1166 : vector<16xi1> to vector<16xi32>
      %sign3A_1168 = arith.subi %sign3A_1163, %sign3A_1167 : vector<16xi32>
      %sign3A_1169 = arith.constant 0 : i32
      %sign3A_1170 = arith.cmpi sgt, %jit3A_1157, %sign3A_1169 : i32
      %sign3A_1171 = arith.extui %sign3A_1170 : i1 to i32
      %sign3A_1172 = arith.constant 0 : i32
      %sign3A_1173 = arith.cmpi slt, %jit3A_1157, %sign3A_1172 : i32
      %sign3A_1174 = arith.extui %sign3A_1173 : i1 to i32
      %sign3A_1175 = arith.subi %sign3A_1171, %sign3A_1174 : i32
      %ne3A_1176 = vector.broadcast %sign3A_1175 : i32 to vector<16xi32>
      %ne3A_1177 = arith.cmpi ne, %sign3A_1168, %ne3A_1176 : vector<16xi32>
      %rem3A_1178 = vector.broadcast %jit3A_1157 : i32 to vector<16xi32>
      %rem3A_1179 = arith.remsi %add3A_1155, %rem3A_1178 : vector<16xi32>
      %ne3A_1180 = arith.constant 0 : i32
      %ne3A_1181 = vector.broadcast %ne3A_1180 : i32 to vector<16xi32>
      %ne3A_1182 = arith.cmpi ne, %rem3A_1179, %ne3A_1181 : vector<16xi32>
      %and3A_1183 = arith.andi %ne3A_1177, %ne3A_1182 : vector<16xi1>
      %sub3A_1184 = arith.constant 1 : i32
      %sub3A_1185 = vector.broadcast %sub3A_1184 : i32 to vector<16xi32>
      %sub3A_1186 = arith.subi %div3A_1159, %sub3A_1185 : vector<16xi32>
      %select_n3A_1187 = arith.select %and3A_1183, %sub3A_1186, %div3A_1159 : vector<16xi1>, vector<16xi32>
      %jit3A_1188 = arith.constant 8 : i32
      %eq3A_1189 = arith.constant 0 : i32
      %eq3A_1190 = arith.cmpi eq, %jit3A_1188, %eq3A_1189 : i32
      %jit3A_1191 = arith.constant 1 : i32
      %select_n3A_1192 = arith.select %eq3A_1190, %jit3A_1191, %jit3A_1188 : i32
      %rem3A_1193 = vector.broadcast %select_n3A_1192 : i32 to vector<16xi32>
      %rem3A_1194 = arith.remsi %add3A_1155, %rem3A_1193 : vector<16xi32>
      %ne3A_1195 = arith.constant 0 : i32
      %ne3A_1196 = vector.broadcast %ne3A_1195 : i32 to vector<16xi32>
      %ne3A_1197 = arith.cmpi ne, %rem3A_1194, %ne3A_1196 : vector<16xi32>
      %lt3A_1198 = arith.constant 0 : i32
      %lt3A_1199 = vector.broadcast %lt3A_1198 : i32 to vector<16xi32>
      %lt3A_1200 = arith.cmpi slt, %rem3A_1194, %lt3A_1199 : vector<16xi32>
      %lt3A_1201 = arith.constant 0 : i32
      %lt3A_1202 = arith.cmpi slt, %select_n3A_1192, %lt3A_1201 : i32
      %ne3A_1203 = vector.broadcast %lt3A_1202 : i1 to vector<16xi1>
      %ne3A_1204 = vector.broadcast %ne3A_1203 : vector<16xi1> to vector<16xi1>
      %ne3A_1205 = arith.xori %lt3A_1200, %ne3A_1204 : vector<16xi1>
      %and3A_1206 = arith.andi %ne3A_1205, %ne3A_1197 : vector<16xi1>
      %add3A_1207 = vector.broadcast %select_n3A_1192 : i32 to vector<16xi32>
      %add3A_1208 = arith.addi %rem3A_1194, %add3A_1207 : vector<16xi32>
      %select_n3A_1209 = arith.select %and3A_1206, %add3A_1208, %rem3A_1194 : vector<16xi1>, vector<16xi32>
      tpu.vector_store_idx %arg5[%select_n3A_1187, %select_n3A_1209, %add3A_466], %gather3A_1156 : memref<16x8x128xf32, #tpu.memory_space<vmem>>[vector<16xi32>, vector<16xi32>, vector<16xi32>], vector<16xf32>,
      %add3A_1210 = arith.constant 12 : i32
      %add3A_1211 = vector.broadcast %add3A_1210 : i32 to vector<16xi32>
      %add3A_1212 = arith.addi %iota3A, %add3A_1211 : vector<16xi32>
      %and3A_1213 = arith.constant 15 : i32
      %and3A_1214 = vector.broadcast %and3A_1213 : i32 to vector<16xi32>
      %and3A_1215 = arith.andi %add3A_1212, %and3A_1214 : vector<16xi32>
      %add3A_1216 = vector.broadcast %mul3A_464 : i32 to vector<16xi32>
      %add3A_1217 = arith.addi %add3A_1216, %and3A_1215 : vector<16xi32>
      %gather3A_1218 = tpu.vector_load_idx %arg4[%add3A_466, %add3A_1217] : memref<128x128xf32, #tpu.memory_space<vmem>>[vector<16xi32>, vector<16xi32>], vector<16xf32>,
      %jit3A_1219 = arith.constant 8 : i32
      %div3A_1220 = vector.broadcast %jit3A_1219 : i32 to vector<16xi32>
      %div3A_1221 = arith.divsi %add3A_1217, %div3A_1220 : vector<16xi32>
      %sign3A_1222 = arith.constant 0 : i32
      %sign3A_1223 = vector.broadcast %sign3A_1222 : i32 to vector<16xi32>
      %sign3A_1224 = arith.cmpi sgt, %add3A_1217, %sign3A_1223 : vector<16xi32>
      %sign3A_1225 = arith.extui %sign3A_1224 : vector<16xi1> to vector<16xi32>
      %sign3A_1226 = arith.constant 0 : i32
      %sign3A_1227 = vector.broadcast %sign3A_1226 : i32 to vector<16xi32>
      %sign3A_1228 = arith.cmpi slt, %add3A_1217, %sign3A_1227 : vector<16xi32>
      %sign3A_1229 = arith.extui %sign3A_1228 : vector<16xi1> to vector<16xi32>
      %sign3A_1230 = arith.subi %sign3A_1225, %sign3A_1229 : vector<16xi32>
      %sign3A_1231 = arith.constant 0 : i32
      %sign3A_1232 = arith.cmpi sgt, %jit3A_1219, %sign3A_1231 : i32
      %sign3A_1233 = arith.extui %sign3A_1232 : i1 to i32
      %sign3A_1234 = arith.constant 0 : i32
      %sign3A_1235 = arith.cmpi slt, %jit3A_1219, %sign3A_1234 : i32
      %sign3A_1236 = arith.extui %sign3A_1235 : i1 to i32
      %sign3A_1237 = arith.subi %sign3A_1233, %sign3A_1236 : i32
      %ne3A_1238 = vector.broadcast %sign3A_1237 : i32 to vector<16xi32>
      %ne3A_1239 = arith.cmpi ne, %sign3A_1230, %ne3A_1238 : vector<16xi32>
      %rem3A_1240 = vector.broadcast %jit3A_1219 : i32 to vector<16xi32>
      %rem3A_1241 = arith.remsi %add3A_1217, %rem3A_1240 : vector<16xi32>
      %ne3A_1242 = arith.constant 0 : i32
      %ne3A_1243 = vector.broadcast %ne3A_1242 : i32 to vector<16xi32>
      %ne3A_1244 = arith.cmpi ne, %rem3A_1241, %ne3A_1243 : vector<16xi32>
      %and3A_1245 = arith.andi %ne3A_1239, %ne3A_1244 : vector<16xi1>
      %sub3A_1246 = arith.constant 1 : i32
      %sub3A_1247 = vector.broadcast %sub3A_1246 : i32 to vector<16xi32>
      %sub3A_1248 = arith.subi %div3A_1221, %sub3A_1247 : vector<16xi32>
      %select_n3A_1249 = arith.select %and3A_1245, %sub3A_1248, %div3A_1221 : vector<16xi1>, vector<16xi32>
      %jit3A_1250 = arith.constant 8 : i32
      %eq3A_1251 = arith.constant 0 : i32
      %eq3A_1252 = arith.cmpi eq, %jit3A_1250, %eq3A_1251 : i32
      %jit3A_1253 = arith.constant 1 : i32
      %select_n3A_1254 = arith.select %eq3A_1252, %jit3A_1253, %jit3A_1250 : i32
      %rem3A_1255 = vector.broadcast %select_n3A_1254 : i32 to vector<16xi32>
      %rem3A_1256 = arith.remsi %add3A_1217, %rem3A_1255 : vector<16xi32>
      %ne3A_1257 = arith.constant 0 : i32
      %ne3A_1258 = vector.broadcast %ne3A_1257 : i32 to vector<16xi32>
      %ne3A_1259 = arith.cmpi ne, %rem3A_1256, %ne3A_1258 : vector<16xi32>
      %lt3A_1260 = arith.constant 0 : i32
      %lt3A_1261 = vector.broadcast %lt3A_1260 : i32 to vector<16xi32>
      %lt3A_1262 = arith.cmpi slt, %rem3A_1256, %lt3A_1261 : vector<16xi32>
      %lt3A_1263 = arith.constant 0 : i32
      %lt3A_1264 = arith.cmpi slt, %select_n3A_1254, %lt3A_1263 : i32
      %ne3A_1265 = vector.broadcast %lt3A_1264 : i1 to vector<16xi1>
      %ne3A_1266 = vector.broadcast %ne3A_1265 : vector<16xi1> to vector<16xi1>
      %ne3A_1267 = arith.xori %lt3A_1262, %ne3A_1266 : vector<16xi1>
      %and3A_1268 = arith.andi %ne3A_1267, %ne3A_1259 : vector<16xi1>
      %add3A_1269 = vector.broadcast %select_n3A_1254 : i32 to vector<16xi32>
      %add3A_1270 = arith.addi %rem3A_1256, %add3A_1269 : vector<16xi32>
      %select_n3A_1271 = arith.select %and3A_1268, %add3A_1270, %rem3A_1256 : vector<16xi1>, vector<16xi32>
      tpu.vector_store_idx %arg5[%select_n3A_1249, %select_n3A_1271, %add3A_466], %gather3A_1218 : memref<16x8x128xf32, #tpu.memory_space<vmem>>[vector<16xi32>, vector<16xi32>, vector<16xi32>], vector<16xf32>,
      %add3A_1272 = arith.constant 13 : i32
      %add3A_1273 = vector.broadcast %add3A_1272 : i32 to vector<16xi32>
      %add3A_1274 = arith.addi %iota3A, %add3A_1273 : vector<16xi32>
      %and3A_1275 = arith.constant 15 : i32
      %and3A_1276 = vector.broadcast %and3A_1275 : i32 to vector<16xi32>
      %and3A_1277 = arith.andi %add3A_1274, %and3A_1276 : vector<16xi32>
      %add3A_1278 = vector.broadcast %mul3A_464 : i32 to vector<16xi32>
      %add3A_1279 = arith.addi %add3A_1278, %and3A_1277 : vector<16xi32>
      %gather3A_1280 = tpu.vector_load_idx %arg4[%add3A_466, %add3A_1279] : memref<128x128xf32, #tpu.memory_space<vmem>>[vector<16xi32>, vector<16xi32>], vector<16xf32>,
      %jit3A_1281 = arith.constant 8 : i32
      %div3A_1282 = vector.broadcast %jit3A_1281 : i32 to vector<16xi32>
      %div3A_1283 = arith.divsi %add3A_1279, %div3A_1282 : vector<16xi32>
      %sign3A_1284 = arith.constant 0 : i32
      %sign3A_1285 = vector.broadcast %sign3A_1284 : i32 to vector<16xi32>
      %sign3A_1286 = arith.cmpi sgt, %add3A_1279, %sign3A_1285 : vector<16xi32>
      %sign3A_1287 = arith.extui %sign3A_1286 : vector<16xi1> to vector<16xi32>
      %sign3A_1288 = arith.constant 0 : i32
      %sign3A_1289 = vector.broadcast %sign3A_1288 : i32 to vector<16xi32>
      %sign3A_1290 = arith.cmpi slt, %add3A_1279, %sign3A_1289 : vector<16xi32>
      %sign3A_1291 = arith.extui %sign3A_1290 : vector<16xi1> to vector<16xi32>
      %sign3A_1292 = arith.subi %sign3A_1287, %sign3A_1291 : vector<16xi32>
      %sign3A_1293 = arith.constant 0 : i32
      %sign3A_1294 = arith.cmpi sgt, %jit3A_1281, %sign3A_1293 : i32
      %sign3A_1295 = arith.extui %sign3A_1294 : i1 to i32
      %sign3A_1296 = arith.constant 0 : i32
      %sign3A_1297 = arith.cmpi slt, %jit3A_1281, %sign3A_1296 : i32
      %sign3A_1298 = arith.extui %sign3A_1297 : i1 to i32
      %sign3A_1299 = arith.subi %sign3A_1295, %sign3A_1298 : i32
      %ne3A_1300 = vector.broadcast %sign3A_1299 : i32 to vector<16xi32>
      %ne3A_1301 = arith.cmpi ne, %sign3A_1292, %ne3A_1300 : vector<16xi32>
      %rem3A_1302 = vector.broadcast %jit3A_1281 : i32 to vector<16xi32>
      %rem3A_1303 = arith.remsi %add3A_1279, %rem3A_1302 : vector<16xi32>
      %ne3A_1304 = arith.constant 0 : i32
      %ne3A_1305 = vector.broadcast %ne3A_1304 : i32 to vector<16xi32>
      %ne3A_1306 = arith.cmpi ne, %rem3A_1303, %ne3A_1305 : vector<16xi32>
      %and3A_1307 = arith.andi %ne3A_1301, %ne3A_1306 : vector<16xi1>
      %sub3A_1308 = arith.constant 1 : i32
      %sub3A_1309 = vector.broadcast %sub3A_1308 : i32 to vector<16xi32>
      %sub3A_1310 = arith.subi %div3A_1283, %sub3A_1309 : vector<16xi32>
      %select_n3A_1311 = arith.select %and3A_1307, %sub3A_1310, %div3A_1283 : vector<16xi1>, vector<16xi32>
      %jit3A_1312 = arith.constant 8 : i32
      %eq3A_1313 = arith.constant 0 : i32
      %eq3A_1314 = arith.cmpi eq, %jit3A_1312, %eq3A_1313 : i32
      %jit3A_1315 = arith.constant 1 : i32
      %select_n3A_1316 = arith.select %eq3A_1314, %jit3A_1315, %jit3A_1312 : i32
      %rem3A_1317 = vector.broadcast %select_n3A_1316 : i32 to vector<16xi32>
      %rem3A_1318 = arith.remsi %add3A_1279, %rem3A_1317 : vector<16xi32>
      %ne3A_1319 = arith.constant 0 : i32
      %ne3A_1320 = vector.broadcast %ne3A_1319 : i32 to vector<16xi32>
      %ne3A_1321 = arith.cmpi ne, %rem3A_1318, %ne3A_1320 : vector<16xi32>
      %lt3A_1322 = arith.constant 0 : i32
      %lt3A_1323 = vector.broadcast %lt3A_1322 : i32 to vector<16xi32>
      %lt3A_1324 = arith.cmpi slt, %rem3A_1318, %lt3A_1323 : vector<16xi32>
      %lt3A_1325 = arith.constant 0 : i32
      %lt3A_1326 = arith.cmpi slt, %select_n3A_1316, %lt3A_1325 : i32
      %ne3A_1327 = vector.broadcast %lt3A_1326 : i1 to vector<16xi1>
      %ne3A_1328 = vector.broadcast %ne3A_1327 : vector<16xi1> to vector<16xi1>
      %ne3A_1329 = arith.xori %lt3A_1324, %ne3A_1328 : vector<16xi1>
      %and3A_1330 = arith.andi %ne3A_1329, %ne3A_1321 : vector<16xi1>
      %add3A_1331 = vector.broadcast %select_n3A_1316 : i32 to vector<16xi32>
      %add3A_1332 = arith.addi %rem3A_1318, %add3A_1331 : vector<16xi32>
      %select_n3A_1333 = arith.select %and3A_1330, %add3A_1332, %rem3A_1318 : vector<16xi1>, vector<16xi32>
      tpu.vector_store_idx %arg5[%select_n3A_1311, %select_n3A_1333, %add3A_466], %gather3A_1280 : memref<16x8x128xf32, #tpu.memory_space<vmem>>[vector<16xi32>, vector<16xi32>, vector<16xi32>], vector<16xf32>,
      %add3A_1334 = arith.constant 14 : i32
      %add3A_1335 = vector.broadcast %add3A_1334 : i32 to vector<16xi32>
      %add3A_1336 = arith.addi %iota3A, %add3A_1335 : vector<16xi32>
      %and3A_1337 = arith.constant 15 : i32
      %and3A_1338 = vector.broadcast %and3A_1337 : i32 to vector<16xi32>
      %and3A_1339 = arith.andi %add3A_1336, %and3A_1338 : vector<16xi32>
      %add3A_1340 = vector.broadcast %mul3A_464 : i32 to vector<16xi32>
      %add3A_1341 = arith.addi %add3A_1340, %and3A_1339 : vector<16xi32>
      %gather3A_1342 = tpu.vector_load_idx %arg4[%add3A_466, %add3A_1341] : memref<128x128xf32, #tpu.memory_space<vmem>>[vector<16xi32>, vector<16xi32>], vector<16xf32>,
      %jit3A_1343 = arith.constant 8 : i32
      %div3A_1344 = vector.broadcast %jit3A_1343 : i32 to vector<16xi32>
      %div3A_1345 = arith.divsi %add3A_1341, %div3A_1344 : vector<16xi32>
      %sign3A_1346 = arith.constant 0 : i32
      %sign3A_1347 = vector.broadcast %sign3A_1346 : i32 to vector<16xi32>
      %sign3A_1348 = arith.cmpi sgt, %add3A_1341, %sign3A_1347 : vector<16xi32>
      %sign3A_1349 = arith.extui %sign3A_1348 : vector<16xi1> to vector<16xi32>
      %sign3A_1350 = arith.constant 0 : i32
      %sign3A_1351 = vector.broadcast %sign3A_1350 : i32 to vector<16xi32>
      %sign3A_1352 = arith.cmpi slt, %add3A_1341, %sign3A_1351 : vector<16xi32>
      %sign3A_1353 = arith.extui %sign3A_1352 : vector<16xi1> to vector<16xi32>
      %sign3A_1354 = arith.subi %sign3A_1349, %sign3A_1353 : vector<16xi32>
      %sign3A_1355 = arith.constant 0 : i32
      %sign3A_1356 = arith.cmpi sgt, %jit3A_1343, %sign3A_1355 : i32
      %sign3A_1357 = arith.extui %sign3A_1356 : i1 to i32
      %sign3A_1358 = arith.constant 0 : i32
      %sign3A_1359 = arith.cmpi slt, %jit3A_1343, %sign3A_1358 : i32
      %sign3A_1360 = arith.extui %sign3A_1359 : i1 to i32
      %sign3A_1361 = arith.subi %sign3A_1357, %sign3A_1360 : i32
      %ne3A_1362 = vector.broadcast %sign3A_1361 : i32 to vector<16xi32>
      %ne3A_1363 = arith.cmpi ne, %sign3A_1354, %ne3A_1362 : vector<16xi32>
      %rem3A_1364 = vector.broadcast %jit3A_1343 : i32 to vector<16xi32>
      %rem3A_1365 = arith.remsi %add3A_1341, %rem3A_1364 : vector<16xi32>
      %ne3A_1366 = arith.constant 0 : i32
      %ne3A_1367 = vector.broadcast %ne3A_1366 : i32 to vector<16xi32>
      %ne3A_1368 = arith.cmpi ne, %rem3A_1365, %ne3A_1367 : vector<16xi32>
      %and3A_1369 = arith.andi %ne3A_1363, %ne3A_1368 : vector<16xi1>
      %sub3A_1370 = arith.constant 1 : i32
      %sub3A_1371 = vector.broadcast %sub3A_1370 : i32 to vector<16xi32>
      %sub3A_1372 = arith.subi %div3A_1345, %sub3A_1371 : vector<16xi32>
      %select_n3A_1373 = arith.select %and3A_1369, %sub3A_1372, %div3A_1345 : vector<16xi1>, vector<16xi32>
      %jit3A_1374 = arith.constant 8 : i32
      %eq3A_1375 = arith.constant 0 : i32
      %eq3A_1376 = arith.cmpi eq, %jit3A_1374, %eq3A_1375 : i32
      %jit3A_1377 = arith.constant 1 : i32
      %select_n3A_1378 = arith.select %eq3A_1376, %jit3A_1377, %jit3A_1374 : i32
      %rem3A_1379 = vector.broadcast %select_n3A_1378 : i32 to vector<16xi32>
      %rem3A_1380 = arith.remsi %add3A_1341, %rem3A_1379 : vector<16xi32>
      %ne3A_1381 = arith.constant 0 : i32
      %ne3A_1382 = vector.broadcast %ne3A_1381 : i32 to vector<16xi32>
      %ne3A_1383 = arith.cmpi ne, %rem3A_1380, %ne3A_1382 : vector<16xi32>
      %lt3A_1384 = arith.constant 0 : i32
      %lt3A_1385 = vector.broadcast %lt3A_1384 : i32 to vector<16xi32>
      %lt3A_1386 = arith.cmpi slt, %rem3A_1380, %lt3A_1385 : vector<16xi32>
      %lt3A_1387 = arith.constant 0 : i32
      %lt3A_1388 = arith.cmpi slt, %select_n3A_1378, %lt3A_1387 : i32
      %ne3A_1389 = vector.broadcast %lt3A_1388 : i1 to vector<16xi1>
      %ne3A_1390 = vector.broadcast %ne3A_1389 : vector<16xi1> to vector<16xi1>
      %ne3A_1391 = arith.xori %lt3A_1386, %ne3A_1390 : vector<16xi1>
      %and3A_1392 = arith.andi %ne3A_1391, %ne3A_1383 : vector<16xi1>
      %add3A_1393 = vector.broadcast %select_n3A_1378 : i32 to vector<16xi32>
      %add3A_1394 = arith.addi %rem3A_1380, %add3A_1393 : vector<16xi32>
      %select_n3A_1395 = arith.select %and3A_1392, %add3A_1394, %rem3A_1380 : vector<16xi1>, vector<16xi32>
      tpu.vector_store_idx %arg5[%select_n3A_1373, %select_n3A_1395, %add3A_466], %gather3A_1342 : memref<16x8x128xf32, #tpu.memory_space<vmem>>[vector<16xi32>, vector<16xi32>, vector<16xi32>], vector<16xf32>,
      %add3A_1396 = arith.constant 15 : i32
      %add3A_1397 = vector.broadcast %add3A_1396 : i32 to vector<16xi32>
      %add3A_1398 = arith.addi %iota3A, %add3A_1397 : vector<16xi32>
      %and3A_1399 = arith.constant 15 : i32
      %and3A_1400 = vector.broadcast %and3A_1399 : i32 to vector<16xi32>
      %and3A_1401 = arith.andi %add3A_1398, %and3A_1400 : vector<16xi32>
      %add3A_1402 = vector.broadcast %mul3A_464 : i32 to vector<16xi32>
      %add3A_1403 = arith.addi %add3A_1402, %and3A_1401 : vector<16xi32>
      %gather3A_1404 = tpu.vector_load_idx %arg4[%add3A_466, %add3A_1403] : memref<128x128xf32, #tpu.memory_space<vmem>>[vector<16xi32>, vector<16xi32>], vector<16xf32>,
      %jit3A_1405 = arith.constant 8 : i32
      %div3A_1406 = vector.broadcast %jit3A_1405 : i32 to vector<16xi32>
      %div3A_1407 = arith.divsi %add3A_1403, %div3A_1406 : vector<16xi32>
      %sign3A_1408 = arith.constant 0 : i32
      %sign3A_1409 = vector.broadcast %sign3A_1408 : i32 to vector<16xi32>
      %sign3A_1410 = arith.cmpi sgt, %add3A_1403, %sign3A_1409 : vector<16xi32>
      %sign3A_1411 = arith.extui %sign3A_1410 : vector<16xi1> to vector<16xi32>
      %sign3A_1412 = arith.constant 0 : i32
      %sign3A_1413 = vector.broadcast %sign3A_1412 : i32 to vector<16xi32>
      %sign3A_1414 = arith.cmpi slt, %add3A_1403, %sign3A_1413 : vector<16xi32>
      %sign3A_1415 = arith.extui %sign3A_1414 : vector<16xi1> to vector<16xi32>
      %sign3A_1416 = arith.subi %sign3A_1411, %sign3A_1415 : vector<16xi32>
      %sign3A_1417 = arith.constant 0 : i32
      %sign3A_1418 = arith.cmpi sgt, %jit3A_1405, %sign3A_1417 : i32
      %sign3A_1419 = arith.extui %sign3A_1418 : i1 to i32
      %sign3A_1420 = arith.constant 0 : i32
      %sign3A_1421 = arith.cmpi slt, %jit3A_1405, %sign3A_1420 : i32
      %sign3A_1422 = arith.extui %sign3A_1421 : i1 to i32
      %sign3A_1423 = arith.subi %sign3A_1419, %sign3A_1422 : i32
      %ne3A_1424 = vector.broadcast %sign3A_1423 : i32 to vector<16xi32>
      %ne3A_1425 = arith.cmpi ne, %sign3A_1416, %ne3A_1424 : vector<16xi32>
      %rem3A_1426 = vector.broadcast %jit3A_1405 : i32 to vector<16xi32>
      %rem3A_1427 = arith.remsi %add3A_1403, %rem3A_1426 : vector<16xi32>
      %ne3A_1428 = arith.constant 0 : i32
      %ne3A_1429 = vector.broadcast %ne3A_1428 : i32 to vector<16xi32>
      %ne3A_1430 = arith.cmpi ne, %rem3A_1427, %ne3A_1429 : vector<16xi32>
      %and3A_1431 = arith.andi %ne3A_1425, %ne3A_1430 : vector<16xi1>
      %sub3A_1432 = arith.constant 1 : i32
      %sub3A_1433 = vector.broadcast %sub3A_1432 : i32 to vector<16xi32>
      %sub3A_1434 = arith.subi %div3A_1407, %sub3A_1433 : vector<16xi32>
      %select_n3A_1435 = arith.select %and3A_1431, %sub3A_1434, %div3A_1407 : vector<16xi1>, vector<16xi32>
      %jit3A_1436 = arith.constant 8 : i32
      %eq3A_1437 = arith.constant 0 : i32
      %eq3A_1438 = arith.cmpi eq, %jit3A_1436, %eq3A_1437 : i32
      %jit3A_1439 = arith.constant 1 : i32
      %select_n3A_1440 = arith.select %eq3A_1438, %jit3A_1439, %jit3A_1436 : i32
      %rem3A_1441 = vector.broadcast %select_n3A_1440 : i32 to vector<16xi32>
      %rem3A_1442 = arith.remsi %add3A_1403, %rem3A_1441 : vector<16xi32>
      %ne3A_1443 = arith.constant 0 : i32
      %ne3A_1444 = vector.broadcast %ne3A_1443 : i32 to vector<16xi32>
      %ne3A_1445 = arith.cmpi ne, %rem3A_1442, %ne3A_1444 : vector<16xi32>
      %lt3A_1446 = arith.constant 0 : i32
      %lt3A_1447 = vector.broadcast %lt3A_1446 : i32 to vector<16xi32>
      %lt3A_1448 = arith.cmpi slt, %rem3A_1442, %lt3A_1447 : vector<16xi32>
      %lt3A_1449 = arith.constant 0 : i32
      %lt3A_1450 = arith.cmpi slt, %select_n3A_1440, %lt3A_1449 : i32
      %ne3A_1451 = vector.broadcast %lt3A_1450 : i1 to vector<16xi1>
      %ne3A_1452 = vector.broadcast %ne3A_1451 : vector<16xi1> to vector<16xi1>
      %ne3A_1453 = arith.xori %lt3A_1448, %ne3A_1452 : vector<16xi1>
      %and3A_1454 = arith.andi %ne3A_1453, %ne3A_1445 : vector<16xi1>
      %add3A_1455 = vector.broadcast %select_n3A_1440 : i32 to vector<16xi32>
      %add3A_1456 = arith.addi %rem3A_1442, %add3A_1455 : vector<16xi32>
      %select_n3A_1457 = arith.select %and3A_1454, %add3A_1456, %rem3A_1442 : vector<16xi1>, vector<16xi32>
      tpu.vector_store_idx %arg5[%select_n3A_1435, %select_n3A_1457, %add3A_466], %gather3A_1404 : memref<16x8x128xf32, #tpu.memory_space<vmem>>[vector<16xi32>, vector<16xi32>, vector<16xi32>], vector<16xf32>,
    }
    %scan3A_13 = arith.constant 64 : i32
    %dma_start3A_14 = arith.constant 0 : i32
    %dma_start3A_15 = arith.constant 0 : i32
    %dma_start3A_16 = arith.constant 0 : i32
    %dma_start3A_17 = tpu.memref_slice %arg5[%dma_start3A_14, %dma_start3A_15, %dma_start3A_16] : memref<16x8x128xf32, #tpu.memory_space<vmem>> -> memref<1x8x128xf32, #tpu.memory_space<vmem>>
    %dma_start3A_18 = tpu.memref_squeeze %dma_start3A_17 : memref<1x8x128xf32, #tpu.memory_space<vmem>> -> memref<8x128xf32, #tpu.memory_space<vmem>>
    %dma_start3A_19 = arith.constant 0 : i32
    %dma_start3A_20 = tpu.memref_slice %arg3[%dma_start3A_19, %mul3A_2] : memref<128x4096xf32, #tpu.memory_space<hbm>> -> memref<8x128xf32, #tpu.memory_space<hbm>>
    %dma_start3A_21 = arith.constant 0 : i32
    %dma_start3A_22 = tpu.memref_slice %arg3[%dma_start3A_21, %mul3A_2] : memref<128x4096xf32, #tpu.memory_space<hbm>> -> memref<8x128xf32, #tpu.memory_space<hbm>>
    %dma_start3A_23 = arith.constant 0 : i32
    %dma_start3A_24 = arith.constant 0 : i32
    %dma_start3A_25 = tpu.memref_slice %arg5[%dma_start3A_14, %dma_start3A_23, %dma_start3A_24] : memref<16x8x128xf32, #tpu.memory_space<vmem>> -> memref<1x8x128xf32, #tpu.memory_space<vmem>>
    %dma_start3A_26 = tpu.memref_squeeze %dma_start3A_25 : memref<1x8x128xf32, #tpu.memory_space<vmem>> -> memref<8x128xf32, #tpu.memory_space<vmem>>
    tpu.enqueue_dma source(%dma_start3A_26 : memref<8x128xf32, #tpu.memory_space<vmem>>) target(%dma_start3A_22 : memref<8x128xf32, #tpu.memory_space<hbm>>) target_semaphore(%arg7 : memref<!tpu.dma_semaphore, #tpu.memory_space<semaphore_mem>>)
    %dma_start3A_27 = arith.constant 1 : i32
    %dma_start3A_28 = arith.constant 0 : i32
    %dma_start3A_29 = arith.constant 0 : i32
    %dma_start3A_30 = tpu.memref_slice %arg5[%dma_start3A_27, %dma_start3A_28, %dma_start3A_29] : memref<16x8x128xf32, #tpu.memory_space<vmem>> -> memref<1x8x128xf32, #tpu.memory_space<vmem>>
    %dma_start3A_31 = tpu.memref_squeeze %dma_start3A_30 : memref<1x8x128xf32, #tpu.memory_space<vmem>> -> memref<8x128xf32, #tpu.memory_space<vmem>>
    %dma_start3A_32 = arith.constant 8 : i32
    %dma_start3A_33 = tpu.memref_slice %arg3[%dma_start3A_32, %mul3A_2] : memref<128x4096xf32, #tpu.memory_space<hbm>> -> memref<8x128xf32, #tpu.memory_space<hbm>>
    %dma_start3A_34 = arith.constant 8 : i32
    %dma_start3A_35 = tpu.memref_slice %arg3[%dma_start3A_34, %mul3A_2] : memref<128x4096xf32, #tpu.memory_space<hbm>> -> memref<8x128xf32, #tpu.memory_space<hbm>>
    %dma_start3A_36 = arith.constant 0 : i32
    %dma_start3A_37 = arith.constant 0 : i32
    %dma_start3A_38 = tpu.memref_slice %arg5[%dma_start3A_27, %dma_start3A_36, %dma_start3A_37] : memref<16x8x128xf32, #tpu.memory_space<vmem>> -> memref<1x8x128xf32, #tpu.memory_space<vmem>>
    %dma_start3A_39 = tpu.memref_squeeze %dma_start3A_38 : memref<1x8x128xf32, #tpu.memory_space<vmem>> -> memref<8x128xf32, #tpu.memory_space<vmem>>
    tpu.enqueue_dma source(%dma_start3A_39 : memref<8x128xf32, #tpu.memory_space<vmem>>) target(%dma_start3A_35 : memref<8x128xf32, #tpu.memory_space<hbm>>) target_semaphore(%arg7 : memref<!tpu.dma_semaphore, #tpu.memory_space<semaphore_mem>>)
    %dma_start3A_40 = arith.constant 2 : i32
    %dma_start3A_41 = arith.constant 0 : i32
    %dma_start3A_42 = arith.constant 0 : i32
    %dma_start3A_43 = tpu.memref_slice %arg5[%dma_start3A_40, %dma_start3A_41, %dma_start3A_42] : memref<16x8x128xf32, #tpu.memory_space<vmem>> -> memref<1x8x128xf32, #tpu.memory_space<vmem>>
    %dma_start3A_44 = tpu.memref_squeeze %dma_start3A_43 : memref<1x8x128xf32, #tpu.memory_space<vmem>> -> memref<8x128xf32, #tpu.memory_space<vmem>>
    %dma_start3A_45 = arith.constant 16 : i32
    %dma_start3A_46 = tpu.memref_slice %arg3[%dma_start3A_45, %mul3A_2] : memref<128x4096xf32, #tpu.memory_space<hbm>> -> memref<8x128xf32, #tpu.memory_space<hbm>>
    %dma_start3A_47 = arith.constant 16 : i32
    %dma_start3A_48 = tpu.memref_slice %arg3[%dma_start3A_47, %mul3A_2] : memref<128x4096xf32, #tpu.memory_space<hbm>> -> memref<8x128xf32, #tpu.memory_space<hbm>>
    %dma_start3A_49 = arith.constant 0 : i32
    %dma_start3A_50 = arith.constant 0 : i32
    %dma_start3A_51 = tpu.memref_slice %arg5[%dma_start3A_40, %dma_start3A_49, %dma_start3A_50] : memref<16x8x128xf32, #tpu.memory_space<vmem>> -> memref<1x8x128xf32, #tpu.memory_space<vmem>>
    %dma_start3A_52 = tpu.memref_squeeze %dma_start3A_51 : memref<1x8x128xf32, #tpu.memory_space<vmem>> -> memref<8x128xf32, #tpu.memory_space<vmem>>
    tpu.enqueue_dma source(%dma_start3A_52 : memref<8x128xf32, #tpu.memory_space<vmem>>) target(%dma_start3A_48 : memref<8x128xf32, #tpu.memory_space<hbm>>) target_semaphore(%arg7 : memref<!tpu.dma_semaphore, #tpu.memory_space<semaphore_mem>>)
    %dma_start3A_53 = arith.constant 3 : i32
    %dma_start3A_54 = arith.constant 0 : i32
    %dma_start3A_55 = arith.constant 0 : i32
    %dma_start3A_56 = tpu.memref_slice %arg5[%dma_start3A_53, %dma_start3A_54, %dma_start3A_55] : memref<16x8x128xf32, #tpu.memory_space<vmem>> -> memref<1x8x128xf32, #tpu.memory_space<vmem>>
    %dma_start3A_57 = tpu.memref_squeeze %dma_start3A_56 : memref<1x8x128xf32, #tpu.memory_space<vmem>> -> memref<8x128xf32, #tpu.memory_space<vmem>>
    %dma_start3A_58 = arith.constant 24 : i32
    %dma_start3A_59 = tpu.memref_slice %arg3[%dma_start3A_58, %mul3A_2] : memref<128x4096xf32, #tpu.memory_space<hbm>> -> memref<8x128xf32, #tpu.memory_space<hbm>>
    %dma_start3A_60 = arith.constant 24 : i32
    %dma_start3A_61 = tpu.memref_slice %arg3[%dma_start3A_60, %mul3A_2] : memref<128x4096xf32, #tpu.memory_space<hbm>> -> memref<8x128xf32, #tpu.memory_space<hbm>>
    %dma_start3A_62 = arith.constant 0 : i32
    %dma_start3A_63 = arith.constant 0 : i32
    %dma_start3A_64 = tpu.memref_slice %arg5[%dma_start3A_53, %dma_start3A_62, %dma_start3A_63] : memref<16x8x128xf32, #tpu.memory_space<vmem>> -> memref<1x8x128xf32, #tpu.memory_space<vmem>>
    %dma_start3A_65 = tpu.memref_squeeze %dma_start3A_64 : memref<1x8x128xf32, #tpu.memory_space<vmem>> -> memref<8x128xf32, #tpu.memory_space<vmem>>
    tpu.enqueue_dma source(%dma_start3A_65 : memref<8x128xf32, #tpu.memory_space<vmem>>) target(%dma_start3A_61 : memref<8x128xf32, #tpu.memory_space<hbm>>) target_semaphore(%arg7 : memref<!tpu.dma_semaphore, #tpu.memory_space<semaphore_mem>>)
    %dma_start3A_66 = arith.constant 4 : i32
    %dma_start3A_67 = arith.constant 0 : i32
    %dma_start3A_68 = arith.constant 0 : i32
    %dma_start3A_69 = tpu.memref_slice %arg5[%dma_start3A_66, %dma_start3A_67, %dma_start3A_68] : memref<16x8x128xf32, #tpu.memory_space<vmem>> -> memref<1x8x128xf32, #tpu.memory_space<vmem>>
    %dma_start3A_70 = tpu.memref_squeeze %dma_start3A_69 : memref<1x8x128xf32, #tpu.memory_space<vmem>> -> memref<8x128xf32, #tpu.memory_space<vmem>>
    %dma_start3A_71 = arith.constant 32 : i32
    %dma_start3A_72 = tpu.memref_slice %arg3[%dma_start3A_71, %mul3A_2] : memref<128x4096xf32, #tpu.memory_space<hbm>> -> memref<8x128xf32, #tpu.memory_space<hbm>>
    %dma_start3A_73 = arith.constant 32 : i32
    %dma_start3A_74 = tpu.memref_slice %arg3[%dma_start3A_73, %mul3A_2] : memref<128x4096xf32, #tpu.memory_space<hbm>> -> memref<8x128xf32, #tpu.memory_space<hbm>>
    %dma_start3A_75 = arith.constant 0 : i32
    %dma_start3A_76 = arith.constant 0 : i32
    %dma_start3A_77 = tpu.memref_slice %arg5[%dma_start3A_66, %dma_start3A_75, %dma_start3A_76] : memref<16x8x128xf32, #tpu.memory_space<vmem>> -> memref<1x8x128xf32, #tpu.memory_space<vmem>>
    %dma_start3A_78 = tpu.memref_squeeze %dma_start3A_77 : memref<1x8x128xf32, #tpu.memory_space<vmem>> -> memref<8x128xf32, #tpu.memory_space<vmem>>
    tpu.enqueue_dma source(%dma_start3A_78 : memref<8x128xf32, #tpu.memory_space<vmem>>) target(%dma_start3A_74 : memref<8x128xf32, #tpu.memory_space<hbm>>) target_semaphore(%arg7 : memref<!tpu.dma_semaphore, #tpu.memory_space<semaphore_mem>>)
    %dma_start3A_79 = arith.constant 5 : i32
    %dma_start3A_80 = arith.constant 0 : i32
    %dma_start3A_81 = arith.constant 0 : i32
    %dma_start3A_82 = tpu.memref_slice %arg5[%dma_start3A_79, %dma_start3A_80, %dma_start3A_81] : memref<16x8x128xf32, #tpu.memory_space<vmem>> -> memref<1x8x128xf32, #tpu.memory_space<vmem>>
    %dma_start3A_83 = tpu.memref_squeeze %dma_start3A_82 : memref<1x8x128xf32, #tpu.memory_space<vmem>> -> memref<8x128xf32, #tpu.memory_space<vmem>>
    %dma_start3A_84 = arith.constant 40 : i32
    %dma_start3A_85 = tpu.memref_slice %arg3[%dma_start3A_84, %mul3A_2] : memref<128x4096xf32, #tpu.memory_space<hbm>> -> memref<8x128xf32, #tpu.memory_space<hbm>>
    %dma_start3A_86 = arith.constant 40 : i32
    %dma_start3A_87 = tpu.memref_slice %arg3[%dma_start3A_86, %mul3A_2] : memref<128x4096xf32, #tpu.memory_space<hbm>> -> memref<8x128xf32, #tpu.memory_space<hbm>>
    %dma_start3A_88 = arith.constant 0 : i32
    %dma_start3A_89 = arith.constant 0 : i32
    %dma_start3A_90 = tpu.memref_slice %arg5[%dma_start3A_79, %dma_start3A_88, %dma_start3A_89] : memref<16x8x128xf32, #tpu.memory_space<vmem>> -> memref<1x8x128xf32, #tpu.memory_space<vmem>>
    %dma_start3A_91 = tpu.memref_squeeze %dma_start3A_90 : memref<1x8x128xf32, #tpu.memory_space<vmem>> -> memref<8x128xf32, #tpu.memory_space<vmem>>
    tpu.enqueue_dma source(%dma_start3A_91 : memref<8x128xf32, #tpu.memory_space<vmem>>) target(%dma_start3A_87 : memref<8x128xf32, #tpu.memory_space<hbm>>) target_semaphore(%arg7 : memref<!tpu.dma_semaphore, #tpu.memory_space<semaphore_mem>>)
    %dma_start3A_92 = arith.constant 6 : i32
    %dma_start3A_93 = arith.constant 0 : i32
    %dma_start3A_94 = arith.constant 0 : i32
    %dma_start3A_95 = tpu.memref_slice %arg5[%dma_start3A_92, %dma_start3A_93, %dma_start3A_94] : memref<16x8x128xf32, #tpu.memory_space<vmem>> -> memref<1x8x128xf32, #tpu.memory_space<vmem>>
    %dma_start3A_96 = tpu.memref_squeeze %dma_start3A_95 : memref<1x8x128xf32, #tpu.memory_space<vmem>> -> memref<8x128xf32, #tpu.memory_space<vmem>>
    %dma_start3A_97 = arith.constant 48 : i32
    %dma_start3A_98 = tpu.memref_slice %arg3[%dma_start3A_97, %mul3A_2] : memref<128x4096xf32, #tpu.memory_space<hbm>> -> memref<8x128xf32, #tpu.memory_space<hbm>>
    %dma_start3A_99 = arith.constant 48 : i32
    %dma_start3A_100 = tpu.memref_slice %arg3[%dma_start3A_99, %mul3A_2] : memref<128x4096xf32, #tpu.memory_space<hbm>> -> memref<8x128xf32, #tpu.memory_space<hbm>>
    %dma_start3A_101 = arith.constant 0 : i32
    %dma_start3A_102 = arith.constant 0 : i32
    %dma_start3A_103 = tpu.memref_slice %arg5[%dma_start3A_92, %dma_start3A_101, %dma_start3A_102] : memref<16x8x128xf32, #tpu.memory_space<vmem>> -> memref<1x8x128xf32, #tpu.memory_space<vmem>>
    %dma_start3A_104 = tpu.memref_squeeze %dma_start3A_103 : memref<1x8x128xf32, #tpu.memory_space<vmem>> -> memref<8x128xf32, #tpu.memory_space<vmem>>
    tpu.enqueue_dma source(%dma_start3A_104 : memref<8x128xf32, #tpu.memory_space<vmem>>) target(%dma_start3A_100 : memref<8x128xf32, #tpu.memory_space<hbm>>) target_semaphore(%arg7 : memref<!tpu.dma_semaphore, #tpu.memory_space<semaphore_mem>>)
    %dma_start3A_105 = arith.constant 7 : i32
    %dma_start3A_106 = arith.constant 0 : i32
    %dma_start3A_107 = arith.constant 0 : i32
    %dma_start3A_108 = tpu.memref_slice %arg5[%dma_start3A_105, %dma_start3A_106, %dma_start3A_107] : memref<16x8x128xf32, #tpu.memory_space<vmem>> -> memref<1x8x128xf32, #tpu.memory_space<vmem>>
    %dma_start3A_109 = tpu.memref_squeeze %dma_start3A_108 : memref<1x8x128xf32, #tpu.memory_space<vmem>> -> memref<8x128xf32, #tpu.memory_space<vmem>>
    %dma_start3A_110 = arith.constant 56 : i32
    %dma_start3A_111 = tpu.memref_slice %arg3[%dma_start3A_110, %mul3A_2] : memref<128x4096xf32, #tpu.memory_space<hbm>> -> memref<8x128xf32, #tpu.memory_space<hbm>>
    %dma_start3A_112 = arith.constant 56 : i32
    %dma_start3A_113 = tpu.memref_slice %arg3[%dma_start3A_112, %mul3A_2] : memref<128x4096xf32, #tpu.memory_space<hbm>> -> memref<8x128xf32, #tpu.memory_space<hbm>>
    %dma_start3A_114 = arith.constant 0 : i32
    %dma_start3A_115 = arith.constant 0 : i32
    %dma_start3A_116 = tpu.memref_slice %arg5[%dma_start3A_105, %dma_start3A_114, %dma_start3A_115] : memref<16x8x128xf32, #tpu.memory_space<vmem>> -> memref<1x8x128xf32, #tpu.memory_space<vmem>>
    %dma_start3A_117 = tpu.memref_squeeze %dma_start3A_116 : memref<1x8x128xf32, #tpu.memory_space<vmem>> -> memref<8x128xf32, #tpu.memory_space<vmem>>
    tpu.enqueue_dma source(%dma_start3A_117 : memref<8x128xf32, #tpu.memory_space<vmem>>) target(%dma_start3A_113 : memref<8x128xf32, #tpu.memory_space<hbm>>) target_semaphore(%arg7 : memref<!tpu.dma_semaphore, #tpu.memory_space<semaphore_mem>>)
    %dma_start3A_118 = arith.constant 8 : i32
    %dma_start3A_119 = arith.constant 0 : i32
    %dma_start3A_120 = arith.constant 0 : i32
    %dma_start3A_121 = tpu.memref_slice %arg5[%dma_start3A_118, %dma_start3A_119, %dma_start3A_120] : memref<16x8x128xf32, #tpu.memory_space<vmem>> -> memref<1x8x128xf32, #tpu.memory_space<vmem>>
    %dma_start3A_122 = tpu.memref_squeeze %dma_start3A_121 : memref<1x8x128xf32, #tpu.memory_space<vmem>> -> memref<8x128xf32, #tpu.memory_space<vmem>>
    %dma_start3A_123 = arith.constant 64 : i32
    %dma_start3A_124 = tpu.memref_slice %arg3[%dma_start3A_123, %mul3A_2] : memref<128x4096xf32, #tpu.memory_space<hbm>> -> memref<8x128xf32, #tpu.memory_space<hbm>>
    %dma_start3A_125 = arith.constant 64 : i32
    %dma_start3A_126 = tpu.memref_slice %arg3[%dma_start3A_125, %mul3A_2] : memref<128x4096xf32, #tpu.memory_space<hbm>> -> memref<8x128xf32, #tpu.memory_space<hbm>>
    %dma_start3A_127 = arith.constant 0 : i32
    %dma_start3A_128 = arith.constant 0 : i32
    %dma_start3A_129 = tpu.memref_slice %arg5[%dma_start3A_118, %dma_start3A_127, %dma_start3A_128] : memref<16x8x128xf32, #tpu.memory_space<vmem>> -> memref<1x8x128xf32, #tpu.memory_space<vmem>>
    %dma_start3A_130 = tpu.memref_squeeze %dma_start3A_129 : memref<1x8x128xf32, #tpu.memory_space<vmem>> -> memref<8x128xf32, #tpu.memory_space<vmem>>
    tpu.enqueue_dma source(%dma_start3A_130 : memref<8x128xf32, #tpu.memory_space<vmem>>) target(%dma_start3A_126 : memref<8x128xf32, #tpu.memory_space<hbm>>) target_semaphore(%arg7 : memref<!tpu.dma_semaphore, #tpu.memory_space<semaphore_mem>>)
    %dma_start3A_131 = arith.constant 9 : i32
    %dma_start3A_132 = arith.constant 0 : i32
    %dma_start3A_133 = arith.constant 0 : i32
    %dma_start3A_134 = tpu.memref_slice %arg5[%dma_start3A_131, %dma_start3A_132, %dma_start3A_133] : memref<16x8x128xf32, #tpu.memory_space<vmem>> -> memref<1x8x128xf32, #tpu.memory_space<vmem>>
    %dma_start3A_135 = tpu.memref_squeeze %dma_start3A_134 : memref<1x8x128xf32, #tpu.memory_space<vmem>> -> memref<8x128xf32, #tpu.memory_space<vmem>>
    %dma_start3A_136 = arith.constant 72 : i32
    %dma_start3A_137 = tpu.memref_slice %arg3[%dma_start3A_136, %mul3A_2] : memref<128x4096xf32, #tpu.memory_space<hbm>> -> memref<8x128xf32, #tpu.memory_space<hbm>>
    %dma_start3A_138 = arith.constant 72 : i32
    %dma_start3A_139 = tpu.memref_slice %arg3[%dma_start3A_138, %mul3A_2] : memref<128x4096xf32, #tpu.memory_space<hbm>> -> memref<8x128xf32, #tpu.memory_space<hbm>>
    %dma_start3A_140 = arith.constant 0 : i32
    %dma_start3A_141 = arith.constant 0 : i32
    %dma_start3A_142 = tpu.memref_slice %arg5[%dma_start3A_131, %dma_start3A_140, %dma_start3A_141] : memref<16x8x128xf32, #tpu.memory_space<vmem>> -> memref<1x8x128xf32, #tpu.memory_space<vmem>>
    %dma_start3A_143 = tpu.memref_squeeze %dma_start3A_142 : memref<1x8x128xf32, #tpu.memory_space<vmem>> -> memref<8x128xf32, #tpu.memory_space<vmem>>
    tpu.enqueue_dma source(%dma_start3A_143 : memref<8x128xf32, #tpu.memory_space<vmem>>) target(%dma_start3A_139 : memref<8x128xf32, #tpu.memory_space<hbm>>) target_semaphore(%arg7 : memref<!tpu.dma_semaphore, #tpu.memory_space<semaphore_mem>>)
    %dma_start3A_144 = arith.constant 10 : i32
    %dma_start3A_145 = arith.constant 0 : i32
    %dma_start3A_146 = arith.constant 0 : i32
    %dma_start3A_147 = tpu.memref_slice %arg5[%dma_start3A_144, %dma_start3A_145, %dma_start3A_146] : memref<16x8x128xf32, #tpu.memory_space<vmem>> -> memref<1x8x128xf32, #tpu.memory_space<vmem>>
    %dma_start3A_148 = tpu.memref_squeeze %dma_start3A_147 : memref<1x8x128xf32, #tpu.memory_space<vmem>> -> memref<8x128xf32, #tpu.memory_space<vmem>>
    %dma_start3A_149 = arith.constant 80 : i32
    %dma_start3A_150 = tpu.memref_slice %arg3[%dma_start3A_149, %mul3A_2] : memref<128x4096xf32, #tpu.memory_space<hbm>> -> memref<8x128xf32, #tpu.memory_space<hbm>>
    %dma_start3A_151 = arith.constant 80 : i32
    %dma_start3A_152 = tpu.memref_slice %arg3[%dma_start3A_151, %mul3A_2] : memref<128x4096xf32, #tpu.memory_space<hbm>> -> memref<8x128xf32, #tpu.memory_space<hbm>>
    %dma_start3A_153 = arith.constant 0 : i32
    %dma_start3A_154 = arith.constant 0 : i32
    %dma_start3A_155 = tpu.memref_slice %arg5[%dma_start3A_144, %dma_start3A_153, %dma_start3A_154] : memref<16x8x128xf32, #tpu.memory_space<vmem>> -> memref<1x8x128xf32, #tpu.memory_space<vmem>>
    %dma_start3A_156 = tpu.memref_squeeze %dma_start3A_155 : memref<1x8x128xf32, #tpu.memory_space<vmem>> -> memref<8x128xf32, #tpu.memory_space<vmem>>
    tpu.enqueue_dma source(%dma_start3A_156 : memref<8x128xf32, #tpu.memory_space<vmem>>) target(%dma_start3A_152 : memref<8x128xf32, #tpu.memory_space<hbm>>) target_semaphore(%arg7 : memref<!tpu.dma_semaphore, #tpu.memory_space<semaphore_mem>>)
    %dma_start3A_157 = arith.constant 11 : i32
    %dma_start3A_158 = arith.constant 0 : i32
    %dma_start3A_159 = arith.constant 0 : i32
    %dma_start3A_160 = tpu.memref_slice %arg5[%dma_start3A_157, %dma_start3A_158, %dma_start3A_159] : memref<16x8x128xf32, #tpu.memory_space<vmem>> -> memref<1x8x128xf32, #tpu.memory_space<vmem>>
    %dma_start3A_161 = tpu.memref_squeeze %dma_start3A_160 : memref<1x8x128xf32, #tpu.memory_space<vmem>> -> memref<8x128xf32, #tpu.memory_space<vmem>>
    %dma_start3A_162 = arith.constant 88 : i32
    %dma_start3A_163 = tpu.memref_slice %arg3[%dma_start3A_162, %mul3A_2] : memref<128x4096xf32, #tpu.memory_space<hbm>> -> memref<8x128xf32, #tpu.memory_space<hbm>>
    %dma_start3A_164 = arith.constant 88 : i32
    %dma_start3A_165 = tpu.memref_slice %arg3[%dma_start3A_164, %mul3A_2] : memref<128x4096xf32, #tpu.memory_space<hbm>> -> memref<8x128xf32, #tpu.memory_space<hbm>>
    %dma_start3A_166 = arith.constant 0 : i32
    %dma_start3A_167 = arith.constant 0 : i32
    %dma_start3A_168 = tpu.memref_slice %arg5[%dma_start3A_157, %dma_start3A_166, %dma_start3A_167] : memref<16x8x128xf32, #tpu.memory_space<vmem>> -> memref<1x8x128xf32, #tpu.memory_space<vmem>>
    %dma_start3A_169 = tpu.memref_squeeze %dma_start3A_168 : memref<1x8x128xf32, #tpu.memory_space<vmem>> -> memref<8x128xf32, #tpu.memory_space<vmem>>
    tpu.enqueue_dma source(%dma_start3A_169 : memref<8x128xf32, #tpu.memory_space<vmem>>) target(%dma_start3A_165 : memref<8x128xf32, #tpu.memory_space<hbm>>) target_semaphore(%arg7 : memref<!tpu.dma_semaphore, #tpu.memory_space<semaphore_mem>>)
    %dma_start3A_170 = arith.constant 12 : i32
    %dma_start3A_171 = arith.constant 0 : i32
    %dma_start3A_172 = arith.constant 0 : i32
    %dma_start3A_173 = tpu.memref_slice %arg5[%dma_start3A_170, %dma_start3A_171, %dma_start3A_172] : memref<16x8x128xf32, #tpu.memory_space<vmem>> -> memref<1x8x128xf32, #tpu.memory_space<vmem>>
    %dma_start3A_174 = tpu.memref_squeeze %dma_start3A_173 : memref<1x8x128xf32, #tpu.memory_space<vmem>> -> memref<8x128xf32, #tpu.memory_space<vmem>>
    %dma_start3A_175 = arith.constant 96 : i32
    %dma_start3A_176 = tpu.memref_slice %arg3[%dma_start3A_175, %mul3A_2] : memref<128x4096xf32, #tpu.memory_space<hbm>> -> memref<8x128xf32, #tpu.memory_space<hbm>>
    %dma_start3A_177 = arith.constant 96 : i32
    %dma_start3A_178 = tpu.memref_slice %arg3[%dma_start3A_177, %mul3A_2] : memref<128x4096xf32, #tpu.memory_space<hbm>> -> memref<8x128xf32, #tpu.memory_space<hbm>>
    %dma_start3A_179 = arith.constant 0 : i32
    %dma_start3A_180 = arith.constant 0 : i32
    %dma_start3A_181 = tpu.memref_slice %arg5[%dma_start3A_170, %dma_start3A_179, %dma_start3A_180] : memref<16x8x128xf32, #tpu.memory_space<vmem>> -> memref<1x8x128xf32, #tpu.memory_space<vmem>>
    %dma_start3A_182 = tpu.memref_squeeze %dma_start3A_181 : memref<1x8x128xf32, #tpu.memory_space<vmem>> -> memref<8x128xf32, #tpu.memory_space<vmem>>
    tpu.enqueue_dma source(%dma_start3A_182 : memref<8x128xf32, #tpu.memory_space<vmem>>) target(%dma_start3A_178 : memref<8x128xf32, #tpu.memory_space<hbm>>) target_semaphore(%arg7 : memref<!tpu.dma_semaphore, #tpu.memory_space<semaphore_mem>>)
    %dma_start3A_183 = arith.constant 13 : i32
    %dma_start3A_184 = arith.constant 0 : i32
    %dma_start3A_185 = arith.constant 0 : i32
    %dma_start3A_186 = tpu.memref_slice %arg5[%dma_start3A_183, %dma_start3A_184, %dma_start3A_185] : memref<16x8x128xf32, #tpu.memory_space<vmem>> -> memref<1x8x128xf32, #tpu.memory_space<vmem>>
    %dma_start3A_187 = tpu.memref_squeeze %dma_start3A_186 : memref<1x8x128xf32, #tpu.memory_space<vmem>> -> memref<8x128xf32, #tpu.memory_space<vmem>>
    %dma_start3A_188 = arith.constant 104 : i32
    %dma_start3A_189 = tpu.memref_slice %arg3[%dma_start3A_188, %mul3A_2] : memref<128x4096xf32, #tpu.memory_space<hbm>> -> memref<8x128xf32, #tpu.memory_space<hbm>>
    %dma_start3A_190 = arith.constant 104 : i32
    %dma_start3A_191 = tpu.memref_slice %arg3[%dma_start3A_190, %mul3A_2] : memref<128x4096xf32, #tpu.memory_space<hbm>> -> memref<8x128xf32, #tpu.memory_space<hbm>>
    %dma_start3A_192 = arith.constant 0 : i32
    %dma_start3A_193 = arith.constant 0 : i32
    %dma_start3A_194 = tpu.memref_slice %arg5[%dma_start3A_183, %dma_start3A_192, %dma_start3A_193] : memref<16x8x128xf32, #tpu.memory_space<vmem>> -> memref<1x8x128xf32, #tpu.memory_space<vmem>>
    %dma_start3A_195 = tpu.memref_squeeze %dma_start3A_194 : memref<1x8x128xf32, #tpu.memory_space<vmem>> -> memref<8x128xf32, #tpu.memory_space<vmem>>
    tpu.enqueue_dma source(%dma_start3A_195 : memref<8x128xf32, #tpu.memory_space<vmem>>) target(%dma_start3A_191 : memref<8x128xf32, #tpu.memory_space<hbm>>) target_semaphore(%arg7 : memref<!tpu.dma_semaphore, #tpu.memory_space<semaphore_mem>>)
    %dma_start3A_196 = arith.constant 14 : i32
    %dma_start3A_197 = arith.constant 0 : i32
    %dma_start3A_198 = arith.constant 0 : i32
    %dma_start3A_199 = tpu.memref_slice %arg5[%dma_start3A_196, %dma_start3A_197, %dma_start3A_198] : memref<16x8x128xf32, #tpu.memory_space<vmem>> -> memref<1x8x128xf32, #tpu.memory_space<vmem>>
    %dma_start3A_200 = tpu.memref_squeeze %dma_start3A_199 : memref<1x8x128xf32, #tpu.memory_space<vmem>> -> memref<8x128xf32, #tpu.memory_space<vmem>>
    %dma_start3A_201 = arith.constant 112 : i32
    %dma_start3A_202 = tpu.memref_slice %arg3[%dma_start3A_201, %mul3A_2] : memref<128x4096xf32, #tpu.memory_space<hbm>> -> memref<8x128xf32, #tpu.memory_space<hbm>>
    %dma_start3A_203 = arith.constant 112 : i32
    %dma_start3A_204 = tpu.memref_slice %arg3[%dma_start3A_203, %mul3A_2] : memref<128x4096xf32, #tpu.memory_space<hbm>> -> memref<8x128xf32, #tpu.memory_space<hbm>>
    %dma_start3A_205 = arith.constant 0 : i32
    %dma_start3A_206 = arith.constant 0 : i32
    %dma_start3A_207 = tpu.memref_slice %arg5[%dma_start3A_196, %dma_start3A_205, %dma_start3A_206] : memref<16x8x128xf32, #tpu.memory_space<vmem>> -> memref<1x8x128xf32, #tpu.memory_space<vmem>>
    %dma_start3A_208 = tpu.memref_squeeze %dma_start3A_207 : memref<1x8x128xf32, #tpu.memory_space<vmem>> -> memref<8x128xf32, #tpu.memory_space<vmem>>
    tpu.enqueue_dma source(%dma_start3A_208 : memref<8x128xf32, #tpu.memory_space<vmem>>) target(%dma_start3A_204 : memref<8x128xf32, #tpu.memory_space<hbm>>) target_semaphore(%arg7 : memref<!tpu.dma_semaphore, #tpu.memory_space<semaphore_mem>>)
    %dma_start3A_209 = arith.constant 15 : i32
    %dma_start3A_210 = arith.constant 0 : i32
    %dma_start3A_211 = arith.constant 0 : i32
    %dma_start3A_212 = tpu.memref_slice %arg5[%dma_start3A_209, %dma_start3A_210, %dma_start3A_211] : memref<16x8x128xf32, #tpu.memory_space<vmem>> -> memref<1x8x128xf32, #tpu.memory_space<vmem>>
    %dma_start3A_213 = tpu.memref_squeeze %dma_start3A_212 : memref<1x8x128xf32, #tpu.memory_space<vmem>> -> memref<8x128xf32, #tpu.memory_space<vmem>>
    %dma_start3A_214 = arith.constant 120 : i32
    %dma_start3A_215 = tpu.memref_slice %arg3[%dma_start3A_214, %mul3A_2] : memref<128x4096xf32, #tpu.memory_space<hbm>> -> memref<8x128xf32, #tpu.memory_space<hbm>>
    %dma_start3A_216 = arith.constant 120 : i32
    %dma_start3A_217 = tpu.memref_slice %arg3[%dma_start3A_216, %mul3A_2] : memref<128x4096xf32, #tpu.memory_space<hbm>> -> memref<8x128xf32, #tpu.memory_space<hbm>>
    %dma_start3A_218 = arith.constant 0 : i32
    %dma_start3A_219 = arith.constant 0 : i32
    %dma_start3A_220 = tpu.memref_slice %arg5[%dma_start3A_209, %dma_start3A_218, %dma_start3A_219] : memref<16x8x128xf32, #tpu.memory_space<vmem>> -> memref<1x8x128xf32, #tpu.memory_space<vmem>>
    %dma_start3A_221 = tpu.memref_squeeze %dma_start3A_220 : memref<1x8x128xf32, #tpu.memory_space<vmem>> -> memref<8x128xf32, #tpu.memory_space<vmem>>
    tpu.enqueue_dma source(%dma_start3A_221 : memref<8x128xf32, #tpu.memory_space<vmem>>) target(%dma_start3A_217 : memref<8x128xf32, #tpu.memory_space<hbm>>) target_semaphore(%arg7 : memref<!tpu.dma_semaphore, #tpu.memory_space<semaphore_mem>>)
    %dma_wait3A_222 = arith.constant 0 : i32
    %dma_wait3A_223 = arith.constant 0 : i32
    %dma_wait3A_224 = arith.constant 0 : i32
    %dma_wait3A_225 = tpu.memref_slice %arg5[%dma_wait3A_222, %dma_wait3A_223, %dma_wait3A_224] : memref<16x8x128xf32, #tpu.memory_space<vmem>> -> memref<1x8x128xf32, #tpu.memory_space<vmem>>
    %dma_wait3A_226 = tpu.memref_squeeze %dma_wait3A_225 : memref<1x8x128xf32, #tpu.memory_space<vmem>> -> memref<8x128xf32, #tpu.memory_space<vmem>>
    %dma_wait3A_227 = arith.constant 0 : i32
    %dma_wait3A_228 = tpu.memref_slice %arg3[%dma_wait3A_227, %mul3A_2] : memref<128x4096xf32, #tpu.memory_space<hbm>> -> memref<8x128xf32, #tpu.memory_space<hbm>>
    %dma_wait3A_229 = arith.constant 0 : i32
    %dma_wait3A_230 = tpu.memref_slice %arg3[%dma_wait3A_229, %mul3A_2] : memref<128x4096xf32, #tpu.memory_space<hbm>> -> memref<8x128xf32, #tpu.memory_space<hbm>>
    %dma_wait3A_231 = arith.constant 0 : i32
    %dma_wait3A_232 = arith.constant 0 : i32
    %dma_wait3A_233 = tpu.memref_slice %arg5[%dma_wait3A_222, %dma_wait3A_231, %dma_wait3A_232] : memref<16x8x128xf32, #tpu.memory_space<vmem>> -> memref<1x8x128xf32, #tpu.memory_space<vmem>>
    %dma_wait3A_234 = tpu.memref_squeeze %dma_wait3A_233 : memref<1x8x128xf32, #tpu.memory_space<vmem>> -> memref<8x128xf32, #tpu.memory_space<vmem>>
    tpu.wait_dma2 semaphore(%arg7 : memref<!tpu.dma_semaphore, #tpu.memory_space<semaphore_mem>>) src(%dma_wait3A_234 : memref<8x128xf32, #tpu.memory_space<vmem>>) dst(%dma_wait3A_230 : memref<8x128xf32, #tpu.memory_space<hbm>>)
    %dma_wait3A_235 = arith.constant 1 : i32
    %dma_wait3A_236 = arith.constant 0 : i32
    %dma_wait3A_237 = arith.constant 0 : i32
    %dma_wait3A_238 = tpu.memref_slice %arg5[%dma_wait3A_235, %dma_wait3A_236, %dma_wait3A_237] : memref<16x8x128xf32, #tpu.memory_space<vmem>> -> memref<1x8x128xf32, #tpu.memory_space<vmem>>
    %dma_wait3A_239 = tpu.memref_squeeze %dma_wait3A_238 : memref<1x8x128xf32, #tpu.memory_space<vmem>> -> memref<8x128xf32, #tpu.memory_space<vmem>>
    %dma_wait3A_240 = arith.constant 8 : i32
    %dma_wait3A_241 = tpu.memref_slice %arg3[%dma_wait3A_240, %mul3A_2] : memref<128x4096xf32, #tpu.memory_space<hbm>> -> memref<8x128xf32, #tpu.memory_space<hbm>>
    %dma_wait3A_242 = arith.constant 8 : i32
    %dma_wait3A_243 = tpu.memref_slice %arg3[%dma_wait3A_242, %mul3A_2] : memref<128x4096xf32, #tpu.memory_space<hbm>> -> memref<8x128xf32, #tpu.memory_space<hbm>>
    %dma_wait3A_244 = arith.constant 0 : i32
    %dma_wait3A_245 = arith.constant 0 : i32
    %dma_wait3A_246 = tpu.memref_slice %arg5[%dma_wait3A_235, %dma_wait3A_244, %dma_wait3A_245] : memref<16x8x128xf32, #tpu.memory_space<vmem>> -> memref<1x8x128xf32, #tpu.memory_space<vmem>>
    %dma_wait3A_247 = tpu.memref_squeeze %dma_wait3A_246 : memref<1x8x128xf32, #tpu.memory_space<vmem>> -> memref<8x128xf32, #tpu.memory_space<vmem>>
    tpu.wait_dma2 semaphore(%arg7 : memref<!tpu.dma_semaphore, #tpu.memory_space<semaphore_mem>>) src(%dma_wait3A_247 : memref<8x128xf32, #tpu.memory_space<vmem>>) dst(%dma_wait3A_243 : memref<8x128xf32, #tpu.memory_space<hbm>>)
    %dma_wait3A_248 = arith.constant 2 : i32
    %dma_wait3A_249 = arith.constant 0 : i32
    %dma_wait3A_250 = arith.constant 0 : i32
    %dma_wait3A_251 = tpu.memref_slice %arg5[%dma_wait3A_248, %dma_wait3A_249, %dma_wait3A_250] : memref<16x8x128xf32, #tpu.memory_space<vmem>> -> memref<1x8x128xf32, #tpu.memory_space<vmem>>
    %dma_wait3A_252 = tpu.memref_squeeze %dma_wait3A_251 : memref<1x8x128xf32, #tpu.memory_space<vmem>> -> memref<8x128xf32, #tpu.memory_space<vmem>>
    %dma_wait3A_253 = arith.constant 16 : i32
    %dma_wait3A_254 = tpu.memref_slice %arg3[%dma_wait3A_253, %mul3A_2] : memref<128x4096xf32, #tpu.memory_space<hbm>> -> memref<8x128xf32, #tpu.memory_space<hbm>>
    %dma_wait3A_255 = arith.constant 16 : i32
    %dma_wait3A_256 = tpu.memref_slice %arg3[%dma_wait3A_255, %mul3A_2] : memref<128x4096xf32, #tpu.memory_space<hbm>> -> memref<8x128xf32, #tpu.memory_space<hbm>>
    %dma_wait3A_257 = arith.constant 0 : i32
    %dma_wait3A_258 = arith.constant 0 : i32
    %dma_wait3A_259 = tpu.memref_slice %arg5[%dma_wait3A_248, %dma_wait3A_257, %dma_wait3A_258] : memref<16x8x128xf32, #tpu.memory_space<vmem>> -> memref<1x8x128xf32, #tpu.memory_space<vmem>>
    %dma_wait3A_260 = tpu.memref_squeeze %dma_wait3A_259 : memref<1x8x128xf32, #tpu.memory_space<vmem>> -> memref<8x128xf32, #tpu.memory_space<vmem>>
    tpu.wait_dma2 semaphore(%arg7 : memref<!tpu.dma_semaphore, #tpu.memory_space<semaphore_mem>>) src(%dma_wait3A_260 : memref<8x128xf32, #tpu.memory_space<vmem>>) dst(%dma_wait3A_256 : memref<8x128xf32, #tpu.memory_space<hbm>>)
    %dma_wait3A_261 = arith.constant 3 : i32
    %dma_wait3A_262 = arith.constant 0 : i32
    %dma_wait3A_263 = arith.constant 0 : i32
    %dma_wait3A_264 = tpu.memref_slice %arg5[%dma_wait3A_261, %dma_wait3A_262, %dma_wait3A_263] : memref<16x8x128xf32, #tpu.memory_space<vmem>> -> memref<1x8x128xf32, #tpu.memory_space<vmem>>
    %dma_wait3A_265 = tpu.memref_squeeze %dma_wait3A_264 : memref<1x8x128xf32, #tpu.memory_space<vmem>> -> memref<8x128xf32, #tpu.memory_space<vmem>>
    %dma_wait3A_266 = arith.constant 24 : i32
    %dma_wait3A_267 = tpu.memref_slice %arg3[%dma_wait3A_266, %mul3A_2] : memref<128x4096xf32, #tpu.memory_space<hbm>> -> memref<8x128xf32, #tpu.memory_space<hbm>>
    %dma_wait3A_268 = arith.constant 24 : i32
    %dma_wait3A_269 = tpu.memref_slice %arg3[%dma_wait3A_268, %mul3A_2] : memref<128x4096xf32, #tpu.memory_space<hbm>> -> memref<8x128xf32, #tpu.memory_space<hbm>>
    %dma_wait3A_270 = arith.constant 0 : i32
    %dma_wait3A_271 = arith.constant 0 : i32
    %dma_wait3A_272 = tpu.memref_slice %arg5[%dma_wait3A_261, %dma_wait3A_270, %dma_wait3A_271] : memref<16x8x128xf32, #tpu.memory_space<vmem>> -> memref<1x8x128xf32, #tpu.memory_space<vmem>>
    %dma_wait3A_273 = tpu.memref_squeeze %dma_wait3A_272 : memref<1x8x128xf32, #tpu.memory_space<vmem>> -> memref<8x128xf32, #tpu.memory_space<vmem>>
    tpu.wait_dma2 semaphore(%arg7 : memref<!tpu.dma_semaphore, #tpu.memory_space<semaphore_mem>>) src(%dma_wait3A_273 : memref<8x128xf32, #tpu.memory_space<vmem>>) dst(%dma_wait3A_269 : memref<8x128xf32, #tpu.memory_space<hbm>>)
    %dma_wait3A_274 = arith.constant 4 : i32
    %dma_wait3A_275 = arith.constant 0 : i32
    %dma_wait3A_276 = arith.constant 0 : i32
    %dma_wait3A_277 = tpu.memref_slice %arg5[%dma_wait3A_274, %dma_wait3A_275, %dma_wait3A_276] : memref<16x8x128xf32, #tpu.memory_space<vmem>> -> memref<1x8x128xf32, #tpu.memory_space<vmem>>
    %dma_wait3A_278 = tpu.memref_squeeze %dma_wait3A_277 : memref<1x8x128xf32, #tpu.memory_space<vmem>> -> memref<8x128xf32, #tpu.memory_space<vmem>>
    %dma_wait3A_279 = arith.constant 32 : i32
    %dma_wait3A_280 = tpu.memref_slice %arg3[%dma_wait3A_279, %mul3A_2] : memref<128x4096xf32, #tpu.memory_space<hbm>> -> memref<8x128xf32, #tpu.memory_space<hbm>>
    %dma_wait3A_281 = arith.constant 32 : i32
    %dma_wait3A_282 = tpu.memref_slice %arg3[%dma_wait3A_281, %mul3A_2] : memref<128x4096xf32, #tpu.memory_space<hbm>> -> memref<8x128xf32, #tpu.memory_space<hbm>>
    %dma_wait3A_283 = arith.constant 0 : i32
    %dma_wait3A_284 = arith.constant 0 : i32
    %dma_wait3A_285 = tpu.memref_slice %arg5[%dma_wait3A_274, %dma_wait3A_283, %dma_wait3A_284] : memref<16x8x128xf32, #tpu.memory_space<vmem>> -> memref<1x8x128xf32, #tpu.memory_space<vmem>>
    %dma_wait3A_286 = tpu.memref_squeeze %dma_wait3A_285 : memref<1x8x128xf32, #tpu.memory_space<vmem>> -> memref<8x128xf32, #tpu.memory_space<vmem>>
    tpu.wait_dma2 semaphore(%arg7 : memref<!tpu.dma_semaphore, #tpu.memory_space<semaphore_mem>>) src(%dma_wait3A_286 : memref<8x128xf32, #tpu.memory_space<vmem>>) dst(%dma_wait3A_282 : memref<8x128xf32, #tpu.memory_space<hbm>>)
    %dma_wait3A_287 = arith.constant 5 : i32
    %dma_wait3A_288 = arith.constant 0 : i32
    %dma_wait3A_289 = arith.constant 0 : i32
    %dma_wait3A_290 = tpu.memref_slice %arg5[%dma_wait3A_287, %dma_wait3A_288, %dma_wait3A_289] : memref<16x8x128xf32, #tpu.memory_space<vmem>> -> memref<1x8x128xf32, #tpu.memory_space<vmem>>
    %dma_wait3A_291 = tpu.memref_squeeze %dma_wait3A_290 : memref<1x8x128xf32, #tpu.memory_space<vmem>> -> memref<8x128xf32, #tpu.memory_space<vmem>>
    %dma_wait3A_292 = arith.constant 40 : i32
    %dma_wait3A_293 = tpu.memref_slice %arg3[%dma_wait3A_292, %mul3A_2] : memref<128x4096xf32, #tpu.memory_space<hbm>> -> memref<8x128xf32, #tpu.memory_space<hbm>>
    %dma_wait3A_294 = arith.constant 40 : i32
    %dma_wait3A_295 = tpu.memref_slice %arg3[%dma_wait3A_294, %mul3A_2] : memref<128x4096xf32, #tpu.memory_space<hbm>> -> memref<8x128xf32, #tpu.memory_space<hbm>>
    %dma_wait3A_296 = arith.constant 0 : i32
    %dma_wait3A_297 = arith.constant 0 : i32
    %dma_wait3A_298 = tpu.memref_slice %arg5[%dma_wait3A_287, %dma_wait3A_296, %dma_wait3A_297] : memref<16x8x128xf32, #tpu.memory_space<vmem>> -> memref<1x8x128xf32, #tpu.memory_space<vmem>>
    %dma_wait3A_299 = tpu.memref_squeeze %dma_wait3A_298 : memref<1x8x128xf32, #tpu.memory_space<vmem>> -> memref<8x128xf32, #tpu.memory_space<vmem>>
    tpu.wait_dma2 semaphore(%arg7 : memref<!tpu.dma_semaphore, #tpu.memory_space<semaphore_mem>>) src(%dma_wait3A_299 : memref<8x128xf32, #tpu.memory_space<vmem>>) dst(%dma_wait3A_295 : memref<8x128xf32, #tpu.memory_space<hbm>>)
    %dma_wait3A_300 = arith.constant 6 : i32
    %dma_wait3A_301 = arith.constant 0 : i32
    %dma_wait3A_302 = arith.constant 0 : i32
    %dma_wait3A_303 = tpu.memref_slice %arg5[%dma_wait3A_300, %dma_wait3A_301, %dma_wait3A_302] : memref<16x8x128xf32, #tpu.memory_space<vmem>> -> memref<1x8x128xf32, #tpu.memory_space<vmem>>
    %dma_wait3A_304 = tpu.memref_squeeze %dma_wait3A_303 : memref<1x8x128xf32, #tpu.memory_space<vmem>> -> memref<8x128xf32, #tpu.memory_space<vmem>>
    %dma_wait3A_305 = arith.constant 48 : i32
    %dma_wait3A_306 = tpu.memref_slice %arg3[%dma_wait3A_305, %mul3A_2] : memref<128x4096xf32, #tpu.memory_space<hbm>> -> memref<8x128xf32, #tpu.memory_space<hbm>>
    %dma_wait3A_307 = arith.constant 48 : i32
    %dma_wait3A_308 = tpu.memref_slice %arg3[%dma_wait3A_307, %mul3A_2] : memref<128x4096xf32, #tpu.memory_space<hbm>> -> memref<8x128xf32, #tpu.memory_space<hbm>>
    %dma_wait3A_309 = arith.constant 0 : i32
    %dma_wait3A_310 = arith.constant 0 : i32
    %dma_wait3A_311 = tpu.memref_slice %arg5[%dma_wait3A_300, %dma_wait3A_309, %dma_wait3A_310] : memref<16x8x128xf32, #tpu.memory_space<vmem>> -> memref<1x8x128xf32, #tpu.memory_space<vmem>>
    %dma_wait3A_312 = tpu.memref_squeeze %dma_wait3A_311 : memref<1x8x128xf32, #tpu.memory_space<vmem>> -> memref<8x128xf32, #tpu.memory_space<vmem>>
    tpu.wait_dma2 semaphore(%arg7 : memref<!tpu.dma_semaphore, #tpu.memory_space<semaphore_mem>>) src(%dma_wait3A_312 : memref<8x128xf32, #tpu.memory_space<vmem>>) dst(%dma_wait3A_308 : memref<8x128xf32, #tpu.memory_space<hbm>>)
    %dma_wait3A_313 = arith.constant 7 : i32
    %dma_wait3A_314 = arith.constant 0 : i32
    %dma_wait3A_315 = arith.constant 0 : i32
    %dma_wait3A_316 = tpu.memref_slice %arg5[%dma_wait3A_313, %dma_wait3A_314, %dma_wait3A_315] : memref<16x8x128xf32, #tpu.memory_space<vmem>> -> memref<1x8x128xf32, #tpu.memory_space<vmem>>
    %dma_wait3A_317 = tpu.memref_squeeze %dma_wait3A_316 : memref<1x8x128xf32, #tpu.memory_space<vmem>> -> memref<8x128xf32, #tpu.memory_space<vmem>>
    %dma_wait3A_318 = arith.constant 56 : i32
    %dma_wait3A_319 = tpu.memref_slice %arg3[%dma_wait3A_318, %mul3A_2] : memref<128x4096xf32, #tpu.memory_space<hbm>> -> memref<8x128xf32, #tpu.memory_space<hbm>>
    %dma_wait3A_320 = arith.constant 56 : i32
    %dma_wait3A_321 = tpu.memref_slice %arg3[%dma_wait3A_320, %mul3A_2] : memref<128x4096xf32, #tpu.memory_space<hbm>> -> memref<8x128xf32, #tpu.memory_space<hbm>>
    %dma_wait3A_322 = arith.constant 0 : i32
    %dma_wait3A_323 = arith.constant 0 : i32
    %dma_wait3A_324 = tpu.memref_slice %arg5[%dma_wait3A_313, %dma_wait3A_322, %dma_wait3A_323] : memref<16x8x128xf32, #tpu.memory_space<vmem>> -> memref<1x8x128xf32, #tpu.memory_space<vmem>>
    %dma_wait3A_325 = tpu.memref_squeeze %dma_wait3A_324 : memref<1x8x128xf32, #tpu.memory_space<vmem>> -> memref<8x128xf32, #tpu.memory_space<vmem>>
    tpu.wait_dma2 semaphore(%arg7 : memref<!tpu.dma_semaphore, #tpu.memory_space<semaphore_mem>>) src(%dma_wait3A_325 : memref<8x128xf32, #tpu.memory_space<vmem>>) dst(%dma_wait3A_321 : memref<8x128xf32, #tpu.memory_space<hbm>>)
    %dma_wait3A_326 = arith.constant 8 : i32
    %dma_wait3A_327 = arith.constant 0 : i32
    %dma_wait3A_328 = arith.constant 0 : i32
    %dma_wait3A_329 = tpu.memref_slice %arg5[%dma_wait3A_326, %dma_wait3A_327, %dma_wait3A_328] : memref<16x8x128xf32, #tpu.memory_space<vmem>> -> memref<1x8x128xf32, #tpu.memory_space<vmem>>
    %dma_wait3A_330 = tpu.memref_squeeze %dma_wait3A_329 : memref<1x8x128xf32, #tpu.memory_space<vmem>> -> memref<8x128xf32, #tpu.memory_space<vmem>>
    %dma_wait3A_331 = arith.constant 64 : i32
    %dma_wait3A_332 = tpu.memref_slice %arg3[%dma_wait3A_331, %mul3A_2] : memref<128x4096xf32, #tpu.memory_space<hbm>> -> memref<8x128xf32, #tpu.memory_space<hbm>>
    %dma_wait3A_333 = arith.constant 64 : i32
    %dma_wait3A_334 = tpu.memref_slice %arg3[%dma_wait3A_333, %mul3A_2] : memref<128x4096xf32, #tpu.memory_space<hbm>> -> memref<8x128xf32, #tpu.memory_space<hbm>>
    %dma_wait3A_335 = arith.constant 0 : i32
    %dma_wait3A_336 = arith.constant 0 : i32
    %dma_wait3A_337 = tpu.memref_slice %arg5[%dma_wait3A_326, %dma_wait3A_335, %dma_wait3A_336] : memref<16x8x128xf32, #tpu.memory_space<vmem>> -> memref<1x8x128xf32, #tpu.memory_space<vmem>>
    %dma_wait3A_338 = tpu.memref_squeeze %dma_wait3A_337 : memref<1x8x128xf32, #tpu.memory_space<vmem>> -> memref<8x128xf32, #tpu.memory_space<vmem>>
    tpu.wait_dma2 semaphore(%arg7 : memref<!tpu.dma_semaphore, #tpu.memory_space<semaphore_mem>>) src(%dma_wait3A_338 : memref<8x128xf32, #tpu.memory_space<vmem>>) dst(%dma_wait3A_334 : memref<8x128xf32, #tpu.memory_space<hbm>>)
    %dma_wait3A_339 = arith.constant 9 : i32
    %dma_wait3A_340 = arith.constant 0 : i32
    %dma_wait3A_341 = arith.constant 0 : i32
    %dma_wait3A_342 = tpu.memref_slice %arg5[%dma_wait3A_339, %dma_wait3A_340, %dma_wait3A_341] : memref<16x8x128xf32, #tpu.memory_space<vmem>> -> memref<1x8x128xf32, #tpu.memory_space<vmem>>
    %dma_wait3A_343 = tpu.memref_squeeze %dma_wait3A_342 : memref<1x8x128xf32, #tpu.memory_space<vmem>> -> memref<8x128xf32, #tpu.memory_space<vmem>>
    %dma_wait3A_344 = arith.constant 72 : i32
    %dma_wait3A_345 = tpu.memref_slice %arg3[%dma_wait3A_344, %mul3A_2] : memref<128x4096xf32, #tpu.memory_space<hbm>> -> memref<8x128xf32, #tpu.memory_space<hbm>>
    %dma_wait3A_346 = arith.constant 72 : i32
    %dma_wait3A_347 = tpu.memref_slice %arg3[%dma_wait3A_346, %mul3A_2] : memref<128x4096xf32, #tpu.memory_space<hbm>> -> memref<8x128xf32, #tpu.memory_space<hbm>>
    %dma_wait3A_348 = arith.constant 0 : i32
    %dma_wait3A_349 = arith.constant 0 : i32
    %dma_wait3A_350 = tpu.memref_slice %arg5[%dma_wait3A_339, %dma_wait3A_348, %dma_wait3A_349] : memref<16x8x128xf32, #tpu.memory_space<vmem>> -> memref<1x8x128xf32, #tpu.memory_space<vmem>>
    %dma_wait3A_351 = tpu.memref_squeeze %dma_wait3A_350 : memref<1x8x128xf32, #tpu.memory_space<vmem>> -> memref<8x128xf32, #tpu.memory_space<vmem>>
    tpu.wait_dma2 semaphore(%arg7 : memref<!tpu.dma_semaphore, #tpu.memory_space<semaphore_mem>>) src(%dma_wait3A_351 : memref<8x128xf32, #tpu.memory_space<vmem>>) dst(%dma_wait3A_347 : memref<8x128xf32, #tpu.memory_space<hbm>>)
    %dma_wait3A_352 = arith.constant 10 : i32
    %dma_wait3A_353 = arith.constant 0 : i32
    %dma_wait3A_354 = arith.constant 0 : i32
    %dma_wait3A_355 = tpu.memref_slice %arg5[%dma_wait3A_352, %dma_wait3A_353, %dma_wait3A_354] : memref<16x8x128xf32, #tpu.memory_space<vmem>> -> memref<1x8x128xf32, #tpu.memory_space<vmem>>
    %dma_wait3A_356 = tpu.memref_squeeze %dma_wait3A_355 : memref<1x8x128xf32, #tpu.memory_space<vmem>> -> memref<8x128xf32, #tpu.memory_space<vmem>>
    %dma_wait3A_357 = arith.constant 80 : i32
    %dma_wait3A_358 = tpu.memref_slice %arg3[%dma_wait3A_357, %mul3A_2] : memref<128x4096xf32, #tpu.memory_space<hbm>> -> memref<8x128xf32, #tpu.memory_space<hbm>>
    %dma_wait3A_359 = arith.constant 80 : i32
    %dma_wait3A_360 = tpu.memref_slice %arg3[%dma_wait3A_359, %mul3A_2] : memref<128x4096xf32, #tpu.memory_space<hbm>> -> memref<8x128xf32, #tpu.memory_space<hbm>>
    %dma_wait3A_361 = arith.constant 0 : i32
    %dma_wait3A_362 = arith.constant 0 : i32
    %dma_wait3A_363 = tpu.memref_slice %arg5[%dma_wait3A_352, %dma_wait3A_361, %dma_wait3A_362] : memref<16x8x128xf32, #tpu.memory_space<vmem>> -> memref<1x8x128xf32, #tpu.memory_space<vmem>>
    %dma_wait3A_364 = tpu.memref_squeeze %dma_wait3A_363 : memref<1x8x128xf32, #tpu.memory_space<vmem>> -> memref<8x128xf32, #tpu.memory_space<vmem>>
    tpu.wait_dma2 semaphore(%arg7 : memref<!tpu.dma_semaphore, #tpu.memory_space<semaphore_mem>>) src(%dma_wait3A_364 : memref<8x128xf32, #tpu.memory_space<vmem>>) dst(%dma_wait3A_360 : memref<8x128xf32, #tpu.memory_space<hbm>>)
    %dma_wait3A_365 = arith.constant 11 : i32
    %dma_wait3A_366 = arith.constant 0 : i32
    %dma_wait3A_367 = arith.constant 0 : i32
    %dma_wait3A_368 = tpu.memref_slice %arg5[%dma_wait3A_365, %dma_wait3A_366, %dma_wait3A_367] : memref<16x8x128xf32, #tpu.memory_space<vmem>> -> memref<1x8x128xf32, #tpu.memory_space<vmem>>
    %dma_wait3A_369 = tpu.memref_squeeze %dma_wait3A_368 : memref<1x8x128xf32, #tpu.memory_space<vmem>> -> memref<8x128xf32, #tpu.memory_space<vmem>>
    %dma_wait3A_370 = arith.constant 88 : i32
    %dma_wait3A_371 = tpu.memref_slice %arg3[%dma_wait3A_370, %mul3A_2] : memref<128x4096xf32, #tpu.memory_space<hbm>> -> memref<8x128xf32, #tpu.memory_space<hbm>>
    %dma_wait3A_372 = arith.constant 88 : i32
    %dma_wait3A_373 = tpu.memref_slice %arg3[%dma_wait3A_372, %mul3A_2] : memref<128x4096xf32, #tpu.memory_space<hbm>> -> memref<8x128xf32, #tpu.memory_space<hbm>>
    %dma_wait3A_374 = arith.constant 0 : i32
    %dma_wait3A_375 = arith.constant 0 : i32
    %dma_wait3A_376 = tpu.memref_slice %arg5[%dma_wait3A_365, %dma_wait3A_374, %dma_wait3A_375] : memref<16x8x128xf32, #tpu.memory_space<vmem>> -> memref<1x8x128xf32, #tpu.memory_space<vmem>>
    %dma_wait3A_377 = tpu.memref_squeeze %dma_wait3A_376 : memref<1x8x128xf32, #tpu.memory_space<vmem>> -> memref<8x128xf32, #tpu.memory_space<vmem>>
    tpu.wait_dma2 semaphore(%arg7 : memref<!tpu.dma_semaphore, #tpu.memory_space<semaphore_mem>>) src(%dma_wait3A_377 : memref<8x128xf32, #tpu.memory_space<vmem>>) dst(%dma_wait3A_373 : memref<8x128xf32, #tpu.memory_space<hbm>>)
    %dma_wait3A_378 = arith.constant 12 : i32
    %dma_wait3A_379 = arith.constant 0 : i32
    %dma_wait3A_380 = arith.constant 0 : i32
    %dma_wait3A_381 = tpu.memref_slice %arg5[%dma_wait3A_378, %dma_wait3A_379, %dma_wait3A_380] : memref<16x8x128xf32, #tpu.memory_space<vmem>> -> memref<1x8x128xf32, #tpu.memory_space<vmem>>
    %dma_wait3A_382 = tpu.memref_squeeze %dma_wait3A_381 : memref<1x8x128xf32, #tpu.memory_space<vmem>> -> memref<8x128xf32, #tpu.memory_space<vmem>>
    %dma_wait3A_383 = arith.constant 96 : i32
    %dma_wait3A_384 = tpu.memref_slice %arg3[%dma_wait3A_383, %mul3A_2] : memref<128x4096xf32, #tpu.memory_space<hbm>> -> memref<8x128xf32, #tpu.memory_space<hbm>>
    %dma_wait3A_385 = arith.constant 96 : i32
    %dma_wait3A_386 = tpu.memref_slice %arg3[%dma_wait3A_385, %mul3A_2] : memref<128x4096xf32, #tpu.memory_space<hbm>> -> memref<8x128xf32, #tpu.memory_space<hbm>>
    %dma_wait3A_387 = arith.constant 0 : i32
    %dma_wait3A_388 = arith.constant 0 : i32
    %dma_wait3A_389 = tpu.memref_slice %arg5[%dma_wait3A_378, %dma_wait3A_387, %dma_wait3A_388] : memref<16x8x128xf32, #tpu.memory_space<vmem>> -> memref<1x8x128xf32, #tpu.memory_space<vmem>>
    %dma_wait3A_390 = tpu.memref_squeeze %dma_wait3A_389 : memref<1x8x128xf32, #tpu.memory_space<vmem>> -> memref<8x128xf32, #tpu.memory_space<vmem>>
    tpu.wait_dma2 semaphore(%arg7 : memref<!tpu.dma_semaphore, #tpu.memory_space<semaphore_mem>>) src(%dma_wait3A_390 : memref<8x128xf32, #tpu.memory_space<vmem>>) dst(%dma_wait3A_386 : memref<8x128xf32, #tpu.memory_space<hbm>>)
    %dma_wait3A_391 = arith.constant 13 : i32
    %dma_wait3A_392 = arith.constant 0 : i32
    %dma_wait3A_393 = arith.constant 0 : i32
    %dma_wait3A_394 = tpu.memref_slice %arg5[%dma_wait3A_391, %dma_wait3A_392, %dma_wait3A_393] : memref<16x8x128xf32, #tpu.memory_space<vmem>> -> memref<1x8x128xf32, #tpu.memory_space<vmem>>
    %dma_wait3A_395 = tpu.memref_squeeze %dma_wait3A_394 : memref<1x8x128xf32, #tpu.memory_space<vmem>> -> memref<8x128xf32, #tpu.memory_space<vmem>>
    %dma_wait3A_396 = arith.constant 104 : i32
    %dma_wait3A_397 = tpu.memref_slice %arg3[%dma_wait3A_396, %mul3A_2] : memref<128x4096xf32, #tpu.memory_space<hbm>> -> memref<8x128xf32, #tpu.memory_space<hbm>>
    %dma_wait3A_398 = arith.constant 104 : i32
    %dma_wait3A_399 = tpu.memref_slice %arg3[%dma_wait3A_398, %mul3A_2] : memref<128x4096xf32, #tpu.memory_space<hbm>> -> memref<8x128xf32, #tpu.memory_space<hbm>>
    %dma_wait3A_400 = arith.constant 0 : i32
    %dma_wait3A_401 = arith.constant 0 : i32
    %dma_wait3A_402 = tpu.memref_slice %arg5[%dma_wait3A_391, %dma_wait3A_400, %dma_wait3A_401] : memref<16x8x128xf32, #tpu.memory_space<vmem>> -> memref<1x8x128xf32, #tpu.memory_space<vmem>>
    %dma_wait3A_403 = tpu.memref_squeeze %dma_wait3A_402 : memref<1x8x128xf32, #tpu.memory_space<vmem>> -> memref<8x128xf32, #tpu.memory_space<vmem>>
    tpu.wait_dma2 semaphore(%arg7 : memref<!tpu.dma_semaphore, #tpu.memory_space<semaphore_mem>>) src(%dma_wait3A_403 : memref<8x128xf32, #tpu.memory_space<vmem>>) dst(%dma_wait3A_399 : memref<8x128xf32, #tpu.memory_space<hbm>>)
    %dma_wait3A_404 = arith.constant 14 : i32
    %dma_wait3A_405 = arith.constant 0 : i32
    %dma_wait3A_406 = arith.constant 0 : i32
    %dma_wait3A_407 = tpu.memref_slice %arg5[%dma_wait3A_404, %dma_wait3A_405, %dma_wait3A_406] : memref<16x8x128xf32, #tpu.memory_space<vmem>> -> memref<1x8x128xf32, #tpu.memory_space<vmem>>
    %dma_wait3A_408 = tpu.memref_squeeze %dma_wait3A_407 : memref<1x8x128xf32, #tpu.memory_space<vmem>> -> memref<8x128xf32, #tpu.memory_space<vmem>>
    %dma_wait3A_409 = arith.constant 112 : i32
    %dma_wait3A_410 = tpu.memref_slice %arg3[%dma_wait3A_409, %mul3A_2] : memref<128x4096xf32, #tpu.memory_space<hbm>> -> memref<8x128xf32, #tpu.memory_space<hbm>>
    %dma_wait3A_411 = arith.constant 112 : i32
    %dma_wait3A_412 = tpu.memref_slice %arg3[%dma_wait3A_411, %mul3A_2] : memref<128x4096xf32, #tpu.memory_space<hbm>> -> memref<8x128xf32, #tpu.memory_space<hbm>>
    %dma_wait3A_413 = arith.constant 0 : i32
    %dma_wait3A_414 = arith.constant 0 : i32
    %dma_wait3A_415 = tpu.memref_slice %arg5[%dma_wait3A_404, %dma_wait3A_413, %dma_wait3A_414] : memref<16x8x128xf32, #tpu.memory_space<vmem>> -> memref<1x8x128xf32, #tpu.memory_space<vmem>>
    %dma_wait3A_416 = tpu.memref_squeeze %dma_wait3A_415 : memref<1x8x128xf32, #tpu.memory_space<vmem>> -> memref<8x128xf32, #tpu.memory_space<vmem>>
    tpu.wait_dma2 semaphore(%arg7 : memref<!tpu.dma_semaphore, #tpu.memory_space<semaphore_mem>>) src(%dma_wait3A_416 : memref<8x128xf32, #tpu.memory_space<vmem>>) dst(%dma_wait3A_412 : memref<8x128xf32, #tpu.memory_space<hbm>>)
    %dma_wait3A_417 = arith.constant 15 : i32
    %dma_wait3A_418 = arith.constant 0 : i32
    %dma_wait3A_419 = arith.constant 0 : i32
    %dma_wait3A_420 = tpu.memref_slice %arg5[%dma_wait3A_417, %dma_wait3A_418, %dma_wait3A_419] : memref<16x8x128xf32, #tpu.memory_space<vmem>> -> memref<1x8x128xf32, #tpu.memory_space<vmem>>
    %dma_wait3A_421 = tpu.memref_squeeze %dma_wait3A_420 : memref<1x8x128xf32, #tpu.memory_space<vmem>> -> memref<8x128xf32, #tpu.memory_space<vmem>>
    %dma_wait3A_422 = arith.constant 120 : i32
    %dma_wait3A_423 = tpu.memref_slice %arg3[%dma_wait3A_422, %mul3A_2] : memref<128x4096xf32, #tpu.memory_space<hbm>> -> memref<8x128xf32, #tpu.memory_space<hbm>>
    %dma_wait3A_424 = arith.constant 120 : i32
    %dma_wait3A_425 = tpu.memref_slice %arg3[%dma_wait3A_424, %mul3A_2] : memref<128x4096xf32, #tpu.memory_space<hbm>> -> memref<8x128xf32, #tpu.memory_space<hbm>>
    %dma_wait3A_426 = arith.constant 0 : i32
    %dma_wait3A_427 = arith.constant 0 : i32
    %dma_wait3A_428 = tpu.memref_slice %arg5[%dma_wait3A_417, %dma_wait3A_426, %dma_wait3A_427] : memref<16x8x128xf32, #tpu.memory_space<vmem>> -> memref<1x8x128xf32, #tpu.memory_space<vmem>>
    %dma_wait3A_429 = tpu.memref_squeeze %dma_wait3A_428 : memref<1x8x128xf32, #tpu.memory_space<vmem>> -> memref<8x128xf32, #tpu.memory_space<vmem>>
    tpu.wait_dma2 semaphore(%arg7 : memref<!tpu.dma_semaphore, #tpu.memory_space<semaphore_mem>>) src(%dma_wait3A_429 : memref<8x128xf32, #tpu.memory_space<vmem>>) dst(%dma_wait3A_425 : memref<8x128xf32, #tpu.memory_space<hbm>>)
    return
  }
}

module attributes {stable_mosaic.version = 14 : i64} {
  func.func @_merge_body(%arg0: memref<128x4096xf32, #tpu.memory_space<any>>, %arg1: memref<128x65536xf32, #tpu.memory_space<any>>, %arg2: memref<128x65536xf32, #tpu.memory_space<any>>, %arg3: memref<128x1024xf32, #tpu.memory_space<vmem>>, %arg4: memref<128x1024xf32, #tpu.memory_space<vmem>>, %arg5: memref<128x1024xf32, #tpu.memory_space<vmem>>, %arg6: memref<128x1024xf32, #tpu.memory_space<vmem>>, %arg7: memref<!tpu.dma_semaphore, #tpu.memory_space<semaphore_mem>>, %arg8: memref<!tpu.dma_semaphore, #tpu.memory_space<semaphore_mem>>) attributes {dimension_semantics = [], scalar_prefetch = 0 : i64, scratch_operands = 6 : i64, tpu.core_type = #tpu.core_type<tc>} {
    %dma_start3A = arith.constant 0 : i32
    %dma_start3A_0 = arith.constant 0 : i32
    %dma_start3A_1 = tpu.memref_slice %arg0[%dma_start3A, %dma_start3A_0] : memref<128x4096xf32, #tpu.memory_space<any>> -> memref<128x1024xf32, #tpu.memory_space<any>>
    tpu.enqueue_dma source(%dma_start3A_1 : memref<128x1024xf32, #tpu.memory_space<any>>) target(%arg3 : memref<128x1024xf32, #tpu.memory_space<vmem>>) target_semaphore(%arg7 : memref<!tpu.dma_semaphore, #tpu.memory_space<semaphore_mem>>)
    %dma_start3A_2 = arith.constant 0 : i32
    %dma_start3A_3 = arith.constant 1024 : i32
    %dma_start3A_4 = tpu.memref_slice %arg0[%dma_start3A_2, %dma_start3A_3] : memref<128x4096xf32, #tpu.memory_space<any>> -> memref<128x1024xf32, #tpu.memory_space<any>>
    tpu.enqueue_dma source(%dma_start3A_4 : memref<128x1024xf32, #tpu.memory_space<any>>) target(%arg4 : memref<128x1024xf32, #tpu.memory_space<vmem>>) target_semaphore(%arg7 : memref<!tpu.dma_semaphore, #tpu.memory_space<semaphore_mem>>)
    %dma_start3A_5 = arith.constant 0 : i32
    %dma_start3A_6 = arith.constant 2048 : i32
    %dma_start3A_7 = tpu.memref_slice %arg0[%dma_start3A_5, %dma_start3A_6] : memref<128x4096xf32, #tpu.memory_space<any>> -> memref<128x1024xf32, #tpu.memory_space<any>>
    tpu.enqueue_dma source(%dma_start3A_7 : memref<128x1024xf32, #tpu.memory_space<any>>) target(%arg5 : memref<128x1024xf32, #tpu.memory_space<vmem>>) target_semaphore(%arg7 : memref<!tpu.dma_semaphore, #tpu.memory_space<semaphore_mem>>)
    %dma_start3A_8 = arith.constant 0 : i32
    %dma_start3A_9 = arith.constant 3072 : i32
    %dma_start3A_10 = tpu.memref_slice %arg0[%dma_start3A_8, %dma_start3A_9] : memref<128x4096xf32, #tpu.memory_space<any>> -> memref<128x1024xf32, #tpu.memory_space<any>>
    tpu.enqueue_dma source(%dma_start3A_10 : memref<128x1024xf32, #tpu.memory_space<any>>) target(%arg6 : memref<128x1024xf32, #tpu.memory_space<vmem>>) target_semaphore(%arg7 : memref<!tpu.dma_semaphore, #tpu.memory_space<semaphore_mem>>)
    %dma_wait3A = arith.constant 0 : i32
    %dma_wait3A_11 = arith.constant 0 : i32
    %dma_wait3A_12 = tpu.memref_slice %arg0[%dma_wait3A, %dma_wait3A_11] : memref<128x4096xf32, #tpu.memory_space<any>> -> memref<128x1024xf32, #tpu.memory_space<any>>
    tpu.wait_dma2 semaphore(%arg7 : memref<!tpu.dma_semaphore, #tpu.memory_space<semaphore_mem>>) src(%dma_wait3A_12 : memref<128x1024xf32, #tpu.memory_space<any>>) dst(%arg3 : memref<128x1024xf32, #tpu.memory_space<vmem>>)
    %dma_start3A_13 = arith.constant 0 : i32
    %dma_start3A_14 = arith.constant 0 : i32
    %dma_start3A_15 = tpu.memref_slice %arg2[%dma_start3A_13, %dma_start3A_14] : memref<128x65536xf32, #tpu.memory_space<any>> -> memref<128x1024xf32, #tpu.memory_space<any>>
    tpu.enqueue_dma source(%arg3 : memref<128x1024xf32, #tpu.memory_space<vmem>>) target(%dma_start3A_15 : memref<128x1024xf32, #tpu.memory_space<any>>) target_semaphore(%arg8 : memref<!tpu.dma_semaphore, #tpu.memory_space<semaphore_mem>>)
    %dma_wait3A_16 = arith.constant 0 : i32
    %dma_wait3A_17 = arith.constant 1024 : i32
    %dma_wait3A_18 = tpu.memref_slice %arg0[%dma_wait3A_16, %dma_wait3A_17] : memref<128x4096xf32, #tpu.memory_space<any>> -> memref<128x1024xf32, #tpu.memory_space<any>>
    tpu.wait_dma2 semaphore(%arg7 : memref<!tpu.dma_semaphore, #tpu.memory_space<semaphore_mem>>) src(%dma_wait3A_18 : memref<128x1024xf32, #tpu.memory_space<any>>) dst(%arg4 : memref<128x1024xf32, #tpu.memory_space<vmem>>)
    %dma_start3A_19 = arith.constant 0 : i32
    %dma_start3A_20 = arith.constant 1024 : i32
    %dma_start3A_21 = tpu.memref_slice %arg2[%dma_start3A_19, %dma_start3A_20] : memref<128x65536xf32, #tpu.memory_space<any>> -> memref<128x1024xf32, #tpu.memory_space<any>>
    tpu.enqueue_dma source(%arg4 : memref<128x1024xf32, #tpu.memory_space<vmem>>) target(%dma_start3A_21 : memref<128x1024xf32, #tpu.memory_space<any>>) target_semaphore(%arg8 : memref<!tpu.dma_semaphore, #tpu.memory_space<semaphore_mem>>)
    %dma_wait3A_22 = arith.constant 0 : i32
    %dma_wait3A_23 = arith.constant 2048 : i32
    %dma_wait3A_24 = tpu.memref_slice %arg0[%dma_wait3A_22, %dma_wait3A_23] : memref<128x4096xf32, #tpu.memory_space<any>> -> memref<128x1024xf32, #tpu.memory_space<any>>
    tpu.wait_dma2 semaphore(%arg7 : memref<!tpu.dma_semaphore, #tpu.memory_space<semaphore_mem>>) src(%dma_wait3A_24 : memref<128x1024xf32, #tpu.memory_space<any>>) dst(%arg5 : memref<128x1024xf32, #tpu.memory_space<vmem>>)
    %dma_start3A_25 = arith.constant 0 : i32
    %dma_start3A_26 = arith.constant 2048 : i32
    %dma_start3A_27 = tpu.memref_slice %arg2[%dma_start3A_25, %dma_start3A_26] : memref<128x65536xf32, #tpu.memory_space<any>> -> memref<128x1024xf32, #tpu.memory_space<any>>
    tpu.enqueue_dma source(%arg5 : memref<128x1024xf32, #tpu.memory_space<vmem>>) target(%dma_start3A_27 : memref<128x1024xf32, #tpu.memory_space<any>>) target_semaphore(%arg8 : memref<!tpu.dma_semaphore, #tpu.memory_space<semaphore_mem>>)
    %dma_wait3A_28 = arith.constant 0 : i32
    %dma_wait3A_29 = arith.constant 3072 : i32
    %dma_wait3A_30 = tpu.memref_slice %arg0[%dma_wait3A_28, %dma_wait3A_29] : memref<128x4096xf32, #tpu.memory_space<any>> -> memref<128x1024xf32, #tpu.memory_space<any>>
    tpu.wait_dma2 semaphore(%arg7 : memref<!tpu.dma_semaphore, #tpu.memory_space<semaphore_mem>>) src(%dma_wait3A_30 : memref<128x1024xf32, #tpu.memory_space<any>>) dst(%arg6 : memref<128x1024xf32, #tpu.memory_space<vmem>>)
    %dma_start3A_31 = arith.constant 0 : i32
    %dma_start3A_32 = arith.constant 3072 : i32
    %dma_start3A_33 = tpu.memref_slice %arg2[%dma_start3A_31, %dma_start3A_32] : memref<128x65536xf32, #tpu.memory_space<any>> -> memref<128x1024xf32, #tpu.memory_space<any>>
    tpu.enqueue_dma source(%arg6 : memref<128x1024xf32, #tpu.memory_space<vmem>>) target(%dma_start3A_33 : memref<128x1024xf32, #tpu.memory_space<any>>) target_semaphore(%arg8 : memref<!tpu.dma_semaphore, #tpu.memory_space<semaphore_mem>>)
    %dma_wait3A_34 = arith.constant 0 : i32
    %dma_wait3A_35 = arith.constant 0 : i32
    %dma_wait3A_36 = tpu.memref_slice %arg2[%dma_wait3A_34, %dma_wait3A_35] : memref<128x65536xf32, #tpu.memory_space<any>> -> memref<128x1024xf32, #tpu.memory_space<any>>
    tpu.wait_dma2 semaphore(%arg8 : memref<!tpu.dma_semaphore, #tpu.memory_space<semaphore_mem>>) src(%arg3 : memref<128x1024xf32, #tpu.memory_space<vmem>>) dst(%dma_wait3A_36 : memref<128x1024xf32, #tpu.memory_space<any>>)
    %dma_wait3A_37 = arith.constant 0 : i32
    %dma_wait3A_38 = arith.constant 1024 : i32
    %dma_wait3A_39 = tpu.memref_slice %arg2[%dma_wait3A_37, %dma_wait3A_38] : memref<128x65536xf32, #tpu.memory_space<any>> -> memref<128x1024xf32, #tpu.memory_space<any>>
    tpu.wait_dma2 semaphore(%arg8 : memref<!tpu.dma_semaphore, #tpu.memory_space<semaphore_mem>>) src(%arg4 : memref<128x1024xf32, #tpu.memory_space<vmem>>) dst(%dma_wait3A_39 : memref<128x1024xf32, #tpu.memory_space<any>>)
    %dma_wait3A_40 = arith.constant 0 : i32
    %dma_wait3A_41 = arith.constant 2048 : i32
    %dma_wait3A_42 = tpu.memref_slice %arg2[%dma_wait3A_40, %dma_wait3A_41] : memref<128x65536xf32, #tpu.memory_space<any>> -> memref<128x1024xf32, #tpu.memory_space<any>>
    tpu.wait_dma2 semaphore(%arg8 : memref<!tpu.dma_semaphore, #tpu.memory_space<semaphore_mem>>) src(%arg5 : memref<128x1024xf32, #tpu.memory_space<vmem>>) dst(%dma_wait3A_42 : memref<128x1024xf32, #tpu.memory_space<any>>)
    %dma_wait3A_43 = arith.constant 0 : i32
    %dma_wait3A_44 = arith.constant 3072 : i32
    %dma_wait3A_45 = tpu.memref_slice %arg2[%dma_wait3A_43, %dma_wait3A_44] : memref<128x65536xf32, #tpu.memory_space<any>> -> memref<128x1024xf32, #tpu.memory_space<any>>
    tpu.wait_dma2 semaphore(%arg8 : memref<!tpu.dma_semaphore, #tpu.memory_space<semaphore_mem>>) src(%arg6 : memref<128x1024xf32, #tpu.memory_space<vmem>>) dst(%dma_wait3A_45 : memref<128x1024xf32, #tpu.memory_space<any>>)
    return
  }
}

module attributes {stable_mosaic.version = 14 : i64} {
  func.func @_copy_body(%arg0: memref<128x65536xf32, #tpu.memory_space<any>>, %arg1: memref<128x65536xf32, #tpu.memory_space<any>>, %arg2: memref<8x61440xf32, #tpu.memory_space<vmem>>, %arg3: memref<8x61440xf32, #tpu.memory_space<vmem>>, %arg4: memref<8x61440xf32, #tpu.memory_space<vmem>>, %arg5: memref<8x61440xf32, #tpu.memory_space<vmem>>, %arg6: memref<8x61440xf32, #tpu.memory_space<vmem>>, %arg7: memref<8x61440xf32, #tpu.memory_space<vmem>>, %arg8: memref<!tpu.dma_semaphore, #tpu.memory_space<semaphore_mem>>, %arg9: memref<!tpu.dma_semaphore, #tpu.memory_space<semaphore_mem>>) attributes {dimension_semantics = [], scalar_prefetch = 0 : i64, scratch_operands = 8 : i64, tpu.core_type = #tpu.core_type<tc>} {
    %dma_start3A = arith.constant 0 : i32
    %dma_start3A_0 = arith.constant 4096 : i32
    %dma_start3A_1 = tpu.memref_slice %arg0[%dma_start3A, %dma_start3A_0] : memref<128x65536xf32, #tpu.memory_space<any>> -> memref<8x61440xf32, #tpu.memory_space<any>>
    tpu.enqueue_dma source(%dma_start3A_1 : memref<8x61440xf32, #tpu.memory_space<any>>) target(%arg2 : memref<8x61440xf32, #tpu.memory_space<vmem>>) target_semaphore(%arg8 : memref<!tpu.dma_semaphore, #tpu.memory_space<semaphore_mem>>)
    %dma_start3A_2 = arith.constant 8 : i32
    %dma_start3A_3 = arith.constant 4096 : i32
    %dma_start3A_4 = tpu.memref_slice %arg0[%dma_start3A_2, %dma_start3A_3] : memref<128x65536xf32, #tpu.memory_space<any>> -> memref<8x61440xf32, #tpu.memory_space<any>>
    tpu.enqueue_dma source(%dma_start3A_4 : memref<8x61440xf32, #tpu.memory_space<any>>) target(%arg3 : memref<8x61440xf32, #tpu.memory_space<vmem>>) target_semaphore(%arg8 : memref<!tpu.dma_semaphore, #tpu.memory_space<semaphore_mem>>)
    %dma_start3A_5 = arith.constant 16 : i32
    %dma_start3A_6 = arith.constant 4096 : i32
    %dma_start3A_7 = tpu.memref_slice %arg0[%dma_start3A_5, %dma_start3A_6] : memref<128x65536xf32, #tpu.memory_space<any>> -> memref<8x61440xf32, #tpu.memory_space<any>>
    tpu.enqueue_dma source(%dma_start3A_7 : memref<8x61440xf32, #tpu.memory_space<any>>) target(%arg4 : memref<8x61440xf32, #tpu.memory_space<vmem>>) target_semaphore(%arg8 : memref<!tpu.dma_semaphore, #tpu.memory_space<semaphore_mem>>)
    %dma_start3A_8 = arith.constant 24 : i32
    %dma_start3A_9 = arith.constant 4096 : i32
    %dma_start3A_10 = tpu.memref_slice %arg0[%dma_start3A_8, %dma_start3A_9] : memref<128x65536xf32, #tpu.memory_space<any>> -> memref<8x61440xf32, #tpu.memory_space<any>>
    tpu.enqueue_dma source(%dma_start3A_10 : memref<8x61440xf32, #tpu.memory_space<any>>) target(%arg5 : memref<8x61440xf32, #tpu.memory_space<vmem>>) target_semaphore(%arg8 : memref<!tpu.dma_semaphore, #tpu.memory_space<semaphore_mem>>)
    %dma_wait3A = arith.constant 0 : i32
    %dma_wait3A_11 = arith.constant 4096 : i32
    %dma_wait3A_12 = tpu.memref_slice %arg0[%dma_wait3A, %dma_wait3A_11] : memref<128x65536xf32, #tpu.memory_space<any>> -> memref<8x61440xf32, #tpu.memory_space<any>>
    tpu.wait_dma2 semaphore(%arg8 : memref<!tpu.dma_semaphore, #tpu.memory_space<semaphore_mem>>) src(%dma_wait3A_12 : memref<8x61440xf32, #tpu.memory_space<any>>) dst(%arg2 : memref<8x61440xf32, #tpu.memory_space<vmem>>)
    %dma_start3A_13 = arith.constant 0 : i32
    %dma_start3A_14 = arith.constant 4096 : i32
    %dma_start3A_15 = tpu.memref_slice %arg1[%dma_start3A_13, %dma_start3A_14] : memref<128x65536xf32, #tpu.memory_space<any>> -> memref<8x61440xf32, #tpu.memory_space<any>>
    tpu.enqueue_dma source(%arg2 : memref<8x61440xf32, #tpu.memory_space<vmem>>) target(%dma_start3A_15 : memref<8x61440xf32, #tpu.memory_space<any>>) target_semaphore(%arg9 : memref<!tpu.dma_semaphore, #tpu.memory_space<semaphore_mem>>)
    %dma_start3A_16 = arith.constant 32 : i32
    %dma_start3A_17 = arith.constant 4096 : i32
    %dma_start3A_18 = tpu.memref_slice %arg0[%dma_start3A_16, %dma_start3A_17] : memref<128x65536xf32, #tpu.memory_space<any>> -> memref<8x61440xf32, #tpu.memory_space<any>>
    tpu.enqueue_dma source(%dma_start3A_18 : memref<8x61440xf32, #tpu.memory_space<any>>) target(%arg6 : memref<8x61440xf32, #tpu.memory_space<vmem>>) target_semaphore(%arg8 : memref<!tpu.dma_semaphore, #tpu.memory_space<semaphore_mem>>)
    %dma_wait3A_19 = arith.constant 8 : i32
    %dma_wait3A_20 = arith.constant 4096 : i32
    %dma_wait3A_21 = tpu.memref_slice %arg0[%dma_wait3A_19, %dma_wait3A_20] : memref<128x65536xf32, #tpu.memory_space<any>> -> memref<8x61440xf32, #tpu.memory_space<any>>
    tpu.wait_dma2 semaphore(%arg8 : memref<!tpu.dma_semaphore, #tpu.memory_space<semaphore_mem>>) src(%dma_wait3A_21 : memref<8x61440xf32, #tpu.memory_space<any>>) dst(%arg3 : memref<8x61440xf32, #tpu.memory_space<vmem>>)
    %dma_start3A_22 = arith.constant 8 : i32
    %dma_start3A_23 = arith.constant 4096 : i32
    %dma_start3A_24 = tpu.memref_slice %arg1[%dma_start3A_22, %dma_start3A_23] : memref<128x65536xf32, #tpu.memory_space<any>> -> memref<8x61440xf32, #tpu.memory_space<any>>
    tpu.enqueue_dma source(%arg3 : memref<8x61440xf32, #tpu.memory_space<vmem>>) target(%dma_start3A_24 : memref<8x61440xf32, #tpu.memory_space<any>>) target_semaphore(%arg9 : memref<!tpu.dma_semaphore, #tpu.memory_space<semaphore_mem>>)
    %dma_start3A_25 = arith.constant 40 : i32
    %dma_start3A_26 = arith.constant 4096 : i32
    %dma_start3A_27 = tpu.memref_slice %arg0[%dma_start3A_25, %dma_start3A_26] : memref<128x65536xf32, #tpu.memory_space<any>> -> memref<8x61440xf32, #tpu.memory_space<any>>
    tpu.enqueue_dma source(%dma_start3A_27 : memref<8x61440xf32, #tpu.memory_space<any>>) target(%arg7 : memref<8x61440xf32, #tpu.memory_space<vmem>>) target_semaphore(%arg8 : memref<!tpu.dma_semaphore, #tpu.memory_space<semaphore_mem>>)
    %dma_wait3A_28 = arith.constant 16 : i32
    %dma_wait3A_29 = arith.constant 4096 : i32
    %dma_wait3A_30 = tpu.memref_slice %arg0[%dma_wait3A_28, %dma_wait3A_29] : memref<128x65536xf32, #tpu.memory_space<any>> -> memref<8x61440xf32, #tpu.memory_space<any>>
    tpu.wait_dma2 semaphore(%arg8 : memref<!tpu.dma_semaphore, #tpu.memory_space<semaphore_mem>>) src(%dma_wait3A_30 : memref<8x61440xf32, #tpu.memory_space<any>>) dst(%arg4 : memref<8x61440xf32, #tpu.memory_space<vmem>>)
    %dma_start3A_31 = arith.constant 16 : i32
    %dma_start3A_32 = arith.constant 4096 : i32
    %dma_start3A_33 = tpu.memref_slice %arg1[%dma_start3A_31, %dma_start3A_32] : memref<128x65536xf32, #tpu.memory_space<any>> -> memref<8x61440xf32, #tpu.memory_space<any>>
    tpu.enqueue_dma source(%arg4 : memref<8x61440xf32, #tpu.memory_space<vmem>>) target(%dma_start3A_33 : memref<8x61440xf32, #tpu.memory_space<any>>) target_semaphore(%arg9 : memref<!tpu.dma_semaphore, #tpu.memory_space<semaphore_mem>>)
    %dma_wait3A_34 = arith.constant 0 : i32
    %dma_wait3A_35 = arith.constant 4096 : i32
    %dma_wait3A_36 = tpu.memref_slice %arg1[%dma_wait3A_34, %dma_wait3A_35] : memref<128x65536xf32, #tpu.memory_space<any>> -> memref<8x61440xf32, #tpu.memory_space<any>>
    tpu.wait_dma2 semaphore(%arg9 : memref<!tpu.dma_semaphore, #tpu.memory_space<semaphore_mem>>) src(%arg2 : memref<8x61440xf32, #tpu.memory_space<vmem>>) dst(%dma_wait3A_36 : memref<8x61440xf32, #tpu.memory_space<any>>)
    %dma_start3A_37 = arith.constant 48 : i32
    %dma_start3A_38 = arith.constant 4096 : i32
    %dma_start3A_39 = tpu.memref_slice %arg0[%dma_start3A_37, %dma_start3A_38] : memref<128x65536xf32, #tpu.memory_space<any>> -> memref<8x61440xf32, #tpu.memory_space<any>>
    tpu.enqueue_dma source(%dma_start3A_39 : memref<8x61440xf32, #tpu.memory_space<any>>) target(%arg2 : memref<8x61440xf32, #tpu.memory_space<vmem>>) target_semaphore(%arg8 : memref<!tpu.dma_semaphore, #tpu.memory_space<semaphore_mem>>)
    %dma_wait3A_40 = arith.constant 24 : i32
    %dma_wait3A_41 = arith.constant 4096 : i32
    %dma_wait3A_42 = tpu.memref_slice %arg0[%dma_wait3A_40, %dma_wait3A_41] : memref<128x65536xf32, #tpu.memory_space<any>> -> memref<8x61440xf32, #tpu.memory_space<any>>
    tpu.wait_dma2 semaphore(%arg8 : memref<!tpu.dma_semaphore, #tpu.memory_space<semaphore_mem>>) src(%dma_wait3A_42 : memref<8x61440xf32, #tpu.memory_space<any>>) dst(%arg5 : memref<8x61440xf32, #tpu.memory_space<vmem>>)
    %dma_start3A_43 = arith.constant 24 : i32
    %dma_start3A_44 = arith.constant 4096 : i32
    %dma_start3A_45 = tpu.memref_slice %arg1[%dma_start3A_43, %dma_start3A_44] : memref<128x65536xf32, #tpu.memory_space<any>> -> memref<8x61440xf32, #tpu.memory_space<any>>
    tpu.enqueue_dma source(%arg5 : memref<8x61440xf32, #tpu.memory_space<vmem>>) target(%dma_start3A_45 : memref<8x61440xf32, #tpu.memory_space<any>>) target_semaphore(%arg9 : memref<!tpu.dma_semaphore, #tpu.memory_space<semaphore_mem>>)
    %dma_wait3A_46 = arith.constant 8 : i32
    %dma_wait3A_47 = arith.constant 4096 : i32
    %dma_wait3A_48 = tpu.memref_slice %arg1[%dma_wait3A_46, %dma_wait3A_47] : memref<128x65536xf32, #tpu.memory_space<any>> -> memref<8x61440xf32, #tpu.memory_space<any>>
    tpu.wait_dma2 semaphore(%arg9 : memref<!tpu.dma_semaphore, #tpu.memory_space<semaphore_mem>>) src(%arg3 : memref<8x61440xf32, #tpu.memory_space<vmem>>) dst(%dma_wait3A_48 : memref<8x61440xf32, #tpu.memory_space<any>>)
    %dma_start3A_49 = arith.constant 56 : i32
    %dma_start3A_50 = arith.constant 4096 : i32
    %dma_start3A_51 = tpu.memref_slice %arg0[%dma_start3A_49, %dma_start3A_50] : memref<128x65536xf32, #tpu.memory_space<any>> -> memref<8x61440xf32, #tpu.memory_space<any>>
    tpu.enqueue_dma source(%dma_start3A_51 : memref<8x61440xf32, #tpu.memory_space<any>>) target(%arg3 : memref<8x61440xf32, #tpu.memory_space<vmem>>) target_semaphore(%arg8 : memref<!tpu.dma_semaphore, #tpu.memory_space<semaphore_mem>>)
    %dma_wait3A_52 = arith.constant 32 : i32
    %dma_wait3A_53 = arith.constant 4096 : i32
    %dma_wait3A_54 = tpu.memref_slice %arg0[%dma_wait3A_52, %dma_wait3A_53] : memref<128x65536xf32, #tpu.memory_space<any>> -> memref<8x61440xf32, #tpu.memory_space<any>>
    tpu.wait_dma2 semaphore(%arg8 : memref<!tpu.dma_semaphore, #tpu.memory_space<semaphore_mem>>) src(%dma_wait3A_54 : memref<8x61440xf32, #tpu.memory_space<any>>) dst(%arg6 : memref<8x61440xf32, #tpu.memory_space<vmem>>)
    %dma_start3A_55 = arith.constant 32 : i32
    %dma_start3A_56 = arith.constant 4096 : i32
    %dma_start3A_57 = tpu.memref_slice %arg1[%dma_start3A_55, %dma_start3A_56] : memref<128x65536xf32, #tpu.memory_space<any>> -> memref<8x61440xf32, #tpu.memory_space<any>>
    tpu.enqueue_dma source(%arg6 : memref<8x61440xf32, #tpu.memory_space<vmem>>) target(%dma_start3A_57 : memref<8x61440xf32, #tpu.memory_space<any>>) target_semaphore(%arg9 : memref<!tpu.dma_semaphore, #tpu.memory_space<semaphore_mem>>)
    %dma_wait3A_58 = arith.constant 16 : i32
    %dma_wait3A_59 = arith.constant 4096 : i32
    %dma_wait3A_60 = tpu.memref_slice %arg1[%dma_wait3A_58, %dma_wait3A_59] : memref<128x65536xf32, #tpu.memory_space<any>> -> memref<8x61440xf32, #tpu.memory_space<any>>
    tpu.wait_dma2 semaphore(%arg9 : memref<!tpu.dma_semaphore, #tpu.memory_space<semaphore_mem>>) src(%arg4 : memref<8x61440xf32, #tpu.memory_space<vmem>>) dst(%dma_wait3A_60 : memref<8x61440xf32, #tpu.memory_space<any>>)
    %dma_start3A_61 = arith.constant 64 : i32
    %dma_start3A_62 = arith.constant 4096 : i32
    %dma_start3A_63 = tpu.memref_slice %arg0[%dma_start3A_61, %dma_start3A_62] : memref<128x65536xf32, #tpu.memory_space<any>> -> memref<8x61440xf32, #tpu.memory_space<any>>
    tpu.enqueue_dma source(%dma_start3A_63 : memref<8x61440xf32, #tpu.memory_space<any>>) target(%arg4 : memref<8x61440xf32, #tpu.memory_space<vmem>>) target_semaphore(%arg8 : memref<!tpu.dma_semaphore, #tpu.memory_space<semaphore_mem>>)
    %dma_wait3A_64 = arith.constant 40 : i32
    %dma_wait3A_65 = arith.constant 4096 : i32
    %dma_wait3A_66 = tpu.memref_slice %arg0[%dma_wait3A_64, %dma_wait3A_65] : memref<128x65536xf32, #tpu.memory_space<any>> -> memref<8x61440xf32, #tpu.memory_space<any>>
    tpu.wait_dma2 semaphore(%arg8 : memref<!tpu.dma_semaphore, #tpu.memory_space<semaphore_mem>>) src(%dma_wait3A_66 : memref<8x61440xf32, #tpu.memory_space<any>>) dst(%arg7 : memref<8x61440xf32, #tpu.memory_space<vmem>>)
    %dma_start3A_67 = arith.constant 40 : i32
    %dma_start3A_68 = arith.constant 4096 : i32
    %dma_start3A_69 = tpu.memref_slice %arg1[%dma_start3A_67, %dma_start3A_68] : memref<128x65536xf32, #tpu.memory_space<any>> -> memref<8x61440xf32, #tpu.memory_space<any>>
    tpu.enqueue_dma source(%arg7 : memref<8x61440xf32, #tpu.memory_space<vmem>>) target(%dma_start3A_69 : memref<8x61440xf32, #tpu.memory_space<any>>) target_semaphore(%arg9 : memref<!tpu.dma_semaphore, #tpu.memory_space<semaphore_mem>>)
    %dma_wait3A_70 = arith.constant 24 : i32
    %dma_wait3A_71 = arith.constant 4096 : i32
    %dma_wait3A_72 = tpu.memref_slice %arg1[%dma_wait3A_70, %dma_wait3A_71] : memref<128x65536xf32, #tpu.memory_space<any>> -> memref<8x61440xf32, #tpu.memory_space<any>>
    tpu.wait_dma2 semaphore(%arg9 : memref<!tpu.dma_semaphore, #tpu.memory_space<semaphore_mem>>) src(%arg5 : memref<8x61440xf32, #tpu.memory_space<vmem>>) dst(%dma_wait3A_72 : memref<8x61440xf32, #tpu.memory_space<any>>)
    %dma_start3A_73 = arith.constant 72 : i32
    %dma_start3A_74 = arith.constant 4096 : i32
    %dma_start3A_75 = tpu.memref_slice %arg0[%dma_start3A_73, %dma_start3A_74] : memref<128x65536xf32, #tpu.memory_space<any>> -> memref<8x61440xf32, #tpu.memory_space<any>>
    tpu.enqueue_dma source(%dma_start3A_75 : memref<8x61440xf32, #tpu.memory_space<any>>) target(%arg5 : memref<8x61440xf32, #tpu.memory_space<vmem>>) target_semaphore(%arg8 : memref<!tpu.dma_semaphore, #tpu.memory_space<semaphore_mem>>)
    %dma_wait3A_76 = arith.constant 48 : i32
    %dma_wait3A_77 = arith.constant 4096 : i32
    %dma_wait3A_78 = tpu.memref_slice %arg0[%dma_wait3A_76, %dma_wait3A_77] : memref<128x65536xf32, #tpu.memory_space<any>> -> memref<8x61440xf32, #tpu.memory_space<any>>
    tpu.wait_dma2 semaphore(%arg8 : memref<!tpu.dma_semaphore, #tpu.memory_space<semaphore_mem>>) src(%dma_wait3A_78 : memref<8x61440xf32, #tpu.memory_space<any>>) dst(%arg2 : memref<8x61440xf32, #tpu.memory_space<vmem>>)
    %dma_start3A_79 = arith.constant 48 : i32
    %dma_start3A_80 = arith.constant 4096 : i32
    %dma_start3A_81 = tpu.memref_slice %arg1[%dma_start3A_79, %dma_start3A_80] : memref<128x65536xf32, #tpu.memory_space<any>> -> memref<8x61440xf32, #tpu.memory_space<any>>
    tpu.enqueue_dma source(%arg2 : memref<8x61440xf32, #tpu.memory_space<vmem>>) target(%dma_start3A_81 : memref<8x61440xf32, #tpu.memory_space<any>>) target_semaphore(%arg9 : memref<!tpu.dma_semaphore, #tpu.memory_space<semaphore_mem>>)
    %dma_wait3A_82 = arith.constant 32 : i32
    %dma_wait3A_83 = arith.constant 4096 : i32
    %dma_wait3A_84 = tpu.memref_slice %arg1[%dma_wait3A_82, %dma_wait3A_83] : memref<128x65536xf32, #tpu.memory_space<any>> -> memref<8x61440xf32, #tpu.memory_space<any>>
    tpu.wait_dma2 semaphore(%arg9 : memref<!tpu.dma_semaphore, #tpu.memory_space<semaphore_mem>>) src(%arg6 : memref<8x61440xf32, #tpu.memory_space<vmem>>) dst(%dma_wait3A_84 : memref<8x61440xf32, #tpu.memory_space<any>>)
    %dma_start3A_85 = arith.constant 80 : i32
    %dma_start3A_86 = arith.constant 4096 : i32
    %dma_start3A_87 = tpu.memref_slice %arg0[%dma_start3A_85, %dma_start3A_86] : memref<128x65536xf32, #tpu.memory_space<any>> -> memref<8x61440xf32, #tpu.memory_space<any>>
    tpu.enqueue_dma source(%dma_start3A_87 : memref<8x61440xf32, #tpu.memory_space<any>>) target(%arg6 : memref<8x61440xf32, #tpu.memory_space<vmem>>) target_semaphore(%arg8 : memref<!tpu.dma_semaphore, #tpu.memory_space<semaphore_mem>>)
    %dma_wait3A_88 = arith.constant 56 : i32
    %dma_wait3A_89 = arith.constant 4096 : i32
    %dma_wait3A_90 = tpu.memref_slice %arg0[%dma_wait3A_88, %dma_wait3A_89] : memref<128x65536xf32, #tpu.memory_space<any>> -> memref<8x61440xf32, #tpu.memory_space<any>>
    tpu.wait_dma2 semaphore(%arg8 : memref<!tpu.dma_semaphore, #tpu.memory_space<semaphore_mem>>) src(%dma_wait3A_90 : memref<8x61440xf32, #tpu.memory_space<any>>) dst(%arg3 : memref<8x61440xf32, #tpu.memory_space<vmem>>)
    %dma_start3A_91 = arith.constant 56 : i32
    %dma_start3A_92 = arith.constant 4096 : i32
    %dma_start3A_93 = tpu.memref_slice %arg1[%dma_start3A_91, %dma_start3A_92] : memref<128x65536xf32, #tpu.memory_space<any>> -> memref<8x61440xf32, #tpu.memory_space<any>>
    tpu.enqueue_dma source(%arg3 : memref<8x61440xf32, #tpu.memory_space<vmem>>) target(%dma_start3A_93 : memref<8x61440xf32, #tpu.memory_space<any>>) target_semaphore(%arg9 : memref<!tpu.dma_semaphore, #tpu.memory_space<semaphore_mem>>)
    %dma_wait3A_94 = arith.constant 40 : i32
    %dma_wait3A_95 = arith.constant 4096 : i32
    %dma_wait3A_96 = tpu.memref_slice %arg1[%dma_wait3A_94, %dma_wait3A_95] : memref<128x65536xf32, #tpu.memory_space<any>> -> memref<8x61440xf32, #tpu.memory_space<any>>
    tpu.wait_dma2 semaphore(%arg9 : memref<!tpu.dma_semaphore, #tpu.memory_space<semaphore_mem>>) src(%arg7 : memref<8x61440xf32, #tpu.memory_space<vmem>>) dst(%dma_wait3A_96 : memref<8x61440xf32, #tpu.memory_space<any>>)
    %dma_start3A_97 = arith.constant 88 : i32
    %dma_start3A_98 = arith.constant 4096 : i32
    %dma_start3A_99 = tpu.memref_slice %arg0[%dma_start3A_97, %dma_start3A_98] : memref<128x65536xf32, #tpu.memory_space<any>> -> memref<8x61440xf32, #tpu.memory_space<any>>
    tpu.enqueue_dma source(%dma_start3A_99 : memref<8x61440xf32, #tpu.memory_space<any>>) target(%arg7 : memref<8x61440xf32, #tpu.memory_space<vmem>>) target_semaphore(%arg8 : memref<!tpu.dma_semaphore, #tpu.memory_space<semaphore_mem>>)
    %dma_wait3A_100 = arith.constant 64 : i32
    %dma_wait3A_101 = arith.constant 4096 : i32
    %dma_wait3A_102 = tpu.memref_slice %arg0[%dma_wait3A_100, %dma_wait3A_101] : memref<128x65536xf32, #tpu.memory_space<any>> -> memref<8x61440xf32, #tpu.memory_space<any>>
    tpu.wait_dma2 semaphore(%arg8 : memref<!tpu.dma_semaphore, #tpu.memory_space<semaphore_mem>>) src(%dma_wait3A_102 : memref<8x61440xf32, #tpu.memory_space<any>>) dst(%arg4 : memref<8x61440xf32, #tpu.memory_space<vmem>>)
    %dma_start3A_103 = arith.constant 64 : i32
    %dma_start3A_104 = arith.constant 4096 : i32
    %dma_start3A_105 = tpu.memref_slice %arg1[%dma_start3A_103, %dma_start3A_104] : memref<128x65536xf32, #tpu.memory_space<any>> -> memref<8x61440xf32, #tpu.memory_space<any>>
    tpu.enqueue_dma source(%arg4 : memref<8x61440xf32, #tpu.memory_space<vmem>>) target(%dma_start3A_105 : memref<8x61440xf32, #tpu.memory_space<any>>) target_semaphore(%arg9 : memref<!tpu.dma_semaphore, #tpu.memory_space<semaphore_mem>>)
    %dma_wait3A_106 = arith.constant 48 : i32
    %dma_wait3A_107 = arith.constant 4096 : i32
    %dma_wait3A_108 = tpu.memref_slice %arg1[%dma_wait3A_106, %dma_wait3A_107] : memref<128x65536xf32, #tpu.memory_space<any>> -> memref<8x61440xf32, #tpu.memory_space<any>>
    tpu.wait_dma2 semaphore(%arg9 : memref<!tpu.dma_semaphore, #tpu.memory_space<semaphore_mem>>) src(%arg2 : memref<8x61440xf32, #tpu.memory_space<vmem>>) dst(%dma_wait3A_108 : memref<8x61440xf32, #tpu.memory_space<any>>)
    %dma_start3A_109 = arith.constant 96 : i32
    %dma_start3A_110 = arith.constant 4096 : i32
    %dma_start3A_111 = tpu.memref_slice %arg0[%dma_start3A_109, %dma_start3A_110] : memref<128x65536xf32, #tpu.memory_space<any>> -> memref<8x61440xf32, #tpu.memory_space<any>>
    tpu.enqueue_dma source(%dma_start3A_111 : memref<8x61440xf32, #tpu.memory_space<any>>) target(%arg2 : memref<8x61440xf32, #tpu.memory_space<vmem>>) target_semaphore(%arg8 : memref<!tpu.dma_semaphore, #tpu.memory_space<semaphore_mem>>)
    %dma_wait3A_112 = arith.constant 72 : i32
    %dma_wait3A_113 = arith.constant 4096 : i32
    %dma_wait3A_114 = tpu.memref_slice %arg0[%dma_wait3A_112, %dma_wait3A_113] : memref<128x65536xf32, #tpu.memory_space<any>> -> memref<8x61440xf32, #tpu.memory_space<any>>
    tpu.wait_dma2 semaphore(%arg8 : memref<!tpu.dma_semaphore, #tpu.memory_space<semaphore_mem>>) src(%dma_wait3A_114 : memref<8x61440xf32, #tpu.memory_space<any>>) dst(%arg5 : memref<8x61440xf32, #tpu.memory_space<vmem>>)
    %dma_start3A_115 = arith.constant 72 : i32
    %dma_start3A_116 = arith.constant 4096 : i32
    %dma_start3A_117 = tpu.memref_slice %arg1[%dma_start3A_115, %dma_start3A_116] : memref<128x65536xf32, #tpu.memory_space<any>> -> memref<8x61440xf32, #tpu.memory_space<any>>
    tpu.enqueue_dma source(%arg5 : memref<8x61440xf32, #tpu.memory_space<vmem>>) target(%dma_start3A_117 : memref<8x61440xf32, #tpu.memory_space<any>>) target_semaphore(%arg9 : memref<!tpu.dma_semaphore, #tpu.memory_space<semaphore_mem>>)
    %dma_wait3A_118 = arith.constant 56 : i32
    %dma_wait3A_119 = arith.constant 4096 : i32
    %dma_wait3A_120 = tpu.memref_slice %arg1[%dma_wait3A_118, %dma_wait3A_119] : memref<128x65536xf32, #tpu.memory_space<any>> -> memref<8x61440xf32, #tpu.memory_space<any>>
    tpu.wait_dma2 semaphore(%arg9 : memref<!tpu.dma_semaphore, #tpu.memory_space<semaphore_mem>>) src(%arg3 : memref<8x61440xf32, #tpu.memory_space<vmem>>) dst(%dma_wait3A_120 : memref<8x61440xf32, #tpu.memory_space<any>>)
    %dma_start3A_121 = arith.constant 104 : i32
    %dma_start3A_122 = arith.constant 4096 : i32
    %dma_start3A_123 = tpu.memref_slice %arg0[%dma_start3A_121, %dma_start3A_122] : memref<128x65536xf32, #tpu.memory_space<any>> -> memref<8x61440xf32, #tpu.memory_space<any>>
    tpu.enqueue_dma source(%dma_start3A_123 : memref<8x61440xf32, #tpu.memory_space<any>>) target(%arg3 : memref<8x61440xf32, #tpu.memory_space<vmem>>) target_semaphore(%arg8 : memref<!tpu.dma_semaphore, #tpu.memory_space<semaphore_mem>>)
    %dma_wait3A_124 = arith.constant 80 : i32
    %dma_wait3A_125 = arith.constant 4096 : i32
    %dma_wait3A_126 = tpu.memref_slice %arg0[%dma_wait3A_124, %dma_wait3A_125] : memref<128x65536xf32, #tpu.memory_space<any>> -> memref<8x61440xf32, #tpu.memory_space<any>>
    tpu.wait_dma2 semaphore(%arg8 : memref<!tpu.dma_semaphore, #tpu.memory_space<semaphore_mem>>) src(%dma_wait3A_126 : memref<8x61440xf32, #tpu.memory_space<any>>) dst(%arg6 : memref<8x61440xf32, #tpu.memory_space<vmem>>)
    %dma_start3A_127 = arith.constant 80 : i32
    %dma_start3A_128 = arith.constant 4096 : i32
    %dma_start3A_129 = tpu.memref_slice %arg1[%dma_start3A_127, %dma_start3A_128] : memref<128x65536xf32, #tpu.memory_space<any>> -> memref<8x61440xf32, #tpu.memory_space<any>>
    tpu.enqueue_dma source(%arg6 : memref<8x61440xf32, #tpu.memory_space<vmem>>) target(%dma_start3A_129 : memref<8x61440xf32, #tpu.memory_space<any>>) target_semaphore(%arg9 : memref<!tpu.dma_semaphore, #tpu.memory_space<semaphore_mem>>)
    %dma_wait3A_130 = arith.constant 64 : i32
    %dma_wait3A_131 = arith.constant 4096 : i32
    %dma_wait3A_132 = tpu.memref_slice %arg1[%dma_wait3A_130, %dma_wait3A_131] : memref<128x65536xf32, #tpu.memory_space<any>> -> memref<8x61440xf32, #tpu.memory_space<any>>
    tpu.wait_dma2 semaphore(%arg9 : memref<!tpu.dma_semaphore, #tpu.memory_space<semaphore_mem>>) src(%arg4 : memref<8x61440xf32, #tpu.memory_space<vmem>>) dst(%dma_wait3A_132 : memref<8x61440xf32, #tpu.memory_space<any>>)
    %dma_start3A_133 = arith.constant 112 : i32
    %dma_start3A_134 = arith.constant 4096 : i32
    %dma_start3A_135 = tpu.memref_slice %arg0[%dma_start3A_133, %dma_start3A_134] : memref<128x65536xf32, #tpu.memory_space<any>> -> memref<8x61440xf32, #tpu.memory_space<any>>
    tpu.enqueue_dma source(%dma_start3A_135 : memref<8x61440xf32, #tpu.memory_space<any>>) target(%arg4 : memref<8x61440xf32, #tpu.memory_space<vmem>>) target_semaphore(%arg8 : memref<!tpu.dma_semaphore, #tpu.memory_space<semaphore_mem>>)
    %dma_wait3A_136 = arith.constant 88 : i32
    %dma_wait3A_137 = arith.constant 4096 : i32
    %dma_wait3A_138 = tpu.memref_slice %arg0[%dma_wait3A_136, %dma_wait3A_137] : memref<128x65536xf32, #tpu.memory_space<any>> -> memref<8x61440xf32, #tpu.memory_space<any>>
    tpu.wait_dma2 semaphore(%arg8 : memref<!tpu.dma_semaphore, #tpu.memory_space<semaphore_mem>>) src(%dma_wait3A_138 : memref<8x61440xf32, #tpu.memory_space<any>>) dst(%arg7 : memref<8x61440xf32, #tpu.memory_space<vmem>>)
    %dma_start3A_139 = arith.constant 88 : i32
    %dma_start3A_140 = arith.constant 4096 : i32
    %dma_start3A_141 = tpu.memref_slice %arg1[%dma_start3A_139, %dma_start3A_140] : memref<128x65536xf32, #tpu.memory_space<any>> -> memref<8x61440xf32, #tpu.memory_space<any>>
    tpu.enqueue_dma source(%arg7 : memref<8x61440xf32, #tpu.memory_space<vmem>>) target(%dma_start3A_141 : memref<8x61440xf32, #tpu.memory_space<any>>) target_semaphore(%arg9 : memref<!tpu.dma_semaphore, #tpu.memory_space<semaphore_mem>>)
    %dma_wait3A_142 = arith.constant 72 : i32
    %dma_wait3A_143 = arith.constant 4096 : i32
    %dma_wait3A_144 = tpu.memref_slice %arg1[%dma_wait3A_142, %dma_wait3A_143] : memref<128x65536xf32, #tpu.memory_space<any>> -> memref<8x61440xf32, #tpu.memory_space<any>>
    tpu.wait_dma2 semaphore(%arg9 : memref<!tpu.dma_semaphore, #tpu.memory_space<semaphore_mem>>) src(%arg5 : memref<8x61440xf32, #tpu.memory_space<vmem>>) dst(%dma_wait3A_144 : memref<8x61440xf32, #tpu.memory_space<any>>)
    %dma_start3A_145 = arith.constant 120 : i32
    %dma_start3A_146 = arith.constant 4096 : i32
    %dma_start3A_147 = tpu.memref_slice %arg0[%dma_start3A_145, %dma_start3A_146] : memref<128x65536xf32, #tpu.memory_space<any>> -> memref<8x61440xf32, #tpu.memory_space<any>>
    tpu.enqueue_dma source(%dma_start3A_147 : memref<8x61440xf32, #tpu.memory_space<any>>) target(%arg5 : memref<8x61440xf32, #tpu.memory_space<vmem>>) target_semaphore(%arg8 : memref<!tpu.dma_semaphore, #tpu.memory_space<semaphore_mem>>)
    %dma_wait3A_148 = arith.constant 96 : i32
    %dma_wait3A_149 = arith.constant 4096 : i32
    %dma_wait3A_150 = tpu.memref_slice %arg0[%dma_wait3A_148, %dma_wait3A_149] : memref<128x65536xf32, #tpu.memory_space<any>> -> memref<8x61440xf32, #tpu.memory_space<any>>
    tpu.wait_dma2 semaphore(%arg8 : memref<!tpu.dma_semaphore, #tpu.memory_space<semaphore_mem>>) src(%dma_wait3A_150 : memref<8x61440xf32, #tpu.memory_space<any>>) dst(%arg2 : memref<8x61440xf32, #tpu.memory_space<vmem>>)
    %dma_start3A_151 = arith.constant 96 : i32
    %dma_start3A_152 = arith.constant 4096 : i32
    %dma_start3A_153 = tpu.memref_slice %arg1[%dma_start3A_151, %dma_start3A_152] : memref<128x65536xf32, #tpu.memory_space<any>> -> memref<8x61440xf32, #tpu.memory_space<any>>
    tpu.enqueue_dma source(%arg2 : memref<8x61440xf32, #tpu.memory_space<vmem>>) target(%dma_start3A_153 : memref<8x61440xf32, #tpu.memory_space<any>>) target_semaphore(%arg9 : memref<!tpu.dma_semaphore, #tpu.memory_space<semaphore_mem>>)
    %dma_wait3A_154 = arith.constant 104 : i32
    %dma_wait3A_155 = arith.constant 4096 : i32
    %dma_wait3A_156 = tpu.memref_slice %arg0[%dma_wait3A_154, %dma_wait3A_155] : memref<128x65536xf32, #tpu.memory_space<any>> -> memref<8x61440xf32, #tpu.memory_space<any>>
    tpu.wait_dma2 semaphore(%arg8 : memref<!tpu.dma_semaphore, #tpu.memory_space<semaphore_mem>>) src(%dma_wait3A_156 : memref<8x61440xf32, #tpu.memory_space<any>>) dst(%arg3 : memref<8x61440xf32, #tpu.memory_space<vmem>>)
    %dma_start3A_157 = arith.constant 104 : i32
    %dma_start3A_158 = arith.constant 4096 : i32
    %dma_start3A_159 = tpu.memref_slice %arg1[%dma_start3A_157, %dma_start3A_158] : memref<128x65536xf32, #tpu.memory_space<any>> -> memref<8x61440xf32, #tpu.memory_space<any>>
    tpu.enqueue_dma source(%arg3 : memref<8x61440xf32, #tpu.memory_space<vmem>>) target(%dma_start3A_159 : memref<8x61440xf32, #tpu.memory_space<any>>) target_semaphore(%arg9 : memref<!tpu.dma_semaphore, #tpu.memory_space<semaphore_mem>>)
    %dma_wait3A_160 = arith.constant 112 : i32
    %dma_wait3A_161 = arith.constant 4096 : i32
    %dma_wait3A_162 = tpu.memref_slice %arg0[%dma_wait3A_160, %dma_wait3A_161] : memref<128x65536xf32, #tpu.memory_space<any>> -> memref<8x61440xf32, #tpu.memory_space<any>>
    tpu.wait_dma2 semaphore(%arg8 : memref<!tpu.dma_semaphore, #tpu.memory_space<semaphore_mem>>) src(%dma_wait3A_162 : memref<8x61440xf32, #tpu.memory_space<any>>) dst(%arg4 : memref<8x61440xf32, #tpu.memory_space<vmem>>)
    %dma_start3A_163 = arith.constant 112 : i32
    %dma_start3A_164 = arith.constant 4096 : i32
    %dma_start3A_165 = tpu.memref_slice %arg1[%dma_start3A_163, %dma_start3A_164] : memref<128x65536xf32, #tpu.memory_space<any>> -> memref<8x61440xf32, #tpu.memory_space<any>>
    tpu.enqueue_dma source(%arg4 : memref<8x61440xf32, #tpu.memory_space<vmem>>) target(%dma_start3A_165 : memref<8x61440xf32, #tpu.memory_space<any>>) target_semaphore(%arg9 : memref<!tpu.dma_semaphore, #tpu.memory_space<semaphore_mem>>)
    %dma_wait3A_166 = arith.constant 120 : i32
    %dma_wait3A_167 = arith.constant 4096 : i32
    %dma_wait3A_168 = tpu.memref_slice %arg0[%dma_wait3A_166, %dma_wait3A_167] : memref<128x65536xf32, #tpu.memory_space<any>> -> memref<8x61440xf32, #tpu.memory_space<any>>
    tpu.wait_dma2 semaphore(%arg8 : memref<!tpu.dma_semaphore, #tpu.memory_space<semaphore_mem>>) src(%dma_wait3A_168 : memref<8x61440xf32, #tpu.memory_space<any>>) dst(%arg5 : memref<8x61440xf32, #tpu.memory_space<vmem>>)
    %dma_start3A_169 = arith.constant 120 : i32
    %dma_start3A_170 = arith.constant 4096 : i32
    %dma_start3A_171 = tpu.memref_slice %arg1[%dma_start3A_169, %dma_start3A_170] : memref<128x65536xf32, #tpu.memory_space<any>> -> memref<8x61440xf32, #tpu.memory_space<any>>
    tpu.enqueue_dma source(%arg5 : memref<8x61440xf32, #tpu.memory_space<vmem>>) target(%dma_start3A_171 : memref<8x61440xf32, #tpu.memory_space<any>>) target_semaphore(%arg9 : memref<!tpu.dma_semaphore, #tpu.memory_space<semaphore_mem>>)
    %dma_wait3A_172 = arith.constant 80 : i32
    %dma_wait3A_173 = arith.constant 4096 : i32
    %dma_wait3A_174 = tpu.memref_slice %arg1[%dma_wait3A_172, %dma_wait3A_173] : memref<128x65536xf32, #tpu.memory_space<any>> -> memref<8x61440xf32, #tpu.memory_space<any>>
    tpu.wait_dma2 semaphore(%arg9 : memref<!tpu.dma_semaphore, #tpu.memory_space<semaphore_mem>>) src(%arg6 : memref<8x61440xf32, #tpu.memory_space<vmem>>) dst(%dma_wait3A_174 : memref<8x61440xf32, #tpu.memory_space<any>>)
    %dma_wait3A_175 = arith.constant 88 : i32
    %dma_wait3A_176 = arith.constant 4096 : i32
    %dma_wait3A_177 = tpu.memref_slice %arg1[%dma_wait3A_175, %dma_wait3A_176] : memref<128x65536xf32, #tpu.memory_space<any>> -> memref<8x61440xf32, #tpu.memory_space<any>>
    tpu.wait_dma2 semaphore(%arg9 : memref<!tpu.dma_semaphore, #tpu.memory_space<semaphore_mem>>) src(%arg7 : memref<8x61440xf32, #tpu.memory_space<vmem>>) dst(%dma_wait3A_177 : memref<8x61440xf32, #tpu.memory_space<any>>)
    %dma_wait3A_178 = arith.constant 96 : i32
    %dma_wait3A_179 = arith.constant 4096 : i32
    %dma_wait3A_180 = tpu.memref_slice %arg1[%dma_wait3A_178, %dma_wait3A_179] : memref<128x65536xf32, #tpu.memory_space<any>> -> memref<8x61440xf32, #tpu.memory_space<any>>
    tpu.wait_dma2 semaphore(%arg9 : memref<!tpu.dma_semaphore, #tpu.memory_space<semaphore_mem>>) src(%arg2 : memref<8x61440xf32, #tpu.memory_space<vmem>>) dst(%dma_wait3A_180 : memref<8x61440xf32, #tpu.memory_space<any>>)
    %dma_wait3A_181 = arith.constant 104 : i32
    %dma_wait3A_182 = arith.constant 4096 : i32
    %dma_wait3A_183 = tpu.memref_slice %arg1[%dma_wait3A_181, %dma_wait3A_182] : memref<128x65536xf32, #tpu.memory_space<any>> -> memref<8x61440xf32, #tpu.memory_space<any>>
    tpu.wait_dma2 semaphore(%arg9 : memref<!tpu.dma_semaphore, #tpu.memory_space<semaphore_mem>>) src(%arg3 : memref<8x61440xf32, #tpu.memory_space<vmem>>) dst(%dma_wait3A_183 : memref<8x61440xf32, #tpu.memory_space<any>>)
    %dma_wait3A_184 = arith.constant 112 : i32
    %dma_wait3A_185 = arith.constant 4096 : i32
    %dma_wait3A_186 = tpu.memref_slice %arg1[%dma_wait3A_184, %dma_wait3A_185] : memref<128x65536xf32, #tpu.memory_space<any>> -> memref<8x61440xf32, #tpu.memory_space<any>>
    tpu.wait_dma2 semaphore(%arg9 : memref<!tpu.dma_semaphore, #tpu.memory_space<semaphore_mem>>) src(%arg4 : memref<8x61440xf32, #tpu.memory_space<vmem>>) dst(%dma_wait3A_186 : memref<8x61440xf32, #tpu.memory_space<any>>)
    %dma_wait3A_187 = arith.constant 120 : i32
    %dma_wait3A_188 = arith.constant 4096 : i32
    %dma_wait3A_189 = tpu.memref_slice %arg1[%dma_wait3A_187, %dma_wait3A_188] : memref<128x65536xf32, #tpu.memory_space<any>> -> memref<8x61440xf32, #tpu.memory_space<any>>
    tpu.wait_dma2 semaphore(%arg9 : memref<!tpu.dma_semaphore, #tpu.memory_space<semaphore_mem>>) src(%arg5 : memref<8x61440xf32, #tpu.memory_space<vmem>>) dst(%dma_wait3A_189 : memref<8x61440xf32, #tpu.memory_space<any>>)
    return
  }
}

</mosaic_0001>

<sc_bundles>
// kernel: kernel.5.cloned.1.call-start
scs
__scs_entry_jumppad:
0x0: {  	(pc) =	sbr.rel $0x88, $3  }
0x1: {  	(tag) =	ssettag $0x0;
	lr =	simm.s32 $0x1  }
0x2: {  	[smem:$0x3F9F] =	sst lr;
	_ =	strace $0xD0000000  }
0x3: {  	_ = 	snop  }
0x4: {  	_ = 	snop  }
0x5: {  	_ = 	snop  }
0x6: {  	_ = 	snop  }
0x7: {  	_ = 	snop  }
__scs_overlays_trampoline_lowered:
0x8: {  	[smem:$0x3FAE] =	sst s0  }
0x9: {  	[smem:$0x3FAF] =	sst s1  }
0xa: {  	[smem:$0x3FB0] =	sst s2  }
0xb: {  	[smem:$0x3FB1] =	sst s3  }
0xc: {  	[smem:$0x3FB2] =	sst s4  }
0xd: {  	[smem:$0x3FB3] =	sst s5  }
0xe: {  	[smem:$0x3FB4] =	sst s6  }
0xf: {  	[smem:$0x3FB5] =	sst s7  }
0x10: {  	[smem:$0x3FB6] =	sst s8  }
0x11: {  	[smem:$0x3FB7] =	sst s9;
	s0 =	simm.s32 @!p0 $0x0  }
0x12: {  	s1 =	sld [smem:$0x3F9D];
	s0 =	simm.s32 @p0 $0x1  }
0x13: {  	[smem:$0x3FB8] =	sst s0;
	s0 =	simm.s32 @!p1 $0x0  }
0x14: {  	s2 =	sld [smem:$0x3F9C];
	s0 =	simm.s32 @p1 $0x1  }
0x15: {  	[smem:$0x3FB9] =	sst s0;
	s0 =	simm.s32 @!p2 $0x0  }
0x16: {  	s3 =	sld [smem:$0x3FDB];
	s0 =	simm.s32 @p2 $0x1  }
0x17: {  	s4 =	simm.s32 $0x1BF5;
	[smem:$0x3FBB] =	sst s0  }
0x18: {  	s0 =	sld [smem:$0x3F9E];
	_ =	swait.ge [sflag:s4], $0x0  }
0x19: {  	s7 =	sld [smem:$0x3F9F]  }
0x1a: {  	s8 =	sadd.s32 $0xFFFFE003, lr  }
0x1b: {  	s9 =	sadd.s32 $0xFFFFFEF7, lr;
	s5 =	simm.s32 $0xFFFFFFFF;
	p2 =	slt.u32 s8, $0xFFFFF086  }
0x1c: {  	p1 =	slt.u32 s9, $0xF7A;
	s5 =	simm.s32 @!p2 $0x0  }
0x1d: {  	s5 =	simm.s32 @p1 $0x1;
	p0 =	seq.s32 s7, s2  }
0x1e: {  	s7 =	smul.u32 @!p0 $0xF7A, s2;
	p2 =	seq.s32 @!p0 s5, $0x0  }
0x1f: {  	s9 =	smul.u32 $0xF7A, s1;
	s8 =	simm.s32 @!p0 $0x1BF5;
	p2 =	por !p2, p0  }
0x20: {  	[sflag:s8] =	ssyncset.s32 @!p0 $0xFFFFF086;
	s6 =	sadd.s32 @!p0 s3, s7;
	s7 =	simm.s32 @!p0 $0x108  }
0x21: {  	s3 =	sadd.s32 s3, s9;
	s6 =	sadd.s32 @!p0 $0x88, s6;
	s7 =	simm.s32 @p2 $0x1082  }
0x22: {  	[simem:s7], [sflag:s8] =	dma.local @!p0 [hbm:s6], $0xF7A  }
0x23: {  	s9 =	sor.u32 $0xD0000000, s2;
	s6 =	simm.s32 $0x108;
	_ =	swait.ge @!p0 [sflag:s8], $0x0  }
0x24: {  	s3 =	sadd.s32 $0x88, s3;
	s6 =	simm.s32 @!p1 $0x1082;
	[sflag:s4] =	ssyncset.s32 $0xFFFFF086  }
0x25: {  	[simem:s6], [sflag:s4] =	dma.local [hbm:s3], $0xF7A  }
0x26: {  	[smem:$0x3F9F] =	sst s1;
	(tag) =	ssettag s2;
	_ =	strace s9  }
0x27: {  	s1 =	sld [smem:$0x3FAF]  }
0x28: {  	s2 =	sld [smem:$0x3FB0]  }
0x29: {  	s4 =	sld [smem:$0x3FB2]  }
0x2a: {  	p0 =	seq.s32 s5, $0x0;
	s5 =	sld [smem:$0x3FB3]  }
0x2b: {  	s6 =	sld [smem:$0x3FB4]  }
0x2c: {  	s7 =	sld [smem:$0x3FB5]  }
0x2d: {  	s3 =	simm.s32 $0x108;
	s8 =	sld [smem:$0x3FB6]  }
0x2e: {  	s3 =	simm.s32 @!p0 $0x1082;
	s9 =	sld [smem:$0x3FB7]  }
0x2f: {  	lr =	sadd.s32 s0, s3;
	s0 =	sld [smem:$0x3FAE]  }
0x30: {  	s3 =	sld [smem:$0x3FB1]  }
0x31: {  	[smem:$0x3FBA] =	sst s10  }
0x32: {  	s10 =	sld [smem:$0x3FB8];
	_ =	sdelay $0x3  }
0x33: {  	p0 =	seq.s32 s10, $0x1;
	s10 =	sld [smem:$0x3FBA];
	_ =	sdelay $0x3  }
0x34: {  	[smem:$0x3FBA] =	sst s10  }
0x35: {  	s10 =	sld [smem:$0x3FB9];
	_ =	sdelay $0x3  }
0x36: {  	p1 =	seq.s32 s10, $0x1;
	s10 =	sld [smem:$0x3FBA];
	_ =	sdelay $0x3  }
0x37: {  	[smem:$0x3FBA] =	sst s10  }
0x38: {  	s10 =	sld [smem:$0x3FBB]  }
0x39: {  	_ = 	snop;
	(pc) =	sbr.ind lr, $3  }
0x3a: {  	_ = 	snop  }
0x3b: {  	_ = 	snop  }
0x3c: {  	p2 =	seq.s32 s10, $0x1;
	s10 =	sld [smem:$0x3FBA]  }
0x3d: {  	_ =	shalt  }
0x3e: {  	_ =	shalt  }
0x3f: {  	_ =	shalt  }
0x40: {  	_ =	shalt  }
0x41: {  	_ =	shalt  }
0x42: {  	_ =	shalt  }
0x43: {  	_ =	shalt  }
0x44: {  	_ =	shalt  }
0x45: {  	_ =	shalt  }
0x46: {  	_ =	shalt  }
0x47: {  	_ =	shalt  }
0x48: {  	_ =	shalt  }
0x49: {  	_ =	shalt  }
0x4a: {  	_ =	shalt  }
0x4b: {  	_ =	shalt  }
0x4c: {  	_ =	shalt  }
0x4d: {  	_ =	shalt  }
0x4e: {  	_ =	shalt  }
0x4f: {  	_ =	shalt  }
0x50: {  	_ =	shalt  }
0x51: {  	_ =	shalt  }
0x52: {  	_ =	shalt  }
0x53: {  	_ =	shalt  }
0x54: {  	_ =	shalt  }
0x55: {  	_ =	shalt  }
0x56: {  	_ =	shalt  }
0x57: {  	_ =	shalt  }
0x58: {  	_ =	shalt  }
0x59: {  	_ =	shalt  }
0x5a: {  	_ =	shalt  }
0x5b: {  	_ =	shalt  }
0x5c: {  	_ =	shalt  }
0x5d: {  	_ =	shalt  }
0x5e: {  	_ =	shalt  }
0x5f: {  	_ =	shalt  }
0x60: {  	_ =	shalt  }
0x61: {  	_ =	shalt  }
0x62: {  	_ =	shalt  }
0x63: {  	_ =	shalt  }
0x64: {  	_ =	shalt  }
0x65: {  	_ =	shalt  }
0x66: {  	_ =	shalt  }
0x67: {  	_ =	shalt  }
0x68: {  	_ =	shalt  }
0x69: {  	_ =	shalt  }
0x6a: {  	_ =	shalt  }
0x6b: {  	_ =	shalt  }
0x6c: {  	_ =	shalt  }
0x6d: {  	_ =	shalt  }
0x6e: {  	_ =	shalt  }
0x6f: {  	_ =	shalt  }
0x70: {  	_ =	shalt  }
0x71: {  	_ =	shalt  }
0x72: {  	_ =	shalt  }
0x73: {  	_ =	shalt  }
0x74: {  	_ =	shalt  }
0x75: {  	_ =	shalt  }
0x76: {  	_ =	shalt  }
0x77: {  	_ =	shalt  }
0x78: {  	_ =	shalt  }
0x79: {  	_ =	shalt  }
0x7a: {  	_ =	shalt  }
0x7b: {  	_ =	shalt  }
0x7c: {  	_ =	shalt  }
0x7d: {  	_ =	shalt  }
0x7e: {  	_ =	shalt  }
0x7f: {  	_ =	shalt  }
0x80: {  	_ =	shalt  }
0x81: {  	_ =	shalt  }
0x82: {  	_ =	shalt  }
0x83: {  	_ =	shalt  }
0x84: {  	_ =	shalt  }
0x85: {  	_ =	shalt  }
0x86: {  	_ =	shalt  }
0x87: {  	_ =	shalt  }
.Lfunc_end0:
.L_simem_size_0:
called_computation_lowered:
.L_overlay_start_0:
0x88: {  	s2 =	sld [smem:$0x3FD9]  }
0x89: {  	s3 =	sld [smem:$0x3FFE];
	_ =	sdelay $0x1  }
0x8a: {  	s1 =	srdreg.scid  }
0x8b: {  	s0 =	sand.u32 $0x1, s1  }
0x8c: {  	s17 =	sshll.u32 s0, $0xA;
	s2 =	sadd.s32 s3, s2  }
0x8d: {  	s2 =	sadd.s32 s2, s17  }
0x8e: {  	[smem:$0x3FC6] =	sst s2  }
0x8f: {  	_ = 	snop  }
0x90: {  	s2 =	sld [smem:$0x3FC9];
	(tm) =	ssettm $0x1  }
0x91: {  	s18 =	sld [smem:$0x3FFB];
	_ =	sdelay $0x3  }
0x92: {  	_ =	strace s18  }
0x93: {  	s3 =	sld [smem:$0x3FFC];
	_ =	sdelay $0x3  }
0x94: {  	_ =	strace s3  }
0x95: {  	s3 =	sld [smem:$0x3FFD];
	_ =	sdelay $0x3  }
0x96: {  	_ =	strace s3  }
0x97: {  	_ =	strace $0x8FFFFFFF  }
0x98: {  	s19 =	sld [smem:$0x3FDB];
	_ =	sdelay $0x1  }
0x99: {  	s4 =	simm.s32 $_scs_section_size  }
0x9a: {  	s5 =	simm.s32 $_size__tile_overlayer_lowered;
	s6 =	simm.s32 $_tile_overlayer_lowered  }
0x9b: {  	s22 =	simm.s32 $0x1BFF;
	s21 =	sshll.u32 s6, $0x1;
	s3 =	sadd.s32 s4, s19  }
0x9c: {  	s7 =	simm.s32 $0x0;
	s20 =	sshll.u32 s5, $0x1;
	s5 =	sadd.s32 s21, s3  }
0x9d: {  	[timem:s7], [sflag:s22] =	dma.local [hbm:s5], s20  }
0x9e: {  	_ =	swait.ge [sflag:s22], s20  }
0x9f: {  	s4 =	ssub.s32 $0x0, s20;
	[sflag:s22] =	ssyncset.done $0x0  }
0xa0: {  	[sflag:s22] =	ssyncadd.s32 s4;
	_ =	sdelay $0x1  }
0xa1: {  	s23 =	simm.s32 $0x1B8B  }
0xa2: {  	_ =	swait.ge [sflag:s23], $0x1  }
0xa3: {  	[sflag:s23] =	ssyncset.done $0x0  }
0xa4: {  	s25 =	simm.s32 $0x1B8E;
	s24 =	sld [smem:$0x3FFE];
	[sflag:s23] =	ssyncadd.s32 $0xFFFFFFFF  }
0xa5: {  	s26 =	simm.s32 $execute0_lowered;
	[smem:$0x3FD2] =	sst s25  }
0xa6: {  	s5 =	sshll.u32 s26, $0x1;
	_ =	strace $0x80000046;
	[dreg:$0x1] =	wrdreg $0xFFFFFFFF  }
0xa7: {  	s28 =	simm.s32 $_size_execute0_lowered;
	s3 =	sadd.s32 s3, s5;
	[dreg:$0x0] =	wrdreg $0x0  }
0xa8: {  	s5 =	sshll.u32 s28, $0x1;
	[dreg:$0x2] =	wrdreg s3  }
0xa9: {  	[dreg:$0x3] =	wrdreg s5  }
0xaa: {  	[dreg:$0x4] =	wrdreg $0xC0  }
0xab: {  	_ =	task [dreg:s7], $0x5FFFF  }
0xac: {  	[dreg:$0x1] =	wrdreg $0xFFFFFFFF  }
0xad: {  	[dreg:$0x0] =	wrdreg $0x60  }
0xae: {  	[dreg:$0x2] =	wrdreg s2  }
0xaf: {  	[dreg:$0x3] =	wrdreg s24  }
0xb0: {  	[dreg:$0x4] =	wrdreg $0x9  }
0xb1: {  	_ =	task.clear_ibuf [dreg:s7], $0x5FFFF;
	_ =	strace $0x90000046  }
0xb2: {  	s29 =	simm.s32 $0x9;
	_ =	strace $0x80000048  }
0xb3: {  	_ =	swait.ge [sflag:s29], $0x1  }
0xb4: {  	[sflag:s29] =	ssyncadd.s32 $0xFFFFFFFF  }
0xb5: {  	_ =	strace $0x90000048  }
0xb6: {  	_ =	sfence  }
0xb7: {  	s30 =	sld [smem:$0x0];
	_ =	sdelay $0x2  }
0xb8: {  	s31 =	sshll.u32 s1, $0xD;
	s1 =	sshrl.u32 s1, $0x2  }
0xb9: {  	s3 =	sand.u32 $0x4000, s31;
	s1 =	sadd.s32 s1, s30  }
0xba: {  	s0 =	sor.u32 s3, s0;
	s1 =	sshll.u32 s1, $0x11  }
0xbb: {  	s0 =	sor.u32 s1, s0  }
0xbc: {  	s0 =	sadd.s32 $0x8F2B, s0  }
0xbd: {  	[sflag:s0] =	ssyncadd.remote.s32 $0x1  }
0xbe: {  	_ =	sfence.sel $0xFFFF  }
0xbf: {  	[dreg:$0x0] =	wrdreg $0xFFFFFFFF;
	(pc) =	sbr.abs _section_cstart, $3  }
0xc0: {  	[dreg:$0x1] =	wrdreg $0xFFFFFFFF  }
0xc1: {  	_ =	task.clear_ibuf [dreg:s7], $0x2FFFF;
	_ =	strace $0x9FFFFFFF  }
0xc2: {  	(tm) =	ssettm $0x7FFFFFFF  }
0xc3: {  	_ =	shalt  }
tec
execute0_lowered:
.L_overlay_start_1:
0x0: {  	(tag) =	ssettag $0x1  }
0x1: {  	vm0 =	vcmask $0x3F24;
	vm1 =	vcmask $0x1F04  }
0x2: {  	v0 =	vimm.s32 $0x0;
	vm11 =	vcmask $0x300;
	vm10 =	vcmask $0x704  }
0x3: {  	vm2 =	vcmask $0x1B00;
	vm9 =	vcmask $0xB08;
	vm8 =	vcmask $0xF0C  }
0x4: {  	vm3 =	vcmask $0x173C;
	vm4 =	vcmask $0x1338;
	vm5 =	vcmask $0xF34  }
0x5: {  	vm6 =	vcmask $0xB30;
	vm7 =	vcmask $0x72C;
	vm12 =	vcmask $0x328  }
0x6: {  	v2 =	vimm.s32 $0x80;
	v3 =	vimm.s32 $0x100;
	v4 =	vimm.s32 $0x180  }
0x7: {  	v5 =	vimm.s32 $0x200;
	v6 =	vimm.s32 $0x280;
	v7 =	vimm.s32 $0x300  }
0x8: {  	vm14 =	vcmask $0x1714;
	vm15 =	vcmask $0x2320;
	v10 =	vimm.s32 $0xFEDCBA9  }
0x9: {  	v24 =	vimm.s32 $0xCBA98765;
	v26 =	vimm.s32 $0x6543210F;
	v27 =	vimm.s32 $0xEDCBA987  }
0xa: {  	v28 =	vimm.s32 $0xFEDCBA98;
	v29 =	vimm.s32 $0x76543210;
	vm0 =	vmor vm1, vm0  }
0xb: {  	vm1 =	vcmask $0x3B20;
	v1 =	vsel vm11, $0x80, v0;
	v2 =	vsel vm11, $0x100, v2  }
0xc: {  	v3 =	vsel vm11, $0x180, v3;
	v4 =	vsel vm11, $0x200, v4;
	v5 =	vsel vm11, $0x280, v5  }
0xd: {  	v6 =	vsel vm11, $0x300, v6;
	v7 =	vsel vm11, $0x380, v7;
	v10 =	vunpack.c.l.s4.s8 v10  }
0xe: {  	v26 =	vunpack.c.l.s4.s8 v26;
	v27 =	vunpack.c.l.s4.s8 v27;
	v28 =	vunpack.c.l.s4.s8 v28  }
0xf: {  	v1 =	vsel vm10, $0x100, v1;
	vm1 =	vmor vm2, vm1;
	vm2 =	vcmask $0x371C  }
0x10: {  	v2 =	vsel vm10, $0x180, v2;
	v3 =	vsel vm10, $0x200, v3;
	v4 =	vsel vm10, $0x280, v4  }
0x11: {  	v5 =	vsel vm10, $0x300, v5;
	v6 =	vsel vm10, $0x380, v6;
	v7 =	vsel vm10, $0x0, v7  }
0x12: {  	v1 =	vsel vm9, $0x180, v1;
	vm2 =	vmor vm3, vm2;
	vm3 =	vcmask $0x3318  }
0x13: {  	v2 =	vsel vm9, $0x200, v2;
	v3 =	vsel vm9, $0x280, v3;
	v4 =	vsel vm9, $0x300, v4  }
0x14: {  	v5 =	vsel vm9, $0x380, v5;
	v6 =	vsel vm9, $0x0, v6;
	v7 =	vsel vm9, $0x80, v7  }
0x15: {  	v26 =	vunpack.c.0.s8.s32 v26;
	v27 =	vunpack.c.0.s8.s32 v27;
	v1 =	vsel vm8, $0x200, v1  }
0x16: {  	vm3 =	vmor vm4, vm3;
	vm4 =	vcmask $0x2F14;
	v2 =	vsel vm8, $0x280, v2  }
0x17: {  	v3 =	vsel vm8, $0x300, v3;
	vm4 =	vmor vm5, vm4;
	vm5 =	vcmask $0x2B10  }
0x18: {  	v4 =	vsel vm8, $0x380, v4;
	vm5 =	vmor vm6, vm5;
	vm6 =	vcmask $0x270C  }
0x19: {  	v5 =	vsel vm8, $0x0, v5;
	vm6 =	vmor vm7, vm6;
	vm7 =	vcmask $0x2308  }
0x1a: {  	v6 =	vsel vm8, $0x80, v6;
	vm7 =	vmor vm12, vm7;
	vm12 =	vcmask $0x1310  }
0x1b: {  	v7 =	vsel vm8, $0x100, v7;
	vm8 =	vcmask $0x1B18;
	v1 =	vsel vm12, $0x280, v1  }
0x1c: {  	v2 =	vsel vm12, $0x300, v2;
	v3 =	vsel vm12, $0x380, v3;
	v4 =	vsel vm12, $0x0, v4  }
0x1d: {  	v5 =	vsel vm12, $0x80, v5;
	v6 =	vsel vm12, $0x100, v6;
	v7 =	vsel vm12, $0x180, v7  }
0x1e: {  	v1 =	vsel vm14, $0x300, v1;
	v2 =	vsel vm14, $0x380, v2;
	v3 =	vsel vm14, $0x0, v3  }
0x1f: {  	v4 =	vsel vm14, $0x80, v4;
	v5 =	vsel vm14, $0x100, v5;
	v6 =	vsel vm14, $0x180, v6  }
0x20: {  	v7 =	vsel vm14, $0x200, v7;
	v1 =	vsel vm8, $0x380, v1;
	v2 =	vsel vm8, $0x0, v2  }
0x21: {  	v3 =	vsel vm8, $0x80, v3;
	v4 =	vsel vm8, $0x100, v4;
	v5 =	vsel vm8, $0x180, v5  }
0x22: {  	v6 =	vsel vm8, $0x200, v6;
	v7 =	vsel vm8, $0x280, v7;
	vm8 =	vcmask $0x2724  }
0x23: {  	v1 =	vsel vm15, $0x80, v1;
	v2 =	vsel vm15, $0x100, v2;
	v3 =	vsel vm15, $0x180, v3  }
0x24: {  	v4 =	vsel vm15, $0x200, v4;
	v5 =	vsel vm15, $0x280, v5;
	v6 =	vsel vm15, $0x300, v6  }
0x25: {  	v7 =	vsel vm15, $0x380, v7;
	v8 =	vsel vm8, $0x100, v1;
	v2 =	vsel vm8, $0x180, v2  }
0x26: {  	v3 =	vsel vm8, $0x200, v3;
	v4 =	vsel vm8, $0x280, v4;
	v5 =	vsel vm8, $0x300, v5  }
0x27: {  	v6 =	vsel vm8, $0x380, v6;
	v7 =	vsel vm8, $0x0, v7;
	vm8 =	vcmask $0x2B28  }
0x28: {  	v28 =	vunpack.c.0.s8.s32 v28;
	v8 =	vsel vm8, $0x180, v8;
	v2 =	vsel vm8, $0x200, v2  }
0x29: {  	v3 =	vsel vm8, $0x280, v3;
	v4 =	vsel vm8, $0x300, v4;
	v5 =	vsel vm8, $0x380, v5  }
0x2a: {  	v6 =	vsel vm8, $0x0, v6;
	v7 =	vsel vm8, $0x80, v7;
	vm8 =	vcmask $0x2F2C  }
0x2b: {  	v32 =	vcombine.low v27, v26;
	v8 =	vsel vm8, $0x200, v8;
	v2 =	vsel vm8, $0x280, v2  }
0x2c: {  	v3 =	vsel vm8, $0x300, v3;
	v4 =	vsel vm8, $0x380, v4;
	v5 =	vsel vm8, $0x0, v5  }
0x2d: {  	v6 =	vsel vm8, $0x80, v6;
	v7 =	vsel vm8, $0x100, v7;
	vm8 =	vcmask $0x3330  }
0x2e: {  	v1 =	vlaneseq.u32;
	v8 =	vsel vm8, $0x280, v8;
	v2 =	vsel vm8, $0x300, v2  }
0x2f: {  	v3 =	vsel vm8, $0x380, v3;
	v4 =	vsel vm8, $0x0, v4;
	v5 =	vsel vm8, $0x80, v5  }
0x30: {  	v6 =	vsel vm8, $0x100, v6;
	v7 =	vsel vm8, $0x180, v7;
	vm8 =	vcmask $0x3734  }
0x31: {  	v9 =	vand.u32 $0x7, v1;
	v8 =	vsel vm8, $0x300, v8;
	v11 =	vsel vm8, $0x380, v2  }
0x32: {  	v12 =	vsel vm8, $0x0, v3;
	v13 =	vsel vm8, $0x80, v4;
	v14 =	vsel vm8, $0x100, v5  }
0x33: {  	v15 =	vsel vm8, $0x180, v6;
	v16 =	vsel vm8, $0x200, v7;
	vm8 =	vcmask $0x3B38  }
0x34: {  	v28 =	vand.u32 $0xF, v28;
	v9 =	vmul.u32 $0x80, v9;
	v2 =	vsel vm8, $0x380, v8  }
0x35: {  	v3 =	vsel vm8, $0x0, v11;
	v4 =	vsel vm8, $0x80, v12;
	v5 =	vsel vm8, $0x100, v13  }
0x36: {  	v6 =	vsel vm8, $0x180, v14;
	v7 =	vsel vm8, $0x200, v15;
	v8 =	vsel vm8, $0x280, v16  }
0x37: {  	v11 =	vimm.s32 $0x87654321;
	v16 =	vunpack.c.0.s8.s32 v10;
	v12 =	vimm.s32 $0x98765432  }
0x38: {  	v13 =	vimm.s32 $0x210FEDCB;
	v10 =	vunpack.c.l.s4.s8 v11;
	v11 =	vimm.s32 $0x10FEDCBA  }
0x39: {  	v14 =	vimm.s32 $0xA9876543;
	v12 =	vunpack.c.l.s4.s8 v12;
	v11 =	vunpack.c.l.s4.s8 v11  }
0x3a: {  	v13 =	vunpack.c.l.s4.s8 v13;
	v17 =	vunpack.c.0.s8.s32 v10;
	v10 =	vunpack.c.l.s4.s8 v14  }
0x3b: {  	v19 =	vunpack.c.0.s8.s32 v12;
	v18 =	vunpack.c.0.s8.s32 v11;
	v11 =	vimm.s32 $0x3210FEDC  }
0x3c: {  	v20 =	vunpack.c.0.s8.s32 v13;
	v21 =	vunpack.c.0.s8.s32 v10;
	v10 =	vunpack.c.l.s4.s8 v11  }
0x3d: {  	s0 =	rddreg [dreg:$0x0];
	v11 =	vimm.s32 $0xBA987654;
	v12 =	vcombine.low v17, v16;
	v63 =	vcombine.low v16, v17  }
0x3e: {  	s1 =	rddreg [dreg:$0x1];
	s2 =	srdreg.scid;
	v17 =	vand.u32 $0xF, v32;
	v13 =	vcombine.low v19, v18;
	v11 =	vunpack.c.l.s4.s8 v11  }
0x3f: {  	s4 =	stileid.u32;
	s21 =	simm.s32 $0x1;
	s22 =	simm.s32 $0x4000;
	v19 =	vcombine.low v18, v19;
	v14 =	vcombine.low v21, v20;
	v22 =	vunpack.c.0.s8.s32 v10  }
0x40: {  	s24 =	simm.s32 $0x7000;
	s25 =	simm.s32 $0x7400;
	s26 =	simm.s32 $0x7800;
	v10 =	vimm.s32 $0x43210FED;
	v20 =	vcombine.low v20, v21;
	v23 =	vunpack.c.0.s8.s32 v11  }
0x41: {  	s28 =	simm.s32 $0x7C00;
	s29 =	simm.s32 $0x2;
	s30 =	simm.s32 $0x0;
	v15 =	vunpack.c.l.s4.s8 v10;
	v11 =	vand.u32 $0xF, v13;
	v13 =	vunpack.c.l.s4.s8 v24  }
0x42: {  	s3 =	sand.u32 $0x1, s2;
	s2 =	simm.s32 $0x0;
	s4 =	sshll.u32 s4, $0x8;
	v18 =	vand.u32 $0xF, v63;
	v10 =	vand.u32 $0xF, v12;
	v19 =	vand.u32 $0xF, v19  }
0x43: {  	s5 =	sshll.u32 s3, $0x7;
	[smem:$0x7FF] =	sst s2;
	s3 =	ssub.s32 $0x2, s3;
	v12 =	vand.u32 $0xF, v14;
	v24 =	vunpack.c.0.s8.s32 v15;
	v25 =	vunpack.c.0.s8.s32 v13  }
0x44: {  	s4 =	sor.u32 s5, s4;
	_ =	strace $0x80000047;
	s31 =	sshrl.u32 s3, $0x1;
	v13 =	vimm.s32 $0x543210FE;
	v15 =	vimm.s32 $0xDCBA9876;
	v21 =	vcombine.low v22, v23  }
0x45: {  	s1 =	sadd.s32 s4, s1;
	s20 =	ssub.s32 s3, s31;
	s4 =	sshll.u32 s4, $0x4;
	v20 =	vand.u32 $0xF, v20;
	v13 =	vunpack.c.l.s4.s8 v13;
	v15 =	vunpack.c.l.s4.s8 v15  }
0x46: {  	s3 =	sadd.s32 $0x600, s1;
	s4 =	sadd.s32 s0, s4;
	s5 =	sadd.s32 $0x1600, s1;
	v14 =	vcombine.low v23, v22;
	v22 =	vcombine.low v24, v25;
	v21 =	vand.u32 $0xF, v21  }
0x47: {  	s6 =	sadd.s32 $0x2600, s1;
	s7 =	sadd.s32 $0x3600, s1;
	s8 =	sadd.s32 $0x4600, s1;
	v30 =	vunpack.c.0.s8.s32 v13;
	v31 =	vunpack.c.0.s8.s32 v15;
	v15 =	vunpack.c.l.s4.s8 v29  }
0x48: {  	s9 =	sadd.s32 $0x5600, s1;
	s10 =	sadd.s32 $0x6600, s1;
	s11 =	sadd.s32 $0x7600, s1;
	v13 =	vand.u32 $0xF, v14;
	v14 =	vcombine.low v25, v24;
	v24 =	vcombine.low v26, v27  }
0x49: {  	s12 =	sadd.s32 $0x8600, s1;
	s13 =	sadd.s32 $0x9600, s1;
	s14 =	sadd.s32 $0xA600, s1;
	v15 =	vunpack.c.0.s8.s32 v15;
	v62 =	vcombine.low v31, v30;
	v23 =	vcombine.low v30, v31  }
0x4a: {  	s15 =	sadd.s32 $0xB600, s1;
	s16 =	sadd.s32 $0xC600, s1;
	s17 =	sadd.s32 $0xD600, s1;
	v22 =	vand.u32 $0xF, v22;
	v14 =	vand.u32 $0xF, v14;
	v24 =	vand.u32 $0xF, v24  }
0x4b: {  	s18 =	sadd.s32 $0xE600, s1;
	s19 =	sadd.s32 $0xF600, s1;
	s20 =	smax.u32 s20, $0x1;
	v15 =	vcombine.low v28, v15;
	v16 =	vand.u32 $0xF, v62;
	v23 =	vand.u32 $0xF, v23  }
.LBB2_1:
0x4c: {  	s0 =	sand.u32 $0x70, s2  }
0x4d: {  	v25 =	vor.u32 s0, v1;
	v27 =	vmov s0  }
0x4e: {  	v26 =	vshll.u32 v25, $0x7;
	vm8 =	veq.s32 v27, v1  }
0x4f: {  	v28 =	vor.u32 v25, v26;
	vm8 =	vmand vm8, vm0  }
0x50: {  	[tilespmem:s2], [sflag:$0x1] =	stream.linear.gather [hbm4b:s4+s2], $0x4000, $0x38;
	v29 =	vshrl.u32 v25, $0x3;
	v30 =	vsel vm8, $0xFFFFFFFF, v0;
	[tilespmem:$0x8000] =	vst v63  }
0x51: {  	_ =	swait.ge [sflag:s21], $0x4000;
	v29 =	vadd.s32 v30, v29  }
0x52: {  	[sflag:s21] =	ssyncset.done $0x0;
	v29 =	vshll.u32 v29, $0xA  }
0x53: {  	[sflag:s21] =	ssyncadd.s32 $0xFFFFC000;
	v29 =	vor.u32 v25, v29  }
0x54: {  	vm8 =	veq.s32 v27, v10;
	v30 =	vor.u32 s0, v10;
	v28 =	vld.idx.msk [tilespmem:v28+s2+$0x0], $0xffff;
	v29 =	vor.u32 v9, v29  }
0x55: {  	vm8 =	vmand vm8, vm1;
	v31 =	vor.u32 v30, v26  }
0x56: {  	v30 =	vshrl.u32 v30, $0x3;
	v32 =	vsel vm8, $0xFFFFFFFF, v0  }
0x57: {  	v30 =	vadd.s32 v32, v30  }
0x58: {  	v30 =	vshll.u32 v30, $0xA  }
0x59: {  	[tilespmem:v29+s22+$0x0] =	vst.idx.msk $0xffff, v28;
	v28 =	vor.u32 v25, v30  }
0x5a: {  	vm8 =	veq.s32 v27, v11;
	v30 =	vor.u32 s0, v11;
	v29 =	vld.idx.msk [tilespmem:v31+s2+$0x0], $0xffff;
	v28 =	vor.u32 v2, v28  }
0x5b: {  	vm8 =	vmand vm8, vm2;
	v31 =	vor.u32 v30, v26  }
0x5c: {  	v51 =	vsel vm8, $0xFFFFFFFF, v0;
	v30 =	vshrl.u32 v30, $0x3  }
0x5d: {  	v30 =	vadd.s32 v51, v30  }
0x5e: {  	v30 =	vshll.u32 v30, $0xA  }
0x5f: {  	[tilespmem:v28+s22+$0x0] =	vst.idx.msk $0xffff, v29;
	v28 =	vor.u32 v25, v30  }
0x60: {  	vm8 =	veq.s32 v27, v12;
	v30 =	vor.u32 s0, v12;
	v29 =	vld.idx.msk [tilespmem:v31+s2+$0x0], $0xffff;
	v28 =	vor.u32 v3, v28  }
0x61: {  	vm8 =	vmand vm8, vm3;
	v31 =	vor.u32 v30, v26  }
0x62: {  	v52 =	vsel vm8, $0xFFFFFFFF, v0;
	v30 =	vshrl.u32 v30, $0x3  }
0x63: {  	v30 =	vadd.s32 v52, v30  }
0x64: {  	v30 =	vshll.u32 v30, $0xA  }
0x65: {  	[tilespmem:v28+s22+$0x0] =	vst.idx.msk $0xffff, v29;
	v28 =	vor.u32 v25, v30  }
0x66: {  	vm8 =	veq.s32 v27, v13;
	v30 =	vor.u32 s0, v13;
	v29 =	vld.idx.msk [tilespmem:v31+s2+$0x0], $0xffff;
	v28 =	vor.u32 v4, v28  }
0x67: {  	vm8 =	vmand vm8, vm4;
	v31 =	vor.u32 v30, v26  }
0x68: {  	v53 =	vsel vm8, $0xFFFFFFFF, v0;
	v30 =	vshrl.u32 v30, $0x3  }
0x69: {  	v30 =	vadd.s32 v53, v30  }
0x6a: {  	v30 =	vshll.u32 v30, $0xA  }
0x6b: {  	[tilespmem:v28+s22+$0x0] =	vst.idx.msk $0xffff, v29;
	v28 =	vor.u32 v25, v30  }
0x6c: {  	vm8 =	veq.s32 v27, v14;
	v30 =	vor.u32 s0, v14;
	v29 =	vld.idx.msk [tilespmem:v31+s2+$0x0], $0xffff;
	v28 =	vor.u32 v5, v28  }
0x6d: {  	vm8 =	vmand vm8, vm5;
	v31 =	vor.u32 v30, v26  }
0x6e: {  	v54 =	vsel vm8, $0xFFFFFFFF, v0;
	v30 =	vshrl.u32 v30, $0x3  }
0x6f: {  	v30 =	vadd.s32 v54, v30  }
0x70: {  	v30 =	vshll.u32 v30, $0xA  }
0x71: {  	[tilespmem:v28+s22+$0x0] =	vst.idx.msk $0xffff, v29;
	v28 =	vor.u32 v25, v30  }
0x72: {  	vm8 =	veq.s32 v27, v16;
	v30 =	vor.u32 s0, v16;
	v29 =	vld.idx.msk [tilespmem:v31+s2+$0x0], $0xffff;
	v28 =	vor.u32 v6, v28  }
0x73: {  	vm8 =	vmand vm8, vm6;
	v31 =	vor.u32 v30, v26  }
0x74: {  	v55 =	vsel vm8, $0xFFFFFFFF, v0;
	v30 =	vshrl.u32 v30, $0x3  }
0x75: {  	v30 =	vadd.s32 v55, v30  }
0x76: {  	v30 =	vshll.u32 v30, $0xA  }
0x77: {  	[tilespmem:v28+s22+$0x0] =	vst.idx.msk $0xffff, v29;
	v28 =	vor.u32 v25, v30  }
0x78: {  	vm8 =	veq.s32 v27, v17;
	v30 =	vor.u32 s0, v17;
	v29 =	vld.idx.msk [tilespmem:v31+s2+$0x0], $0xffff;
	v28 =	vor.u32 v7, v28  }
0x79: {  	vm8 =	vmand vm8, vm7;
	v31 =	vor.u32 v30, v26  }
0x7a: {  	v56 =	vsel vm8, $0xFFFFFFFF, v0;
	v30 =	vshrl.u32 v30, $0x3  }
0x7b: {  	v30 =	vadd.s32 v56, v30  }
0x7c: {  	v30 =	vshll.u32 v30, $0xA  }
0x7d: {  	[tilespmem:v28+s22+$0x0] =	vst.idx.msk $0xffff, v29;
	v28 =	vor.u32 v25, v30  }
0x7e: {  	vm8 =	veq.s32 v27, v15;
	v30 =	vor.u32 s0, v15;
	v29 =	vld.idx.msk [tilespmem:v31+s2+$0x0], $0xffff;
	v28 =	vor.u32 v8, v28  }
0x7f: {  	vm8 =	vmand vm8, vm0;
	v31 =	vor.u32 v30, v26  }
0x80: {  	v57 =	vsel vm8, $0xFFFFFFFF, v0;
	v30 =	vshrl.u32 v30, $0x3  }
0x81: {  	v30 =	vadd.s32 v57, v30  }
0x82: {  	v30 =	vshll.u32 v30, $0xA  }
0x83: {  	[tilespmem:v28+s22+$0x0] =	vst.idx.msk $0xffff, v29;
	v28 =	vor.u32 v25, v30  }
0x84: {  	vm8 =	veq.s32 v27, v18;
	v30 =	vor.u32 s0, v18;
	v29 =	vld.idx.msk [tilespmem:v31+s2+$0x0], $0xffff;
	v28 =	vor.u32 v9, v28  }
0x85: {  	vm8 =	vmand vm8, vm1;
	v31 =	vor.u32 v30, v26  }
0x86: {  	v58 =	vsel vm8, $0xFFFFFFFF, v0;
	v30 =	vshrl.u32 v30, $0x3  }
0x87: {  	v30 =	vadd.s32 v58, v30  }
0x88: {  	v30 =	vshll.u32 v30, $0xA  }
0x89: {  	[tilespmem:v28+s22+$0x0] =	vst.idx.msk $0xffff, v29;
	v28 =	vor.u32 v25, v30  }
0x8a: {  	vm8 =	veq.s32 v27, v19;
	v30 =	vor.u32 s0, v19;
	v29 =	vld.idx.msk [tilespmem:v31+s2+$0x0], $0xffff;
	v28 =	vor.u32 v2, v28  }
0x8b: {  	vm8 =	vmand vm8, vm2;
	v31 =	vor.u32 v30, v26  }
0x8c: {  	v59 =	vsel vm8, $0xFFFFFFFF, v0;
	v30 =	vshrl.u32 v30, $0x3  }
0x8d: {  	v30 =	vadd.s32 v59, v30  }
0x8e: {  	v30 =	vshll.u32 v30, $0xA  }
0x8f: {  	[tilespmem:v28+s22+$0x0] =	vst.idx.msk $0xffff, v29;
	v28 =	vor.u32 v25, v30  }
0x90: {  	vm8 =	veq.s32 v27, v20;
	v30 =	vor.u32 s0, v20;
	v29 =	vld.idx.msk [tilespmem:v31+s2+$0x0], $0xffff;
	v28 =	vor.u32 v3, v28  }
0x91: {  	vm8 =	vmand vm8, vm3;
	v31 =	vor.u32 v30, v26  }
0x92: {  	v60 =	vsel vm8, $0xFFFFFFFF, v0;
	v30 =	vshrl.u32 v30, $0x3  }
0x93: {  	v30 =	vadd.s32 v60, v30  }
0x94: {  	v30 =	vshll.u32 v30, $0xA  }
0x95: {  	[tilespmem:v28+s22+$0x0] =	vst.idx.msk $0xffff, v29;
	v28 =	vor.u32 v25, v30  }
0x96: {  	vm8 =	veq.s32 v27, v21;
	v30 =	vor.u32 s0, v21;
	v29 =	vld.idx.msk [tilespmem:v31+s2+$0x0], $0xffff;
	v28 =	vor.u32 v4, v28  }
0x97: {  	vm8 =	vmand vm8, vm4;
	v31 =	vor.u32 v30, v26  }
0x98: {  	v61 =	vsel vm8, $0xFFFFFFFF, v0;
	v30 =	vshrl.u32 v30, $0x3  }
0x99: {  	v30 =	vadd.s32 v61, v30  }
0x9a: {  	v30 =	vshll.u32 v30, $0xA  }
0x9b: {  	[tilespmem:v28+s22+$0x0] =	vst.idx.msk $0xffff, v29;
	v28 =	vor.u32 v25, v30  }
0x9c: {  	vm8 =	veq.s32 v27, v22;
	v30 =	vor.u32 s0, v22;
	v29 =	vld.idx.msk [tilespmem:v31+s2+$0x0], $0xffff;
	v28 =	vor.u32 v5, v28  }
0x9d: {  	vm8 =	vmand vm8, vm5;
	v31 =	vor.u32 v30, v26  }
0x9e: {  	v62 =	vsel vm8, $0xFFFFFFFF, v0;
	v30 =	vshrl.u32 v30, $0x3  }
0x9f: {  	v30 =	vadd.s32 v62, v30  }
0xa0: {  	v30 =	vshll.u32 v30, $0xA  }
0xa1: {  	[tilespmem:v28+s22+$0x0] =	vst.idx.msk $0xffff, v29;
	v28 =	vor.u32 v25, v30  }
0xa2: {  	vm8 =	veq.s32 v27, v23;
	v30 =	vor.u32 s0, v23;
	v29 =	vld.idx.msk [tilespmem:v31+s2+$0x0], $0xffff;
	v28 =	vor.u32 v6, v28  }
0xa3: {  	vm8 =	vmand vm8, vm6;
	v31 =	vor.u32 v30, v26  }
0xa4: {  	v63 =	vsel vm8, $0xFFFFFFFF, v0;
	v30 =	vshrl.u32 v30, $0x3  }
0xa5: {  	v30 =	vadd.s32 v63, v30  }
0xa6: {  	vm8 =	veq.s32 v27, v24;
	v30 =	vshll.u32 v30, $0xA  }
0xa7: {  	v27 =	vor.u32 s0, v24;
	vm8 =	vmand vm8, vm7;
	[tilespmem:v28+s22+$0x0] =	vst.idx.msk $0xffff, v29;
	v28 =	vor.u32 v25, v30  }
0xa8: {  	v29 =	vld.idx.msk [tilespmem:v31+s2+$0x0], $0xffff;
	v30 =	vor.u32 v7, v28;
	v28 =	vshrl.u32 v27, $0x3;
	v31 =	vsel vm8, $0xFFFFFFFF, v0  }
0xa9: {  	v31 =	vadd.s32 v31, v28;
	v28 =	vor.u32 v27, v26;
	_ =	sdelay $0x2  }
0xaa: {  	s1 =	simm.s32 $0x10;
	s0 =	simm.s32 $0x2  }
0xab: {  	s31 =	sand.u32 $0x70, s1;
	s1 =	simm.s32 $0x20;
	s23 =	sand.u32 $0x70, s0;
	[tilespmem:v30+s22+$0x0] =	vst.idx.msk $0xffff, v29;
	v29 =	vshll.u32 v31, $0xA  }
.LBB2_2:
0xac: {  	p0 =	sne.s32 s1, $0x3F0;
	v26 =	vmov s31;
	v28 =	vld.idx.msk [tilespmem:v28+s2+$0x0], $0xffff;
	v29 =	vor.u32 v25, v29;
	v25 =	vor.u32 s23, v1  }
0xad: {  	v30 =	vor.u32 s31, v1;
	v27 =	vshll.u32 v25, $0x7;
	v29 =	vor.u32 v8, v29  }
0xae: {  	vm8 =	veq.s32 v26, v1;
	v31 =	vor.u32 v30, v27  }
0xaf: {  	vm8 =	vmand vm8, vm0  }
0xb0: {  	v30 =	vshrl.u32 v30, $0x3;
	v32 =	vsel vm8, $0xFFFFFFFF, v0  }
0xb1: {  	v30 =	vadd.s32 v32, v30  }
0xb2: {  	v30 =	vshll.u32 v30, $0xA;
	[tilespmem:v29+s22+$0x0] =	vst.idx.msk $0xffff, v28  }
0xb3: {  	v29 =	vor.u32 v25, v30;
	v28 =	vld.idx.msk [tilespmem:v31+s2+$0x0], $0xffff  }
0xb4: {  	v30 =	vor.u32 s31, v10;
	v29 =	vor.u32 v9, v29  }
0xb5: {  	vm8 =	veq.s32 v26, v10;
	v31 =	vor.u32 v30, v27  }
0xb6: {  	vm8 =	vmand vm8, vm1  }
0xb7: {  	v32 =	vsel vm8, $0xFFFFFFFF, v0;
	v30 =	vshrl.u32 v30, $0x3  }
0xb8: {  	v30 =	vadd.s32 v32, v30  }
0xb9: {  	[tilespmem:v29+s22+$0x0] =	vst.idx.msk $0xffff, v28;
	v28 =	vshll.u32 v30, $0xA  }
0xba: {  	v29 =	vld.idx.msk [tilespmem:v31+s2+$0x0], $0xffff;
	v28 =	vor.u32 v25, v28  }
0xbb: {  	v30 =	vor.u32 s31, v11;
	v28 =	vor.u32 v2, v28  }
0xbc: {  	vm8 =	veq.s32 v26, v11;
	v31 =	vor.u32 v30, v27  }
0xbd: {  	vm8 =	vmand vm8, vm2  }
0xbe: {  	v32 =	vsel vm8, $0xFFFFFFFF, v0;
	v30 =	vshrl.u32 v30, $0x3  }
0xbf: {  	v30 =	vadd.s32 v32, v30  }
0xc0: {  	[tilespmem:v28+s22+$0x0] =	vst.idx.msk $0xffff, v29;
	v28 =	vshll.u32 v30, $0xA  }
0xc1: {  	v29 =	vld.idx.msk [tilespmem:v31+s2+$0x0], $0xffff;
	v28 =	vor.u32 v25, v28  }
0xc2: {  	v30 =	vor.u32 s31, v12;
	v28 =	vor.u32 v3, v28  }
0xc3: {  	vm8 =	veq.s32 v26, v12;
	v31 =	vor.u32 v30, v27  }
0xc4: {  	vm8 =	vmand vm8, vm3  }
0xc5: {  	v32 =	vsel vm8, $0xFFFFFFFF, v0;
	v30 =	vshrl.u32 v30, $0x3  }
0xc6: {  	v30 =	vadd.s32 v32, v30  }
0xc7: {  	[tilespmem:v28+s22+$0x0] =	vst.idx.msk $0xffff, v29;
	v28 =	vshll.u32 v30, $0xA  }
0xc8: {  	v29 =	vld.idx.msk [tilespmem:v31+s2+$0x0], $0xffff;
	v28 =	vor.u32 v25, v28  }
0xc9: {  	v30 =	vor.u32 s31, v13;
	v28 =	vor.u32 v4, v28  }
0xca: {  	vm8 =	veq.s32 v26, v13;
	v31 =	vor.u32 v30, v27  }
0xcb: {  	vm8 =	vmand vm8, vm4  }
0xcc: {  	v32 =	vsel vm8, $0xFFFFFFFF, v0;
	v30 =	vshrl.u32 v30, $0x3  }
0xcd: {  	v30 =	vadd.s32 v32, v30  }
0xce: {  	[tilespmem:v28+s22+$0x0] =	vst.idx.msk $0xffff, v29;
	v28 =	vshll.u32 v30, $0xA  }
0xcf: {  	v29 =	vld.idx.msk [tilespmem:v31+s2+$0x0], $0xffff;
	v28 =	vor.u32 v25, v28  }
0xd0: {  	v30 =	vor.u32 s31, v14;
	v28 =	vor.u32 v5, v28  }
0xd1: {  	vm8 =	veq.s32 v26, v14;
	v31 =	vor.u32 v30, v27  }
0xd2: {  	vm8 =	vmand vm8, vm5  }
0xd3: {  	v32 =	vsel vm8, $0xFFFFFFFF, v0;
	v30 =	vshrl.u32 v30, $0x3  }
0xd4: {  	v30 =	vadd.s32 v32, v30  }
0xd5: {  	[tilespmem:v28+s22+$0x0] =	vst.idx.msk $0xffff, v29;
	v28 =	vshll.u32 v30, $0xA  }
0xd6: {  	v29 =	vld.idx.msk [tilespmem:v31+s2+$0x0], $0xffff;
	v28 =	vor.u32 v25, v28  }
0xd7: {  	v30 =	vor.u32 s31, v16;
	v28 =	vor.u32 v6, v28  }
0xd8: {  	vm8 =	veq.s32 v26, v16;
	v31 =	vor.u32 v30, v27  }
0xd9: {  	vm8 =	vmand vm8, vm6  }
0xda: {  	v32 =	vsel vm8, $0xFFFFFFFF, v0;
	v30 =	vshrl.u32 v30, $0x3  }
0xdb: {  	v30 =	vadd.s32 v32, v30  }
0xdc: {  	[tilespmem:v28+s22+$0x0] =	vst.idx.msk $0xffff, v29;
	v28 =	vshll.u32 v30, $0xA  }
0xdd: {  	v29 =	vld.idx.msk [tilespmem:v31+s2+$0x0], $0xffff;
	v28 =	vor.u32 v25, v28  }
0xde: {  	v30 =	vor.u32 s31, v17;
	v28 =	vor.u32 v7, v28  }
0xdf: {  	vm8 =	veq.s32 v26, v17;
	v31 =	vor.u32 v30, v27  }
0xe0: {  	vm8 =	vmand vm8, vm7  }
0xe1: {  	v32 =	vsel vm8, $0xFFFFFFFF, v0;
	v30 =	vshrl.u32 v30, $0x3  }
0xe2: {  	v30 =	vadd.s32 v32, v30  }
0xe3: {  	[tilespmem:v28+s22+$0x0] =	vst.idx.msk $0xffff, v29;
	v28 =	vshll.u32 v30, $0xA  }
0xe4: {  	v29 =	vld.idx.msk [tilespmem:v31+s2+$0x0], $0xffff;
	v28 =	vor.u32 v25, v28  }
0xe5: {  	v30 =	vor.u32 s31, v15;
	v28 =	vor.u32 v8, v28  }
0xe6: {  	vm8 =	veq.s32 v26, v15;
	v31 =	vor.u32 v30, v27  }
0xe7: {  	vm8 =	vmand vm8, vm0  }
0xe8: {  	v32 =	vsel vm8, $0xFFFFFFFF, v0;
	v30 =	vshrl.u32 v30, $0x3  }
0xe9: {  	v30 =	vadd.s32 v32, v30  }
0xea: {  	[tilespmem:v28+s22+$0x0] =	vst.idx.msk $0xffff, v29;
	v28 =	vshll.u32 v30, $0xA  }
0xeb: {  	v29 =	vld.idx.msk [tilespmem:v31+s2+$0x0], $0xffff;
	v28 =	vor.u32 v25, v28  }
0xec: {  	v30 =	vor.u32 s31, v18;
	v28 =	vor.u32 v9, v28  }
0xed: {  	vm8 =	veq.s32 v26, v18;
	v31 =	vor.u32 v30, v27  }
0xee: {  	vm8 =	vmand vm8, vm1  }
0xef: {  	v32 =	vsel vm8, $0xFFFFFFFF, v0;
	v30 =	vshrl.u32 v30, $0x3  }
0xf0: {  	v30 =	vadd.s32 v32, v30  }
0xf1: {  	[tilespmem:v28+s22+$0x0] =	vst.idx.msk $0xffff, v29;
	v28 =	vshll.u32 v30, $0xA  }
0xf2: {  	v29 =	vld.idx.msk [tilespmem:v31+s2+$0x0], $0xffff;
	v28 =	vor.u32 v25, v28  }
0xf3: {  	v30 =	vor.u32 s31, v19;
	v28 =	vor.u32 v2, v28  }
0xf4: {  	vm8 =	veq.s32 v26, v19;
	v31 =	vor.u32 v30, v27  }
0xf5: {  	vm8 =	vmand vm8, vm2  }
0xf6: {  	v32 =	vsel vm8, $0xFFFFFFFF, v0;
	v30 =	vshrl.u32 v30, $0x3  }
0xf7: {  	v30 =	vadd.s32 v32, v30  }
0xf8: {  	[tilespmem:v28+s22+$0x0] =	vst.idx.msk $0xffff, v29;
	v28 =	vshll.u32 v30, $0xA  }
0xf9: {  	v29 =	vld.idx.msk [tilespmem:v31+s2+$0x0], $0xffff;
	v28 =	vor.u32 v25, v28  }
0xfa: {  	v30 =	vor.u32 s31, v20;
	v28 =	vor.u32 v3, v28  }
0xfb: {  	vm8 =	veq.s32 v26, v20;
	v31 =	vor.u32 v30, v27  }
0xfc: {  	vm8 =	vmand vm8, vm3  }
0xfd: {  	v32 =	vsel vm8, $0xFFFFFFFF, v0;
	v30 =	vshrl.u32 v30, $0x3  }
0xfe: {  	v30 =	vadd.s32 v32, v30  }
0xff: {  	[tilespmem:v28+s22+$0x0] =	vst.idx.msk $0xffff, v29;
	v28 =	vshll.u32 v30, $0xA  }
0x100: {  	v29 =	vld.idx.msk [tilespmem:v31+s2+$0x0], $0xffff;
	v28 =	vor.u32 v25, v28  }
0x101: {  	v30 =	vor.u32 s31, v21;
	v28 =	vor.u32 v4, v28  }
0x102: {  	vm8 =	veq.s32 v26, v21;
	v31 =	vor.u32 v30, v27  }
0x103: {  	vm8 =	vmand vm8, vm4  }
0x104: {  	v32 =	vsel vm8, $0xFFFFFFFF, v0;
	v30 =	vshrl.u32 v30, $0x3  }
0x105: {  	v30 =	vadd.s32 v32, v30  }
0x106: {  	[tilespmem:v28+s22+$0x0] =	vst.idx.msk $0xffff, v29;
	v28 =	vshll.u32 v30, $0xA  }
0x107: {  	v29 =	vld.idx.msk [tilespmem:v31+s2+$0x0], $0xffff;
	v28 =	vor.u32 v25, v28  }
0x108: {  	v30 =	vor.u32 s31, v22;
	v28 =	vor.u32 v5, v28  }
0x109: {  	vm8 =	veq.s32 v26, v22;
	v31 =	vor.u32 v30, v27  }
0x10a: {  	vm8 =	vmand vm8, vm5  }
0x10b: {  	v32 =	vsel vm8, $0xFFFFFFFF, v0;
	v30 =	vshrl.u32 v30, $0x3  }
0x10c: {  	v30 =	vadd.s32 v32, v30  }
0x10d: {  	[tilespmem:v28+s22+$0x0] =	vst.idx.msk $0xffff, v29;
	v28 =	vshll.u32 v30, $0xA  }
0x10e: {  	v29 =	vld.idx.msk [tilespmem:v31+s2+$0x0], $0xffff;
	v28 =	vor.u32 v25, v28  }
0x10f: {  	v30 =	vor.u32 s31, v23;
	v28 =	vor.u32 v6, v28  }
0x110: {  	vm8 =	veq.s32 v26, v23;
	v31 =	vor.u32 v30, v27  }
0x111: {  	vm8 =	vmand vm8, vm6  }
0x112: {  	v32 =	vsel vm8, $0xFFFFFFFF, v0;
	v30 =	vshrl.u32 v30, $0x3  }
0x113: {  	v30 =	vadd.s32 v32, v30  }
0x114: {  	[tilespmem:v28+s22+$0x0] =	vst.idx.msk $0xffff, v29;
	v28 =	vshll.u32 v30, $0xA  }
0x115: {  	v29 =	vld.idx.msk [tilespmem:v31+s2+$0x0], $0xffff;
	v28 =	vor.u32 v25, v28  }
0x116: {  	v31 =	vor.u32 s31, v24;
	v30 =	vor.u32 v7, v28  }
.Ltmp0:
0x117: {  	vm8 =	veq.s32 v26, v24;
	v28 =	vor.u32 v31, v27;
	(pc) =	sbr.rel @p0 .LBB2_2-.Ltmp0, $4  }
0x118: {  	vm8 =	vmand vm8, vm7  }
0x119: {  	v26 =	vshrl.u32 v31, $0x3;
	v27 =	vsel vm8, $0xFFFFFFFF, v0  }
0x11a: {  	s0 =	sadd.s32 $0x2, s0;
	v26 =	vadd.s32 v27, v26  }
0x11b: {  	s23 =	sand.u32 $0x70, s0;
	s31 =	sand.u32 $0x70, s1;
	s1 =	sadd.s32 $0x10, s1;
	[tilespmem:v30+s22+$0x0] =	vst.idx.msk $0xffff, v29;
	v29 =	vshll.u32 v26, $0xA  }
0x11c: {  	_ =	sdelay $0x1  }
0x11d: {  	v26 =	vor.u32 s23, v1  }
0x11e: {  	v27 =	vmov s31;
	v29 =	vor.u32 v25, v29;
	v30 =	vor.u32 s31, v1  }
0x11f: {  	v28 =	vld.idx.msk [tilespmem:v28+s2+$0x0], $0xffff;
	v25 =	vshll.u32 v26, $0x7;
	v29 =	vor.u32 v8, v29;
	vm8 =	veq.s32 v27, v1  }
0x120: {  	v31 =	vor.u32 v30, v25;
	vm8 =	vmand vm8, vm0  }
0x121: {  	v30 =	vshrl.u32 v30, $0x3;
	v32 =	vsel vm8, $0xFFFFFFFF, v0  }
0x122: {  	v30 =	vadd.s32 v32, v30  }
0x123: {  	v30 =	vshll.u32 v30, $0xA  }
0x124: {  	[tilespmem:v29+s22+$0x0] =	vst.idx.msk $0xffff, v28;
	v60 =	vor.u32 v26, v30  }
0x125: {  	v61 =	vor.u32 s31, v10;
	vm8 =	veq.s32 v27, v10;
	v29 =	vld.idx.msk [tilespmem:v31+s2+$0x0], $0xffff;
	v28 =	vor.u32 v9, v60  }
0x126: {  	v62 =	vor.u32 v61, v25;
	vm8 =	vmand vm8, vm1  }
0x127: {  	v63 =	vsel vm8, $0xFFFFFFFF, v0;
	v30 =	vshrl.u32 v61, $0x3  }
0x128: {  	v30 =	vadd.s32 v63, v30  }
0x129: {  	v30 =	vshll.u32 v30, $0xA  }
0x12a: {  	v36 =	vor.u32 v26, v30;
	[tilespmem:v28+s22+$0x0] =	vst.idx.msk $0xffff, v29  }
0x12b: {  	v37 =	vor.u32 s31, v11;
	vm8 =	veq.s32 v27, v11;
	v28 =	vor.u32 v2, v36;
	v29 =	vld.idx.msk [tilespmem:v62+s2+$0x0], $0xffff  }
0x12c: {  	v38 =	vor.u32 v37, v25;
	vm8 =	vmand vm8, vm2  }
0x12d: {  	v39 =	vsel vm8, $0xFFFFFFFF, v0;
	v30 =	vshrl.u32 v37, $0x3  }
0x12e: {  	v30 =	vadd.s32 v39, v30  }
0x12f: {  	v30 =	vshll.u32 v30, $0xA  }
0x130: {  	v40 =	vor.u32 v26, v30;
	[tilespmem:v28+s22+$0x0] =	vst.idx.msk $0xffff, v29  }
0x131: {  	v41 =	vor.u32 s31, v12;
	vm8 =	veq.s32 v27, v12;
	v28 =	vor.u32 v3, v40;
	v29 =	vld.idx.msk [tilespmem:v38+s2+$0x0], $0xffff  }
0x132: {  	v42 =	vor.u32 v41, v25;
	vm8 =	vmand vm8, vm3  }
0x133: {  	v43 =	vsel vm8, $0xFFFFFFFF, v0;
	v30 =	vshrl.u32 v41, $0x3  }
0x134: {  	v30 =	vadd.s32 v43, v30  }
0x135: {  	v30 =	vshll.u32 v30, $0xA  }
0x136: {  	v44 =	vor.u32 v26, v30;
	[tilespmem:v28+s22+$0x0] =	vst.idx.msk $0xffff, v29  }
0x137: {  	v45 =	vor.u32 s31, v13;
	vm8 =	veq.s32 v27, v13;
	v28 =	vor.u32 v4, v44;
	v29 =	vld.idx.msk [tilespmem:v42+s2+$0x0], $0xffff  }
0x138: {  	v46 =	vor.u32 v45, v25;
	vm8 =	vmand vm8, vm4  }
0x139: {  	v47 =	vsel vm8, $0xFFFFFFFF, v0;
	v30 =	vshrl.u32 v45, $0x3  }
0x13a: {  	v30 =	vadd.s32 v47, v30  }
0x13b: {  	v30 =	vshll.u32 v30, $0xA  }
0x13c: {  	v48 =	vor.u32 v26, v30;
	[tilespmem:v28+s22+$0x0] =	vst.idx.msk $0xffff, v29  }
0x13d: {  	v49 =	vor.u32 s31, v14;
	vm8 =	veq.s32 v27, v14;
	v28 =	vor.u32 v5, v48;
	v29 =	vld.idx.msk [tilespmem:v46+s2+$0x0], $0xffff  }
0x13e: {  	v50 =	vor.u32 v49, v25;
	vm8 =	vmand vm8, vm5  }
0x13f: {  	v51 =	vsel vm8, $0xFFFFFFFF, v0;
	v30 =	vshrl.u32 v49, $0x3  }
0x140: {  	v30 =	vadd.s32 v51, v30  }
0x141: {  	v30 =	vshll.u32 v30, $0xA  }
0x142: {  	v52 =	vor.u32 v26, v30;
	[tilespmem:v28+s22+$0x0] =	vst.idx.msk $0xffff, v29  }
0x143: {  	v53 =	vor.u32 s31, v16;
	vm8 =	veq.s32 v27, v16;
	v28 =	vor.u32 v6, v52;
	v29 =	vld.idx.msk [tilespmem:v50+s2+$0x0], $0xffff  }
0x144: {  	v54 =	vor.u32 v53, v25;
	vm8 =	vmand vm8, vm6  }
0x145: {  	v55 =	vsel vm8, $0xFFFFFFFF, v0;
	v30 =	vshrl.u32 v53, $0x3  }
0x146: {  	v30 =	vadd.s32 v55, v30  }
0x147: {  	v30 =	vshll.u32 v30, $0xA  }
0x148: {  	v56 =	vor.u32 v26, v30;
	[tilespmem:v28+s22+$0x0] =	vst.idx.msk $0xffff, v29  }
0x149: {  	v57 =	vor.u32 s31, v17;
	vm8 =	veq.s32 v27, v17;
	v28 =	vor.u32 v7, v56;
	v29 =	vld.idx.msk [tilespmem:v54+s2+$0x0], $0xffff  }
0x14a: {  	v58 =	vor.u32 v57, v25;
	vm8 =	vmand vm8, vm7  }
0x14b: {  	v59 =	vsel vm8, $0xFFFFFFFF, v0;
	v30 =	vshrl.u32 v57, $0x3  }
0x14c: {  	v30 =	vadd.s32 v59, v30  }
0x14d: {  	v30 =	vshll.u32 v30, $0xA  }
0x14e: {  	v60 =	vor.u32 v26, v30;
	[tilespmem:v28+s22+$0x0] =	vst.idx.msk $0xffff, v29  }
0x14f: {  	v61 =	vor.u32 s31, v15;
	vm8 =	veq.s32 v27, v15;
	v28 =	vor.u32 v8, v60;
	v29 =	vld.idx.msk [tilespmem:v58+s2+$0x0], $0xffff  }
0x150: {  	v62 =	vor.u32 v61, v25;
	vm8 =	vmand vm8, vm0  }
0x151: {  	v63 =	vsel vm8, $0xFFFFFFFF, v0;
	v30 =	vshrl.u32 v61, $0x3  }
0x152: {  	v30 =	vadd.s32 v63, v30  }
0x153: {  	v30 =	vshll.u32 v30, $0xA  }
0x154: {  	v36 =	vor.u32 v26, v30;
	[tilespmem:v28+s22+$0x0] =	vst.idx.msk $0xffff, v29  }
0x155: {  	v37 =	vor.u32 s31, v18;
	vm8 =	veq.s32 v27, v18;
	v28 =	vor.u32 v9, v36;
	v29 =	vld.idx.msk [tilespmem:v62+s2+$0x0], $0xffff  }
0x156: {  	v38 =	vor.u32 v37, v25;
	vm8 =	vmand vm8, vm1  }
0x157: {  	v39 =	vsel vm8, $0xFFFFFFFF, v0;
	v30 =	vshrl.u32 v37, $0x3  }
0x158: {  	v30 =	vadd.s32 v39, v30  }
0x159: {  	v30 =	vshll.u32 v30, $0xA  }
0x15a: {  	v40 =	vor.u32 v26, v30;
	[tilespmem:v28+s22+$0x0] =	vst.idx.msk $0xffff, v29  }
0x15b: {  	v41 =	vor.u32 s31, v19;
	vm8 =	veq.s32 v27, v19;
	v28 =	vor.u32 v2, v40;
	v29 =	vld.idx.msk [tilespmem:v38+s2+$0x0], $0xffff  }
0x15c: {  	vm8 =	vmand vm8, vm2;
	v42 =	vor.u32 v41, v25  }
0x15d: {  	v43 =	vsel vm8, $0xFFFFFFFF, v0;
	v30 =	vshrl.u32 v41, $0x3  }
0x15e: {  	v30 =	vadd.s32 v43, v30  }
0x15f: {  	v30 =	vshll.u32 v30, $0xA  }
0x160: {  	v44 =	vor.u32 v26, v30;
	[tilespmem:v28+s22+$0x0] =	vst.idx.msk $0xffff, v29  }
0x161: {  	v45 =	vor.u32 s31, v20;
	vm8 =	veq.s32 v27, v20;
	v28 =	vor.u32 v3, v44;
	v29 =	vld.idx.msk [tilespmem:v42+s2+$0x0], $0xffff  }
0x162: {  	vm8 =	vmand vm8, vm3;
	v46 =	vor.u32 v45, v25  }
0x163: {  	v47 =	vsel vm8, $0xFFFFFFFF, v0;
	v30 =	vshrl.u32 v45, $0x3  }
0x164: {  	v30 =	vadd.s32 v47, v30  }
0x165: {  	v30 =	vshll.u32 v30, $0xA  }
0x166: {  	v48 =	vor.u32 v26, v30;
	[tilespmem:v28+s22+$0x0] =	vst.idx.msk $0xffff, v29  }
0x167: {  	v49 =	vor.u32 s31, v21;
	vm8 =	veq.s32 v27, v21;
	v28 =	vor.u32 v4, v48;
	v29 =	vld.idx.msk [tilespmem:v46+s2+$0x0], $0xffff  }
0x168: {  	vm8 =	vmand vm8, vm4;
	v50 =	vor.u32 v49, v25  }
0x169: {  	v51 =	vsel vm8, $0xFFFFFFFF, v0;
	v30 =	vshrl.u32 v49, $0x3  }
0x16a: {  	v30 =	vadd.s32 v51, v30  }
0x16b: {  	v30 =	vshll.u32 v30, $0xA  }
0x16c: {  	v52 =	vor.u32 v26, v30;
	[tilespmem:v28+s22+$0x0] =	vst.idx.msk $0xffff, v29  }
0x16d: {  	v53 =	vor.u32 s31, v22;
	vm8 =	veq.s32 v27, v22;
	v28 =	vor.u32 v5, v52;
	v29 =	vld.idx.msk [tilespmem:v50+s2+$0x0], $0xffff  }
0x16e: {  	vm8 =	vmand vm8, vm5;
	v54 =	vor.u32 v53, v25  }
0x16f: {  	v55 =	vsel vm8, $0xFFFFFFFF, v0;
	v30 =	vshrl.u32 v53, $0x3  }
0x170: {  	v30 =	vadd.s32 v55, v30  }
0x171: {  	v30 =	vshll.u32 v30, $0xA  }
0x172: {  	v56 =	vor.u32 v26, v30;
	[tilespmem:v28+s22+$0x0] =	vst.idx.msk $0xffff, v29  }
0x173: {  	v57 =	vor.u32 s31, v23;
	vm8 =	veq.s32 v27, v23;
	v28 =	vor.u32 v6, v56;
	v29 =	vld.idx.msk [tilespmem:v54+s2+$0x0], $0xffff  }
0x174: {  	vm8 =	vmand vm8, vm6;
	v58 =	vor.u32 v57, v25  }
0x175: {  	v59 =	vsel vm8, $0xFFFFFFFF, v0;
	v30 =	vshrl.u32 v57, $0x3  }
0x176: {  	v30 =	vadd.s32 v59, v30  }
0x177: {  	v30 =	vshll.u32 v30, $0xA  }
0x178: {  	v60 =	vor.u32 v26, v30;
	[tilespmem:v28+s22+$0x0] =	vst.idx.msk $0xffff, v29  }
0x179: {  	v61 =	vor.u32 s31, v24;
	vm8 =	veq.s32 v27, v24;
	v28 =	vor.u32 v7, v60;
	v62 =	vld.idx.msk [tilespmem:v58+s2+$0x0], $0xffff  }
0x17a: {  	vm8 =	vmand vm8, vm7;
	v25 =	vor.u32 v61, v25  }
0x17b: {  	v27 =	vshrl.u32 v61, $0x3;
	v63 =	vsel vm8, $0xFFFFFFFF, v0  }
0x17c: {  	v27 =	vadd.s32 v63, v27  }
0x17d: {  	v27 =	vshll.u32 v27, $0xA  }
0x17e: {  	v26 =	vor.u32 v26, v27;
	[tilespmem:v28+s22+$0x0] =	vst.idx.msk $0xffff, v62  }
0x17f: {  	v26 =	vor.u32 v8, v26;
	v25 =	vld.idx.msk [tilespmem:v25+s2+$0x0], $0xffff;
	_ =	sdelay $0x4  }
0x180: {  	[tilespmem:v26+s22+$0x0] =	vst.idx.msk $0xffff, v25  }
0x181: {  	[hbm4b:s3+s2] =	stream.linear.scatter [tilespmem:s22], [sflag:$0x2], $0x400, $0x38;
	[tilespmem:$0x8000] =	vst v63  }
0x182: {  	s0 =	simm.s32 $0x4400  }
0x183: {  	[hbm4b:s5+s2] =	stream.linear.scatter [tilespmem:s0], [sflag:$0x2], $0x400, $0x38;
	[tilespmem:$0x8000] =	vst v63  }
0x184: {  	s31 =	simm.s32 $0x4800  }
0x185: {  	[hbm4b:s6+s2] =	stream.linear.scatter [tilespmem:s31], [sflag:$0x2], $0x400, $0x38;
	[tilespmem:$0x8000] =	vst v63  }
0x186: {  	s1 =	simm.s32 $0x4C00  }
0x187: {  	[hbm4b:s7+s2] =	stream.linear.scatter [tilespmem:s1], [sflag:$0x2], $0x400, $0x38;
	[tilespmem:$0x8000] =	vst v63  }
0x188: {  	s23 =	simm.s32 $0x5000  }
0x189: {  	[hbm4b:s8+s2] =	stream.linear.scatter [tilespmem:s23], [sflag:$0x2], $0x400, $0x38;
	[tilespmem:$0x8000] =	vst v63  }
0x18a: {  	s31 =	simm.s32 $0x5400  }
0x18b: {  	[hbm4b:s9+s2] =	stream.linear.scatter [tilespmem:s31], [sflag:$0x2], $0x400, $0x38;
	[tilespmem:$0x8000] =	vst v63  }
0x18c: {  	s1 =	simm.s32 $0x5800  }
0x18d: {  	[hbm4b:s10+s2] =	stream.linear.scatter [tilespmem:s1], [sflag:$0x2], $0x400, $0x38;
	[tilespmem:$0x8000] =	vst v63  }
0x18e: {  	s23 =	simm.s32 $0x5C00  }
0x18f: {  	[hbm4b:s11+s2] =	stream.linear.scatter [tilespmem:s23], [sflag:$0x2], $0x400, $0x38;
	[tilespmem:$0x8000] =	vst v63  }
0x190: {  	s31 =	simm.s32 $0x6000  }
0x191: {  	[hbm4b:s12+s2] =	stream.linear.scatter [tilespmem:s31], [sflag:$0x2], $0x400, $0x38;
	[tilespmem:$0x8000] =	vst v63  }
0x192: {  	s1 =	simm.s32 $0x6400  }
0x193: {  	[hbm4b:s13+s2] =	stream.linear.scatter [tilespmem:s1], [sflag:$0x2], $0x400, $0x38;
	[tilespmem:$0x8000] =	vst v63  }
0x194: {  	s23 =	simm.s32 $0x6800  }
0x195: {  	[hbm4b:s14+s2] =	stream.linear.scatter [tilespmem:s23], [sflag:$0x2], $0x400, $0x38;
	[tilespmem:$0x8000] =	vst v63  }
0x196: {  	s31 =	simm.s32 $0x6C00  }
0x197: {  	[hbm4b:s15+s2] =	stream.linear.scatter [tilespmem:s31], [sflag:$0x2], $0x400, $0x38;
	[tilespmem:$0x8000] =	vst v63  }
0x198: {  	_ = 	snop  }
0x199: {  	[hbm4b:s16+s2] =	stream.linear.scatter [tilespmem:s24], [sflag:$0x2], $0x400, $0x38;
	[tilespmem:$0x8000] =	vst v63  }
0x19a: {  	_ = 	snop  }
0x19b: {  	[hbm4b:s17+s2] =	stream.linear.scatter [tilespmem:s25], [sflag:$0x2], $0x400, $0x38;
	[tilespmem:$0x8000] =	vst v63  }
0x19c: {  	_ = 	snop  }
0x19d: {  	[hbm4b:s18+s2] =	stream.linear.scatter [tilespmem:s26], [sflag:$0x2], $0x400, $0x38;
	[tilespmem:$0x8000] =	vst v63  }
0x19e: {  	_ = 	snop  }
0x19f: {  	[hbm4b:s19+s2] =	stream.linear.scatter [tilespmem:s28], [sflag:$0x2], $0x400, $0x38;
	[tilespmem:$0x8000] =	vst v63  }
0x1a0: {  	_ =	swait.ge [sflag:s29], $0x400  }
0x1a1: {  	[sflag:s29] =	ssyncset.done $0x0  }
0x1a2: {  	[sflag:s29] =	ssyncadd.s32 $0xFFFFFC00  }
0x1a3: {  	_ =	swait.ge [sflag:s29], $0x400  }
0x1a4: {  	[sflag:s29] =	ssyncset.done $0x0  }
0x1a5: {  	[sflag:s29] =	ssyncadd.s32 $0xFFFFFC00  }
0x1a6: {  	_ =	swait.ge [sflag:s29], $0x400  }
0x1a7: {  	[sflag:s29] =	ssyncset.done $0x0  }
0x1a8: {  	[sflag:s29] =	ssyncadd.s32 $0xFFFFFC00  }
0x1a9: {  	_ =	swait.ge [sflag:s29], $0x400  }
0x1aa: {  	[sflag:s29] =	ssyncset.done $0x0  }
0x1ab: {  	[sflag:s29] =	ssyncadd.s32 $0xFFFFFC00  }
0x1ac: {  	_ =	swait.ge [sflag:s29], $0x400  }
0x1ad: {  	[sflag:s29] =	ssyncset.done $0x0  }
0x1ae: {  	[sflag:s29] =	ssyncadd.s32 $0xFFFFFC00  }
0x1af: {  	_ =	swait.ge [sflag:s29], $0x400  }
0x1b0: {  	[sflag:s29] =	ssyncset.done $0x0  }
0x1b1: {  	[sflag:s29] =	ssyncadd.s32 $0xFFFFFC00  }
0x1b2: {  	_ =	swait.ge [sflag:s29], $0x400  }
0x1b3: {  	[sflag:s29] =	ssyncset.done $0x0  }
0x1b4: {  	[sflag:s29] =	ssyncadd.s32 $0xFFFFFC00  }
0x1b5: {  	_ =	swait.ge [sflag:s29], $0x400  }
0x1b6: {  	[sflag:s29] =	ssyncset.done $0x0  }
0x1b7: {  	[sflag:s29] =	ssyncadd.s32 $0xFFFFFC00  }
0x1b8: {  	_ =	swait.ge [sflag:s29], $0x400  }
0x1b9: {  	[sflag:s29] =	ssyncset.done $0x0  }
0x1ba: {  	[sflag:s29] =	ssyncadd.s32 $0xFFFFFC00  }
0x1bb: {  	_ =	swait.ge [sflag:s29], $0x400  }
0x1bc: {  	[sflag:s29] =	ssyncset.done $0x0  }
0x1bd: {  	[sflag:s29] =	ssyncadd.s32 $0xFFFFFC00  }
0x1be: {  	_ =	swait.ge [sflag:s29], $0x400  }
0x1bf: {  	[sflag:s29] =	ssyncset.done $0x0  }
0x1c0: {  	[sflag:s29] =	ssyncadd.s32 $0xFFFFFC00  }
0x1c1: {  	_ =	swait.ge [sflag:s29], $0x400  }
0x1c2: {  	[sflag:s29] =	ssyncset.done $0x0  }
0x1c3: {  	[sflag:s29] =	ssyncadd.s32 $0xFFFFFC00  }
0x1c4: {  	_ =	swait.ge [sflag:s29], $0x400  }
0x1c5: {  	[sflag:s29] =	ssyncset.done $0x0  }
0x1c6: {  	[sflag:s29] =	ssyncadd.s32 $0xFFFFFC00  }
0x1c7: {  	_ =	swait.ge [sflag:s29], $0x400  }
0x1c8: {  	[sflag:s29] =	ssyncset.done $0x0  }
0x1c9: {  	s30 =	sadd.s32 $0x1, s30;
	[sflag:s29] =	ssyncadd.s32 $0xFFFFFC00  }
0x1ca: {  	p0 =	sne.s32 s30, s20;
	_ =	swait.ge [sflag:s29], $0x400  }
.Ltmp1:
0x1cb: {  	[sflag:s29] =	ssyncset.done $0x0;
	(pc) =	sbr.rel @p0 .LBB2_1-.Ltmp1, $4  }
0x1cc: {  	[sflag:s29] =	ssyncadd.s32 $0xFFFFFC00  }
0x1cd: {  	_ =	swait.ge [sflag:s29], $0x400  }
0x1ce: {  	[sflag:s29] =	ssyncset.done $0x0  }
0x1cf: {  	[sflag:s29] =	ssyncadd.s32 $0xFFFFFC00  }
0x1d0: {  	_ =	sfence.sel $0x180000  }
0x1d1: {  	[bflag:$0x0] =	sbarrier.arrive $0xFFFF  }
0x1d2: {  	_ =	strace $0x90000047  }
0x1d3: {  	s0 =	stileid.u32;
	[bflag:$0x2] =	sbarrier.arrive $0xFFFF  }
0x1d4: {  	p0 =	sne.s32 s0, $0x0;
	s0 =	rddreg [dreg:$0x2]  }
0x1d5: {  	s0 =	sadd.s32 @!p0 $0x100000, s0  }
0x1d6: {  	[sflag:s0] =	ssyncadd.tile.s32 @!p0 $0x1;
	_ =	shalt  }
.Lfunc_end2:
_tile_overlayer_lowered:
.L_overlay_start_2:
0x1d7: {  	(tag) =	ssettag $0x2  }
0x1d8: {  	s0 =	rddreg [dreg:$0x0];
	s2 =	stileid.u32  }
0x1d9: {  	s1 =	rddreg [dreg:$0x1];
	p0 =	sne.s32 s2, $0x0  }
0x1da: {  	s3 =	rddreg [dreg:$0x2];
	[bflag:$0x3] =	sbarrier.arrive $0xFFFF;
	s2 =	simm.s32 @!p0 $0x1C03  }
0x1db: {  	[timem:s3], [sflag:s2] =	dma.local @!p0 [hbm:s0], s1  }
0x1dc: {  	s0 =	simm.s32 @!p0 $0x3  }
0x1dd: {  	_ =	swait.ge @!p0 [sflag:s0], s1  }
0x1de: {  	s1 =	ssub.s32 @!p0 $0x0, s1;
	[sflag:s0] =	ssyncset.done @!p0 $0x0  }
0x1df: {  	[sflag:s0] =	ssyncadd.s32 @!p0 s1  }
0x1e0: {  	[bflag:$0x3] =	sbarrier.arrive $0xFFFF  }
0x1e1: {  	_ =	shalt  }

</sc_bundles>
